<compile_context>
chip_gen: v7x
topology: tpu7x:2x2x1
jax: 0.10.2.dev20260603
libtpu: 0.0.44.dev20260713+nightly
codegen_flags: <defaults>
</compile_context>

<pallas_src>
import functools

import jax
import jax.numpy as jnp
from jax import lax
from jax.experimental import pallas as pl
from jax.experimental.pallas import tpu as pltpu
from jax.experimental.pallas import tpu_sc as plsc

_NUM_ROWS = 4096
_EMB = 64
_NUM_COLS = 3 * _EMB
_NC = 2
_NS = 16
_NW = _NC * _NS
_B = _NUM_ROWS // _NW
_NG = _B // 16


@functools.partial(
    pl.kernel,
    mesh=plsc.VectorSubcoreMesh(core_axis_name="c", subcore_axis_name="s"),
    out_type=jax.ShapeDtypeStruct((_NUM_ROWS, _NUM_COLS), jnp.float32),
    scratch_types=[
        pltpu.VMEM((_B,), jnp.int32),
        pltpu.VMEM((_B,), jnp.int32),
        pltpu.VMEM((_B,), jnp.int32),
        pltpu.VMEM((_B,), jnp.int32),
        pltpu.VMEM((_B, _EMB), jnp.float32),
        pltpu.VMEM((_B, _EMB), jnp.float32),
        pltpu.VMEM((_B, _EMB), jnp.float32),
        pltpu.VMEM((_B, _EMB), jnp.float32),
        pltpu.VMEM((_B, _NUM_COLS), jnp.float32),
        pltpu.SemaphoreType.DMA,
    ],
)
def _emb_kernel(heads_hbm, rels_hbm, tails_hbm, names_hbm, specials_hbm,
                hid_hbm, rid_hbm, tid_hbm, nid_hbm, out_hbm,
                hid_v, rid_v, tid_v, nid_v,
                h_v, r_v, t_v, n_v, out_v, sem):
    wid = lax.axis_index("s") * _NC + lax.axis_index("c")
    base = wid * _B

    pltpu.sync_copy(hid_hbm.at[pl.ds(base, _B)], hid_v)
    pltpu.sync_copy(rid_hbm.at[pl.ds(base, _B)], rid_v)
    pltpu.sync_copy(tid_hbm.at[pl.ds(base, _B)], tid_v)
    pltpu.sync_copy(nid_hbm.at[pl.ds(base, _B)], nid_v)

    def issue_body(g, carry):
        e0 = g * 16
        hv = hid_v[pl.ds(e0, 16)]
        rv = rid_v[pl.ds(e0, 16)]
        tv = tid_v[pl.ds(e0, 16)]
        nv = nid_v[pl.ds(e0, 16)]
        htv, hsv = hv >> 3, hv & 7
        rtv, rsv = rv >> 3, rv & 7
        ttv, tsv = tv >> 3, tv & 7
        ntv, nsv = nv >> 3, nv & 7
        for j in range(16):
            e = e0 + j
            pltpu.async_copy(heads_hbm.at[htv[j], hsv[j]], h_v.at[e], sem)
            pltpu.async_copy(rels_hbm.at[rtv[j], rsv[j]], r_v.at[e], sem)
            pltpu.async_copy(tails_hbm.at[ttv[j], tsv[j]], t_v.at[e], sem)
            pltpu.async_copy(names_hbm.at[ntv[j], nsv[j]], n_v.at[e], sem)
        return carry

    lax.fori_loop(0, _NG, issue_body, 0)

    def drain_body(e, carry):
        pltpu.make_async_copy(heads_hbm.at[0, 0], h_v.at[0], sem).wait()
        pltpu.make_async_copy(rels_hbm.at[0, 0], r_v.at[0], sem).wait()
        pltpu.make_async_copy(tails_hbm.at[0, 0], t_v.at[0], sem).wait()
        pltpu.make_async_copy(names_hbm.at[0, 0], n_v.at[0], sem).wait()
        return carry

    lax.fori_loop(0, _B, drain_body, 0)

    @pl.when(wid == _NW - 1)
    def _point_question_tail_at_mask():
        pltpu.sync_copy(specials_hbm.at[0, 1], t_v.at[_B - 1])

    def row_body(r, carry):
        for c in range(_EMB // 16):
            s = 16 * c
            n = n_v[r, pl.ds(s, 16)]
            out_v[r, pl.ds(s, 16)] = n + h_v[r, pl.ds(s, 16)]
            out_v[r, pl.ds(_EMB + s, 16)] = r_v[r, pl.ds(s, 16)]
            out_v[r, pl.ds(2 * _EMB + s, 16)] = n + t_v[r, pl.ds(s, 16)]
        return carry

    lax.fori_loop(0, _B, row_body, 0)

    pltpu.sync_copy(out_v, out_hbm.at[pl.ds(base, _B)])


def kernel(heads_w, relations_w, tails_w, names_w, specials_w,
           head_idx, rel_idx, tail_idx, name_idx, q_head, q_rel, q_name):
    i32 = jnp.int32
    hid = jnp.concatenate([head_idx.astype(i32), q_head.astype(i32)])
    rid = jnp.concatenate([rel_idx.astype(i32), q_rel.astype(i32)])
    tid = jnp.concatenate([tail_idx.astype(i32), jnp.zeros((1,), i32)])
    nid = jnp.concatenate([name_idx.astype(i32), q_name.astype(i32)])
    heads3 = heads_w.reshape(-1, 8, _EMB)
    rels3 = relations_w.reshape(-1, 8, _EMB)
    tails3 = tails_w.reshape(-1, 8, _EMB)
    names3 = names_w.reshape(-1, 8, _EMB)
    specials3 = jnp.pad(specials_w, ((0, 6), (0, 0))).reshape(1, 8, _EMB)
    return _emb_kernel(heads3, rels3, tails3, names3, specials3,
                       hid, rid, tid, nid)

# --- scband reference (transcript-rebuilt; emitter-appended) ---
"""Pipeline reference for scband-embeddings-64347200028782 (READ-ONLY COPY).

The authoritative reference and input builder live on the scoring server;
editing this copy changes nothing except your own understanding.
"""

import jax, jax.numpy as jnp
import numpy as np

NUM_ROWS = 4096
EMB = 64
NUM_COLS = 3 * EMB  # 192
N_HEADS = 100000
N_RELS = 200
N_TAILS = 100000
N_NAMES = 10000
N_SPECIALS = 2
MASK_IDX = 1
M = NUM_ROWS - 1  # number of episodic memory entries


def setup_inputs(seed: int = 0) -> dict:
    key = jax.random.key(seed)
    ks = jax.random.split(key, 12)
    heads_w = jax.random.normal(ks[0], (N_HEADS, EMB), dtype=jnp.float32) * 0.02
    relations_w = jax.random.normal(ks[1], (N_RELS, EMB), dtype=jnp.float32) * 0.02
    tails_w = jax.random.normal(ks[2], (N_TAILS, EMB), dtype=jnp.float32) * 0.02
    names_w = jax.random.normal(ks[3], (N_NAMES, EMB), dtype=jnp.float32) * 0.02
    specials_w = jax.random.normal(ks[4], (N_SPECIALS, EMB), dtype=jnp.float32) * 0.02
    # padding_idx=0 row is zero in nn.Embedding with padding_idx
    specials_w = specials_w.at[0].set(0.0)
    head_idx = jax.random.randint(ks[5], (M,), 0, N_HEADS, dtype=jnp.int64 if jax.config.jax_enable_x64 else jnp.int32)
    rel_idx = jax.random.randint(ks[6], (M,), 0, N_RELS)
    tail_idx = jax.random.randint(ks[7], (M,), 0, N_TAILS)
    name_idx = jax.random.randint(ks[8], (M,), 0, N_NAMES)
    q_head = jax.random.randint(ks[9], (1,), 0, N_HEADS)
    q_rel = jax.random.randint(ks[10], (1,), 0, N_RELS)
    q_name = jax.random.randint(ks[11], (1,), 0, N_NAMES)
    return {
        'heads_w': heads_w, 'relations_w': relations_w, 'tails_w': tails_w,
        'names_w': names_w, 'specials_w': specials_w,
        'head_idx': head_idx, 'rel_idx': rel_idx, 'tail_idx': tail_idx,
        'name_idx': name_idx, 'q_head': q_head, 'q_rel': q_rel, 'q_name': q_name,
    }


def reference(heads_w, relations_w, tails_w, names_w, specials_w,
              head_idx, rel_idx, tail_idx, name_idx, q_head, q_rel, q_name):
    # policy_type == 'episodic_question_answer'
    # episodic2numerics: per memory entry,
    #   head = names[name1] + heads[head]; relation = relations[rel];
    #   tail = names[name2] + tails[tail]  (name1 == name2)
    head_emb = jnp.take(names_w, name_idx, axis=0) + jnp.take(heads_w, head_idx, axis=0)
    rel_emb = jnp.take(relations_w, rel_idx, axis=0)
    tail_emb = jnp.take(names_w, name_idx, axis=0) + jnp.take(tails_w, tail_idx, axis=0)
    table = jnp.concatenate([head_emb, rel_emb, tail_emb], axis=1)  # (M, 3*EMB)

    x = jnp.zeros((NUM_ROWS, NUM_COLS), dtype=jnp.float32)
    x = x.at[:M, :].set(table)

    # eq2numerics: question row
    qh = jnp.take(names_w, q_name, axis=0) + jnp.take(heads_w, q_head, axis=0)
    qr = jnp.take(relations_w, q_rel, axis=0)
    qt = jnp.take(names_w, q_name, axis=0) + specials_w[MASK_IDX][None, :]
    qrow = jnp.concatenate([qh, qr, qt], axis=1)  # (1, 3*EMB)
    x = x.at[-1, :].set(qrow[0])
    return x

if __name__ == "__main__":
    import jax
    _d = setup_inputs()
    print(jax.jit(kernel)(*tuple(_d.values())))

</pallas_src>

<mosaic_0001>
#map = affine_map<(d0, d1) -> (0, 0, 0)>
#map1 = affine_map<(d0, d1) -> (0)>
#map2 = affine_map<(d0, d1) -> (0, 0)>
module attributes {stable_mosaic.version = 14 : i64} {
  func.func @_emb_kernel(%arg0: i32, %arg1: i32, %arg2: memref<12500x8x64xf32, #tpu.memory_space<hbm>>, %arg3: memref<25x8x64xf32, #tpu.memory_space<hbm>>, %arg4: memref<12500x8x64xf32, #tpu.memory_space<hbm>>, %arg5: memref<1250x8x64xf32, #tpu.memory_space<hbm>>, %arg6: memref<1x8x64xf32, #tpu.memory_space<hbm>>, %arg7: memref<4096xi32, #tpu.memory_space<hbm>>, %arg8: memref<4096xi32, #tpu.memory_space<hbm>>, %arg9: memref<4096xi32, #tpu.memory_space<hbm>>, %arg10: memref<4096xi32, #tpu.memory_space<hbm>>, %arg11: memref<4096x192xf32, #tpu.memory_space<hbm>>, %arg12: memref<128xi32, #tpu.memory_space<vmem>>, %arg13: memref<128xi32, #tpu.memory_space<vmem>>, %arg14: memref<128xi32, #tpu.memory_space<vmem>>, %arg15: memref<128xi32, #tpu.memory_space<vmem>>, %arg16: memref<128x64xf32, #tpu.memory_space<vmem>>, %arg17: memref<128x64xf32, #tpu.memory_space<vmem>>, %arg18: memref<128x64xf32, #tpu.memory_space<vmem>>, %arg19: memref<128x64xf32, #tpu.memory_space<vmem>>, %arg20: memref<128x192xf32, #tpu.memory_space<vmem>>, %arg21: memref<!tpu.dma_semaphore, #tpu.memory_space<semaphore_mem>>) attributes {dimension_semantics = [#tpu.dimension_semantics<core_parallel>, #tpu.dimension_semantics<subcore_parallel>], iteration_bounds = array<i64: 2, 16>, scalar_prefetch = 0 : i64, scratch_operands = 10 : i64, tpu.core_type = #tpu.core_type<sc_vector_subcore>, window_params = [{transform_indices = #map}, {transform_indices = #map}, {transform_indices = #map}, {transform_indices = #map}, {transform_indices = #map}, {transform_indices = #map1}, {transform_indices = #map1}, {transform_indices = #map1}, {transform_indices = #map1}, {transform_indices = #map2}]} {
    %mul3A = arith.constant 2 : i32
    %mul3A_0 = arith.muli %arg1, %mul3A : i32
    %add3A = arith.addi %mul3A_0, %arg0 : i32
    %mul3A_1 = arith.constant 128 : i32
    %mul3A_2 = arith.muli %add3A, %mul3A_1 : i32
    "tpu.region"() ({
      %run_scoped3A = tpu.sem_alloc : memref<!tpu.dma_semaphore, #tpu.memory_space<semaphore_mem>>
      %dma_start3A = tpu.memref_slice %arg7[%mul3A_2] : memref<4096xi32, #tpu.memory_space<hbm>> -> memref<128xi32, #tpu.memory_space<hbm>>
      %dma_start3A_22 = tpu.memref_slice %arg7[%mul3A_2] : memref<4096xi32, #tpu.memory_space<hbm>> -> memref<128xi32, #tpu.memory_space<hbm>>
      tpu.enqueue_dma source(%dma_start3A_22 : memref<128xi32, #tpu.memory_space<hbm>>) target(%arg12 : memref<128xi32, #tpu.memory_space<vmem>>) target_semaphore(%run_scoped3A : memref<!tpu.dma_semaphore, #tpu.memory_space<semaphore_mem>>)
      %dma_wait3A = tpu.memref_slice %arg7[%mul3A_2] : memref<4096xi32, #tpu.memory_space<hbm>> -> memref<128xi32, #tpu.memory_space<hbm>>
      %dma_wait3A_23 = tpu.memref_slice %arg7[%mul3A_2] : memref<4096xi32, #tpu.memory_space<hbm>> -> memref<128xi32, #tpu.memory_space<hbm>>
      tpu.wait_dma2 semaphore(%run_scoped3A : memref<!tpu.dma_semaphore, #tpu.memory_space<semaphore_mem>>) src(%dma_wait3A_23 : memref<128xi32, #tpu.memory_space<hbm>>) dst(%arg12 : memref<128xi32, #tpu.memory_space<vmem>>)
      tpu.yield
    }) : () -> ()
    "tpu.region"() ({
      %run_scoped3A = tpu.sem_alloc : memref<!tpu.dma_semaphore, #tpu.memory_space<semaphore_mem>>
      %dma_start3A = tpu.memref_slice %arg8[%mul3A_2] : memref<4096xi32, #tpu.memory_space<hbm>> -> memref<128xi32, #tpu.memory_space<hbm>>
      %dma_start3A_22 = tpu.memref_slice %arg8[%mul3A_2] : memref<4096xi32, #tpu.memory_space<hbm>> -> memref<128xi32, #tpu.memory_space<hbm>>
      tpu.enqueue_dma source(%dma_start3A_22 : memref<128xi32, #tpu.memory_space<hbm>>) target(%arg13 : memref<128xi32, #tpu.memory_space<vmem>>) target_semaphore(%run_scoped3A : memref<!tpu.dma_semaphore, #tpu.memory_space<semaphore_mem>>)
      %dma_wait3A = tpu.memref_slice %arg8[%mul3A_2] : memref<4096xi32, #tpu.memory_space<hbm>> -> memref<128xi32, #tpu.memory_space<hbm>>
      %dma_wait3A_23 = tpu.memref_slice %arg8[%mul3A_2] : memref<4096xi32, #tpu.memory_space<hbm>> -> memref<128xi32, #tpu.memory_space<hbm>>
      tpu.wait_dma2 semaphore(%run_scoped3A : memref<!tpu.dma_semaphore, #tpu.memory_space<semaphore_mem>>) src(%dma_wait3A_23 : memref<128xi32, #tpu.memory_space<hbm>>) dst(%arg13 : memref<128xi32, #tpu.memory_space<vmem>>)
      tpu.yield
    }) : () -> ()
    "tpu.region"() ({
      %run_scoped3A = tpu.sem_alloc : memref<!tpu.dma_semaphore, #tpu.memory_space<semaphore_mem>>
      %dma_start3A = tpu.memref_slice %arg9[%mul3A_2] : memref<4096xi32, #tpu.memory_space<hbm>> -> memref<128xi32, #tpu.memory_space<hbm>>
      %dma_start3A_22 = tpu.memref_slice %arg9[%mul3A_2] : memref<4096xi32, #tpu.memory_space<hbm>> -> memref<128xi32, #tpu.memory_space<hbm>>
      tpu.enqueue_dma source(%dma_start3A_22 : memref<128xi32, #tpu.memory_space<hbm>>) target(%arg14 : memref<128xi32, #tpu.memory_space<vmem>>) target_semaphore(%run_scoped3A : memref<!tpu.dma_semaphore, #tpu.memory_space<semaphore_mem>>)
      %dma_wait3A = tpu.memref_slice %arg9[%mul3A_2] : memref<4096xi32, #tpu.memory_space<hbm>> -> memref<128xi32, #tpu.memory_space<hbm>>
      %dma_wait3A_23 = tpu.memref_slice %arg9[%mul3A_2] : memref<4096xi32, #tpu.memory_space<hbm>> -> memref<128xi32, #tpu.memory_space<hbm>>
      tpu.wait_dma2 semaphore(%run_scoped3A : memref<!tpu.dma_semaphore, #tpu.memory_space<semaphore_mem>>) src(%dma_wait3A_23 : memref<128xi32, #tpu.memory_space<hbm>>) dst(%arg14 : memref<128xi32, #tpu.memory_space<vmem>>)
      tpu.yield
    }) : () -> ()
    "tpu.region"() ({
      %run_scoped3A = tpu.sem_alloc : memref<!tpu.dma_semaphore, #tpu.memory_space<semaphore_mem>>
      %dma_start3A = tpu.memref_slice %arg10[%mul3A_2] : memref<4096xi32, #tpu.memory_space<hbm>> -> memref<128xi32, #tpu.memory_space<hbm>>
      %dma_start3A_22 = tpu.memref_slice %arg10[%mul3A_2] : memref<4096xi32, #tpu.memory_space<hbm>> -> memref<128xi32, #tpu.memory_space<hbm>>
      tpu.enqueue_dma source(%dma_start3A_22 : memref<128xi32, #tpu.memory_space<hbm>>) target(%arg15 : memref<128xi32, #tpu.memory_space<vmem>>) target_semaphore(%run_scoped3A : memref<!tpu.dma_semaphore, #tpu.memory_space<semaphore_mem>>)
      %dma_wait3A = tpu.memref_slice %arg10[%mul3A_2] : memref<4096xi32, #tpu.memory_space<hbm>> -> memref<128xi32, #tpu.memory_space<hbm>>
      %dma_wait3A_23 = tpu.memref_slice %arg10[%mul3A_2] : memref<4096xi32, #tpu.memory_space<hbm>> -> memref<128xi32, #tpu.memory_space<hbm>>
      tpu.wait_dma2 semaphore(%run_scoped3A : memref<!tpu.dma_semaphore, #tpu.memory_space<semaphore_mem>>) src(%dma_wait3A_23 : memref<128xi32, #tpu.memory_space<hbm>>) dst(%arg15 : memref<128xi32, #tpu.memory_space<vmem>>)
      tpu.yield
    }) : () -> ()
    %scan3A = arith.constant 0 : i32
    %scan3A_3 = arith.constant 0 : i32
    %scan3A_4 = arith.constant 8 : i32
    %scan3A_5 = arith.addi %scan3A_3, %scan3A_4 : i32
    %scan3A_6 = arith.constant 1 : i32
    scf.for %scan3A_22 = %scan3A_3 to %scan3A_5 step %scan3A_6  : i32 {
      %mul3A_23 = arith.constant 16 : i32
      %mul3A_24 = arith.muli %scan3A_22, %mul3A_23 : i32
      %get3A = arith.index_cast %mul3A_24 : i32 to index
      %get3A_25 = tpu.vector_load %arg12[%get3A] {strides = array<i32>} : memref<128xi32, #tpu.memory_space<vmem>>, vector<16xi32>,
      %get3A_26 = vector.shape_cast %get3A_25 : vector<16xi32> to vector<16xi32>
      %get3A_27 = arith.index_cast %mul3A_24 : i32 to index
      %get3A_28 = tpu.vector_load %arg13[%get3A_27] {strides = array<i32>} : memref<128xi32, #tpu.memory_space<vmem>>, vector<16xi32>,
      %get3A_29 = vector.shape_cast %get3A_28 : vector<16xi32> to vector<16xi32>
      %get3A_30 = arith.index_cast %mul3A_24 : i32 to index
      %get3A_31 = tpu.vector_load %arg14[%get3A_30] {strides = array<i32>} : memref<128xi32, #tpu.memory_space<vmem>>, vector<16xi32>,
      %get3A_32 = vector.shape_cast %get3A_31 : vector<16xi32> to vector<16xi32>
      %get3A_33 = arith.index_cast %mul3A_24 : i32 to index
      %get3A_34 = tpu.vector_load %arg15[%get3A_33] {strides = array<i32>} : memref<128xi32, #tpu.memory_space<vmem>>, vector<16xi32>,
      %get3A_35 = vector.shape_cast %get3A_34 : vector<16xi32> to vector<16xi32>
      %shift_right_arithmetic3A = arith.constant 3 : i32
      %shift_right_arithmetic3A_36 = vector.broadcast %shift_right_arithmetic3A : i32 to vector<16xi32>
      %shift_right_arithmetic3A_37 = arith.shrsi %get3A_26, %shift_right_arithmetic3A_36 : vector<16xi32>
      %and3A = arith.constant 7 : i32
      %and3A_38 = vector.broadcast %and3A : i32 to vector<16xi32>
      %and3A_39 = arith.andi %get3A_26, %and3A_38 : vector<16xi32>
      %shift_right_arithmetic3A_40 = arith.constant 3 : i32
      %shift_right_arithmetic3A_41 = vector.broadcast %shift_right_arithmetic3A_40 : i32 to vector<16xi32>
      %shift_right_arithmetic3A_42 = arith.shrsi %get3A_29, %shift_right_arithmetic3A_41 : vector<16xi32>
      %and3A_43 = arith.constant 7 : i32
      %and3A_44 = vector.broadcast %and3A_43 : i32 to vector<16xi32>
      %and3A_45 = arith.andi %get3A_29, %and3A_44 : vector<16xi32>
      %shift_right_arithmetic3A_46 = arith.constant 3 : i32
      %shift_right_arithmetic3A_47 = vector.broadcast %shift_right_arithmetic3A_46 : i32 to vector<16xi32>
      %shift_right_arithmetic3A_48 = arith.shrsi %get3A_32, %shift_right_arithmetic3A_47 : vector<16xi32>
      %and3A_49 = arith.constant 7 : i32
      %and3A_50 = vector.broadcast %and3A_49 : i32 to vector<16xi32>
      %and3A_51 = arith.andi %get3A_32, %and3A_50 : vector<16xi32>
      %shift_right_arithmetic3A_52 = arith.constant 3 : i32
      %shift_right_arithmetic3A_53 = vector.broadcast %shift_right_arithmetic3A_52 : i32 to vector<16xi32>
      %shift_right_arithmetic3A_54 = arith.shrsi %get3A_35, %shift_right_arithmetic3A_53 : vector<16xi32>
      %and3A_55 = arith.constant 7 : i32
      %and3A_56 = vector.broadcast %and3A_55 : i32 to vector<16xi32>
      %and3A_57 = arith.andi %get3A_35, %and3A_56 : vector<16xi32>
      %add3A_58 = arith.constant 0 : i32
      %add3A_59 = arith.addi %mul3A_24, %add3A_58 : i32
      %slice3A = vector.extract_strided_slice %shift_right_arithmetic3A_37 {offsets = [0], sizes = [1], strides = [1]} : vector<16xi32> to vector<1xi32>
      %squeeze3A = vector.extract %slice3A[0] : i32 from vector<1xi32>
      %slice3A_60 = vector.extract_strided_slice %and3A_39 {offsets = [0], sizes = [1], strides = [1]} : vector<16xi32> to vector<1xi32>
      %squeeze3A_61 = vector.extract %slice3A_60[0] : i32 from vector<1xi32>
      %dma_start3A = arith.constant 0 : i32
      %dma_start3A_62 = tpu.memref_slice %arg16[%add3A_59, %dma_start3A] : memref<128x64xf32, #tpu.memory_space<vmem>> -> memref<1x64xf32, #tpu.memory_space<vmem>>
      %dma_start3A_63 = tpu.memref_squeeze %dma_start3A_62 : memref<1x64xf32, #tpu.memory_space<vmem>> -> memref<64xf32, #tpu.memory_space<vmem>>
      %dma_start3A_64 = arith.constant 0 : i32
      %dma_start3A_65 = tpu.memref_slice %arg2[%squeeze3A, %squeeze3A_61, %dma_start3A_64] : memref<12500x8x64xf32, #tpu.memory_space<hbm>> -> memref<1x1x64xf32, #tpu.memory_space<hbm>>
      %dma_start3A_66 = tpu.memref_squeeze %dma_start3A_65 : memref<1x1x64xf32, #tpu.memory_space<hbm>> -> memref<64xf32, #tpu.memory_space<hbm>>
      %dma_start3A_67 = arith.constant 0 : i32
      %dma_start3A_68 = tpu.memref_slice %arg16[%add3A_59, %dma_start3A_67] : memref<128x64xf32, #tpu.memory_space<vmem>> -> memref<1x64xf32, #tpu.memory_space<vmem>>
      %dma_start3A_69 = tpu.memref_squeeze %dma_start3A_68 : memref<1x64xf32, #tpu.memory_space<vmem>> -> memref<64xf32, #tpu.memory_space<vmem>>
      %dma_start3A_70 = arith.constant 0 : i32
      %dma_start3A_71 = tpu.memref_slice %arg2[%squeeze3A, %squeeze3A_61, %dma_start3A_70] : memref<12500x8x64xf32, #tpu.memory_space<hbm>> -> memref<1x1x64xf32, #tpu.memory_space<hbm>>
      %dma_start3A_72 = tpu.memref_squeeze %dma_start3A_71 : memref<1x1x64xf32, #tpu.memory_space<hbm>> -> memref<64xf32, #tpu.memory_space<hbm>>
      tpu.enqueue_dma source(%dma_start3A_72 : memref<64xf32, #tpu.memory_space<hbm>>) target(%dma_start3A_69 : memref<64xf32, #tpu.memory_space<vmem>>) target_semaphore(%arg21 : memref<!tpu.dma_semaphore, #tpu.memory_space<semaphore_mem>>)
      %slice3A_73 = vector.extract_strided_slice %shift_right_arithmetic3A_42 {offsets = [0], sizes = [1], strides = [1]} : vector<16xi32> to vector<1xi32>
      %squeeze3A_74 = vector.extract %slice3A_73[0] : i32 from vector<1xi32>
      %slice3A_75 = vector.extract_strided_slice %and3A_45 {offsets = [0], sizes = [1], strides = [1]} : vector<16xi32> to vector<1xi32>
      %squeeze3A_76 = vector.extract %slice3A_75[0] : i32 from vector<1xi32>
      %dma_start3A_77 = arith.constant 0 : i32
      %dma_start3A_78 = tpu.memref_slice %arg17[%add3A_59, %dma_start3A_77] : memref<128x64xf32, #tpu.memory_space<vmem>> -> memref<1x64xf32, #tpu.memory_space<vmem>>
      %dma_start3A_79 = tpu.memref_squeeze %dma_start3A_78 : memref<1x64xf32, #tpu.memory_space<vmem>> -> memref<64xf32, #tpu.memory_space<vmem>>
      %dma_start3A_80 = arith.constant 0 : i32
      %dma_start3A_81 = tpu.memref_slice %arg3[%squeeze3A_74, %squeeze3A_76, %dma_start3A_80] : memref<25x8x64xf32, #tpu.memory_space<hbm>> -> memref<1x1x64xf32, #tpu.memory_space<hbm>>
      %dma_start3A_82 = tpu.memref_squeeze %dma_start3A_81 : memref<1x1x64xf32, #tpu.memory_space<hbm>> -> memref<64xf32, #tpu.memory_space<hbm>>
      %dma_start3A_83 = arith.constant 0 : i32
      %dma_start3A_84 = tpu.memref_slice %arg17[%add3A_59, %dma_start3A_83] : memref<128x64xf32, #tpu.memory_space<vmem>> -> memref<1x64xf32, #tpu.memory_space<vmem>>
      %dma_start3A_85 = tpu.memref_squeeze %dma_start3A_84 : memref<1x64xf32, #tpu.memory_space<vmem>> -> memref<64xf32, #tpu.memory_space<vmem>>
      %dma_start3A_86 = arith.constant 0 : i32
      %dma_start3A_87 = tpu.memref_slice %arg3[%squeeze3A_74, %squeeze3A_76, %dma_start3A_86] : memref<25x8x64xf32, #tpu.memory_space<hbm>> -> memref<1x1x64xf32, #tpu.memory_space<hbm>>
      %dma_start3A_88 = tpu.memref_squeeze %dma_start3A_87 : memref<1x1x64xf32, #tpu.memory_space<hbm>> -> memref<64xf32, #tpu.memory_space<hbm>>
      tpu.enqueue_dma source(%dma_start3A_88 : memref<64xf32, #tpu.memory_space<hbm>>) target(%dma_start3A_85 : memref<64xf32, #tpu.memory_space<vmem>>) target_semaphore(%arg21 : memref<!tpu.dma_semaphore, #tpu.memory_space<semaphore_mem>>)
      %slice3A_89 = vector.extract_strided_slice %shift_right_arithmetic3A_48 {offsets = [0], sizes = [1], strides = [1]} : vector<16xi32> to vector<1xi32>
      %squeeze3A_90 = vector.extract %slice3A_89[0] : i32 from vector<1xi32>
      %slice3A_91 = vector.extract_strided_slice %and3A_51 {offsets = [0], sizes = [1], strides = [1]} : vector<16xi32> to vector<1xi32>
      %squeeze3A_92 = vector.extract %slice3A_91[0] : i32 from vector<1xi32>
      %dma_start3A_93 = arith.constant 0 : i32
      %dma_start3A_94 = tpu.memref_slice %arg18[%add3A_59, %dma_start3A_93] : memref<128x64xf32, #tpu.memory_space<vmem>> -> memref<1x64xf32, #tpu.memory_space<vmem>>
      %dma_start3A_95 = tpu.memref_squeeze %dma_start3A_94 : memref<1x64xf32, #tpu.memory_space<vmem>> -> memref<64xf32, #tpu.memory_space<vmem>>
      %dma_start3A_96 = arith.constant 0 : i32
      %dma_start3A_97 = tpu.memref_slice %arg4[%squeeze3A_90, %squeeze3A_92, %dma_start3A_96] : memref<12500x8x64xf32, #tpu.memory_space<hbm>> -> memref<1x1x64xf32, #tpu.memory_space<hbm>>
      %dma_start3A_98 = tpu.memref_squeeze %dma_start3A_97 : memref<1x1x64xf32, #tpu.memory_space<hbm>> -> memref<64xf32, #tpu.memory_space<hbm>>
      %dma_start3A_99 = arith.constant 0 : i32
      %dma_start3A_100 = tpu.memref_slice %arg18[%add3A_59, %dma_start3A_99] : memref<128x64xf32, #tpu.memory_space<vmem>> -> memref<1x64xf32, #tpu.memory_space<vmem>>
      %dma_start3A_101 = tpu.memref_squeeze %dma_start3A_100 : memref<1x64xf32, #tpu.memory_space<vmem>> -> memref<64xf32, #tpu.memory_space<vmem>>
      %dma_start3A_102 = arith.constant 0 : i32
      %dma_start3A_103 = tpu.memref_slice %arg4[%squeeze3A_90, %squeeze3A_92, %dma_start3A_102] : memref<12500x8x64xf32, #tpu.memory_space<hbm>> -> memref<1x1x64xf32, #tpu.memory_space<hbm>>
      %dma_start3A_104 = tpu.memref_squeeze %dma_start3A_103 : memref<1x1x64xf32, #tpu.memory_space<hbm>> -> memref<64xf32, #tpu.memory_space<hbm>>
      tpu.enqueue_dma source(%dma_start3A_104 : memref<64xf32, #tpu.memory_space<hbm>>) target(%dma_start3A_101 : memref<64xf32, #tpu.memory_space<vmem>>) target_semaphore(%arg21 : memref<!tpu.dma_semaphore, #tpu.memory_space<semaphore_mem>>)
      %slice3A_105 = vector.extract_strided_slice %shift_right_arithmetic3A_54 {offsets = [0], sizes = [1], strides = [1]} : vector<16xi32> to vector<1xi32>
      %squeeze3A_106 = vector.extract %slice3A_105[0] : i32 from vector<1xi32>
      %slice3A_107 = vector.extract_strided_slice %and3A_57 {offsets = [0], sizes = [1], strides = [1]} : vector<16xi32> to vector<1xi32>
      %squeeze3A_108 = vector.extract %slice3A_107[0] : i32 from vector<1xi32>
      %dma_start3A_109 = arith.constant 0 : i32
      %dma_start3A_110 = tpu.memref_slice %arg19[%add3A_59, %dma_start3A_109] : memref<128x64xf32, #tpu.memory_space<vmem>> -> memref<1x64xf32, #tpu.memory_space<vmem>>
      %dma_start3A_111 = tpu.memref_squeeze %dma_start3A_110 : memref<1x64xf32, #tpu.memory_space<vmem>> -> memref<64xf32, #tpu.memory_space<vmem>>
      %dma_start3A_112 = arith.constant 0 : i32
      %dma_start3A_113 = tpu.memref_slice %arg5[%squeeze3A_106, %squeeze3A_108, %dma_start3A_112] : memref<1250x8x64xf32, #tpu.memory_space<hbm>> -> memref<1x1x64xf32, #tpu.memory_space<hbm>>
      %dma_start3A_114 = tpu.memref_squeeze %dma_start3A_113 : memref<1x1x64xf32, #tpu.memory_space<hbm>> -> memref<64xf32, #tpu.memory_space<hbm>>
      %dma_start3A_115 = arith.constant 0 : i32
      %dma_start3A_116 = tpu.memref_slice %arg19[%add3A_59, %dma_start3A_115] : memref<128x64xf32, #tpu.memory_space<vmem>> -> memref<1x64xf32, #tpu.memory_space<vmem>>
      %dma_start3A_117 = tpu.memref_squeeze %dma_start3A_116 : memref<1x64xf32, #tpu.memory_space<vmem>> -> memref<64xf32, #tpu.memory_space<vmem>>
      %dma_start3A_118 = arith.constant 0 : i32
      %dma_start3A_119 = tpu.memref_slice %arg5[%squeeze3A_106, %squeeze3A_108, %dma_start3A_118] : memref<1250x8x64xf32, #tpu.memory_space<hbm>> -> memref<1x1x64xf32, #tpu.memory_space<hbm>>
      %dma_start3A_120 = tpu.memref_squeeze %dma_start3A_119 : memref<1x1x64xf32, #tpu.memory_space<hbm>> -> memref<64xf32, #tpu.memory_space<hbm>>
      tpu.enqueue_dma source(%dma_start3A_120 : memref<64xf32, #tpu.memory_space<hbm>>) target(%dma_start3A_117 : memref<64xf32, #tpu.memory_space<vmem>>) target_semaphore(%arg21 : memref<!tpu.dma_semaphore, #tpu.memory_space<semaphore_mem>>)
      %add3A_121 = arith.constant 1 : i32
      %add3A_122 = arith.addi %mul3A_24, %add3A_121 : i32
      %slice3A_123 = vector.extract_strided_slice %shift_right_arithmetic3A_37 {offsets = [1], sizes = [1], strides = [1]} : vector<16xi32> to vector<1xi32>
      %squeeze3A_124 = vector.extract %slice3A_123[0] : i32 from vector<1xi32>
      %slice3A_125 = vector.extract_strided_slice %and3A_39 {offsets = [1], sizes = [1], strides = [1]} : vector<16xi32> to vector<1xi32>
      %squeeze3A_126 = vector.extract %slice3A_125[0] : i32 from vector<1xi32>
      %dma_start3A_127 = arith.constant 0 : i32
      %dma_start3A_128 = tpu.memref_slice %arg16[%add3A_122, %dma_start3A_127] : memref<128x64xf32, #tpu.memory_space<vmem>> -> memref<1x64xf32, #tpu.memory_space<vmem>>
      %dma_start3A_129 = tpu.memref_squeeze %dma_start3A_128 : memref<1x64xf32, #tpu.memory_space<vmem>> -> memref<64xf32, #tpu.memory_space<vmem>>
      %dma_start3A_130 = arith.constant 0 : i32
      %dma_start3A_131 = tpu.memref_slice %arg2[%squeeze3A_124, %squeeze3A_126, %dma_start3A_130] : memref<12500x8x64xf32, #tpu.memory_space<hbm>> -> memref<1x1x64xf32, #tpu.memory_space<hbm>>
      %dma_start3A_132 = tpu.memref_squeeze %dma_start3A_131 : memref<1x1x64xf32, #tpu.memory_space<hbm>> -> memref<64xf32, #tpu.memory_space<hbm>>
      %dma_start3A_133 = arith.constant 0 : i32
      %dma_start3A_134 = tpu.memref_slice %arg16[%add3A_122, %dma_start3A_133] : memref<128x64xf32, #tpu.memory_space<vmem>> -> memref<1x64xf32, #tpu.memory_space<vmem>>
      %dma_start3A_135 = tpu.memref_squeeze %dma_start3A_134 : memref<1x64xf32, #tpu.memory_space<vmem>> -> memref<64xf32, #tpu.memory_space<vmem>>
      %dma_start3A_136 = arith.constant 0 : i32
      %dma_start3A_137 = tpu.memref_slice %arg2[%squeeze3A_124, %squeeze3A_126, %dma_start3A_136] : memref<12500x8x64xf32, #tpu.memory_space<hbm>> -> memref<1x1x64xf32, #tpu.memory_space<hbm>>
      %dma_start3A_138 = tpu.memref_squeeze %dma_start3A_137 : memref<1x1x64xf32, #tpu.memory_space<hbm>> -> memref<64xf32, #tpu.memory_space<hbm>>
      tpu.enqueue_dma source(%dma_start3A_138 : memref<64xf32, #tpu.memory_space<hbm>>) target(%dma_start3A_135 : memref<64xf32, #tpu.memory_space<vmem>>) target_semaphore(%arg21 : memref<!tpu.dma_semaphore, #tpu.memory_space<semaphore_mem>>)
      %slice3A_139 = vector.extract_strided_slice %shift_right_arithmetic3A_42 {offsets = [1], sizes = [1], strides = [1]} : vector<16xi32> to vector<1xi32>
      %squeeze3A_140 = vector.extract %slice3A_139[0] : i32 from vector<1xi32>
      %slice3A_141 = vector.extract_strided_slice %and3A_45 {offsets = [1], sizes = [1], strides = [1]} : vector<16xi32> to vector<1xi32>
      %squeeze3A_142 = vector.extract %slice3A_141[0] : i32 from vector<1xi32>
      %dma_start3A_143 = arith.constant 0 : i32
      %dma_start3A_144 = tpu.memref_slice %arg17[%add3A_122, %dma_start3A_143] : memref<128x64xf32, #tpu.memory_space<vmem>> -> memref<1x64xf32, #tpu.memory_space<vmem>>
      %dma_start3A_145 = tpu.memref_squeeze %dma_start3A_144 : memref<1x64xf32, #tpu.memory_space<vmem>> -> memref<64xf32, #tpu.memory_space<vmem>>
      %dma_start3A_146 = arith.constant 0 : i32
      %dma_start3A_147 = tpu.memref_slice %arg3[%squeeze3A_140, %squeeze3A_142, %dma_start3A_146] : memref<25x8x64xf32, #tpu.memory_space<hbm>> -> memref<1x1x64xf32, #tpu.memory_space<hbm>>
      %dma_start3A_148 = tpu.memref_squeeze %dma_start3A_147 : memref<1x1x64xf32, #tpu.memory_space<hbm>> -> memref<64xf32, #tpu.memory_space<hbm>>
      %dma_start3A_149 = arith.constant 0 : i32
      %dma_start3A_150 = tpu.memref_slice %arg17[%add3A_122, %dma_start3A_149] : memref<128x64xf32, #tpu.memory_space<vmem>> -> memref<1x64xf32, #tpu.memory_space<vmem>>
      %dma_start3A_151 = tpu.memref_squeeze %dma_start3A_150 : memref<1x64xf32, #tpu.memory_space<vmem>> -> memref<64xf32, #tpu.memory_space<vmem>>
      %dma_start3A_152 = arith.constant 0 : i32
      %dma_start3A_153 = tpu.memref_slice %arg3[%squeeze3A_140, %squeeze3A_142, %dma_start3A_152] : memref<25x8x64xf32, #tpu.memory_space<hbm>> -> memref<1x1x64xf32, #tpu.memory_space<hbm>>
      %dma_start3A_154 = tpu.memref_squeeze %dma_start3A_153 : memref<1x1x64xf32, #tpu.memory_space<hbm>> -> memref<64xf32, #tpu.memory_space<hbm>>
      tpu.enqueue_dma source(%dma_start3A_154 : memref<64xf32, #tpu.memory_space<hbm>>) target(%dma_start3A_151 : memref<64xf32, #tpu.memory_space<vmem>>) target_semaphore(%arg21 : memref<!tpu.dma_semaphore, #tpu.memory_space<semaphore_mem>>)
      %slice3A_155 = vector.extract_strided_slice %shift_right_arithmetic3A_48 {offsets = [1], sizes = [1], strides = [1]} : vector<16xi32> to vector<1xi32>
      %squeeze3A_156 = vector.extract %slice3A_155[0] : i32 from vector<1xi32>
      %slice3A_157 = vector.extract_strided_slice %and3A_51 {offsets = [1], sizes = [1], strides = [1]} : vector<16xi32> to vector<1xi32>
      %squeeze3A_158 = vector.extract %slice3A_157[0] : i32 from vector<1xi32>
      %dma_start3A_159 = arith.constant 0 : i32
      %dma_start3A_160 = tpu.memref_slice %arg18[%add3A_122, %dma_start3A_159] : memref<128x64xf32, #tpu.memory_space<vmem>> -> memref<1x64xf32, #tpu.memory_space<vmem>>
      %dma_start3A_161 = tpu.memref_squeeze %dma_start3A_160 : memref<1x64xf32, #tpu.memory_space<vmem>> -> memref<64xf32, #tpu.memory_space<vmem>>
      %dma_start3A_162 = arith.constant 0 : i32
      %dma_start3A_163 = tpu.memref_slice %arg4[%squeeze3A_156, %squeeze3A_158, %dma_start3A_162] : memref<12500x8x64xf32, #tpu.memory_space<hbm>> -> memref<1x1x64xf32, #tpu.memory_space<hbm>>
      %dma_start3A_164 = tpu.memref_squeeze %dma_start3A_163 : memref<1x1x64xf32, #tpu.memory_space<hbm>> -> memref<64xf32, #tpu.memory_space<hbm>>
      %dma_start3A_165 = arith.constant 0 : i32
      %dma_start3A_166 = tpu.memref_slice %arg18[%add3A_122, %dma_start3A_165] : memref<128x64xf32, #tpu.memory_space<vmem>> -> memref<1x64xf32, #tpu.memory_space<vmem>>
      %dma_start3A_167 = tpu.memref_squeeze %dma_start3A_166 : memref<1x64xf32, #tpu.memory_space<vmem>> -> memref<64xf32, #tpu.memory_space<vmem>>
      %dma_start3A_168 = arith.constant 0 : i32
      %dma_start3A_169 = tpu.memref_slice %arg4[%squeeze3A_156, %squeeze3A_158, %dma_start3A_168] : memref<12500x8x64xf32, #tpu.memory_space<hbm>> -> memref<1x1x64xf32, #tpu.memory_space<hbm>>
      %dma_start3A_170 = tpu.memref_squeeze %dma_start3A_169 : memref<1x1x64xf32, #tpu.memory_space<hbm>> -> memref<64xf32, #tpu.memory_space<hbm>>
      tpu.enqueue_dma source(%dma_start3A_170 : memref<64xf32, #tpu.memory_space<hbm>>) target(%dma_start3A_167 : memref<64xf32, #tpu.memory_space<vmem>>) target_semaphore(%arg21 : memref<!tpu.dma_semaphore, #tpu.memory_space<semaphore_mem>>)
      %slice3A_171 = vector.extract_strided_slice %shift_right_arithmetic3A_54 {offsets = [1], sizes = [1], strides = [1]} : vector<16xi32> to vector<1xi32>
      %squeeze3A_172 = vector.extract %slice3A_171[0] : i32 from vector<1xi32>
      %slice3A_173 = vector.extract_strided_slice %and3A_57 {offsets = [1], sizes = [1], strides = [1]} : vector<16xi32> to vector<1xi32>
      %squeeze3A_174 = vector.extract %slice3A_173[0] : i32 from vector<1xi32>
      %dma_start3A_175 = arith.constant 0 : i32
      %dma_start3A_176 = tpu.memref_slice %arg19[%add3A_122, %dma_start3A_175] : memref<128x64xf32, #tpu.memory_space<vmem>> -> memref<1x64xf32, #tpu.memory_space<vmem>>
      %dma_start3A_177 = tpu.memref_squeeze %dma_start3A_176 : memref<1x64xf32, #tpu.memory_space<vmem>> -> memref<64xf32, #tpu.memory_space<vmem>>
      %dma_start3A_178 = arith.constant 0 : i32
      %dma_start3A_179 = tpu.memref_slice %arg5[%squeeze3A_172, %squeeze3A_174, %dma_start3A_178] : memref<1250x8x64xf32, #tpu.memory_space<hbm>> -> memref<1x1x64xf32, #tpu.memory_space<hbm>>
      %dma_start3A_180 = tpu.memref_squeeze %dma_start3A_179 : memref<1x1x64xf32, #tpu.memory_space<hbm>> -> memref<64xf32, #tpu.memory_space<hbm>>
      %dma_start3A_181 = arith.constant 0 : i32
      %dma_start3A_182 = tpu.memref_slice %arg19[%add3A_122, %dma_start3A_181] : memref<128x64xf32, #tpu.memory_space<vmem>> -> memref<1x64xf32, #tpu.memory_space<vmem>>
      %dma_start3A_183 = tpu.memref_squeeze %dma_start3A_182 : memref<1x64xf32, #tpu.memory_space<vmem>> -> memref<64xf32, #tpu.memory_space<vmem>>
      %dma_start3A_184 = arith.constant 0 : i32
      %dma_start3A_185 = tpu.memref_slice %arg5[%squeeze3A_172, %squeeze3A_174, %dma_start3A_184] : memref<1250x8x64xf32, #tpu.memory_space<hbm>> -> memref<1x1x64xf32, #tpu.memory_space<hbm>>
      %dma_start3A_186 = tpu.memref_squeeze %dma_start3A_185 : memref<1x1x64xf32, #tpu.memory_space<hbm>> -> memref<64xf32, #tpu.memory_space<hbm>>
      tpu.enqueue_dma source(%dma_start3A_186 : memref<64xf32, #tpu.memory_space<hbm>>) target(%dma_start3A_183 : memref<64xf32, #tpu.memory_space<vmem>>) target_semaphore(%arg21 : memref<!tpu.dma_semaphore, #tpu.memory_space<semaphore_mem>>)
      %add3A_187 = arith.constant 2 : i32
      %add3A_188 = arith.addi %mul3A_24, %add3A_187 : i32
      %slice3A_189 = vector.extract_strided_slice %shift_right_arithmetic3A_37 {offsets = [2], sizes = [1], strides = [1]} : vector<16xi32> to vector<1xi32>
      %squeeze3A_190 = vector.extract %slice3A_189[0] : i32 from vector<1xi32>
      %slice3A_191 = vector.extract_strided_slice %and3A_39 {offsets = [2], sizes = [1], strides = [1]} : vector<16xi32> to vector<1xi32>
      %squeeze3A_192 = vector.extract %slice3A_191[0] : i32 from vector<1xi32>
      %dma_start3A_193 = arith.constant 0 : i32
      %dma_start3A_194 = tpu.memref_slice %arg16[%add3A_188, %dma_start3A_193] : memref<128x64xf32, #tpu.memory_space<vmem>> -> memref<1x64xf32, #tpu.memory_space<vmem>>
      %dma_start3A_195 = tpu.memref_squeeze %dma_start3A_194 : memref<1x64xf32, #tpu.memory_space<vmem>> -> memref<64xf32, #tpu.memory_space<vmem>>
      %dma_start3A_196 = arith.constant 0 : i32
      %dma_start3A_197 = tpu.memref_slice %arg2[%squeeze3A_190, %squeeze3A_192, %dma_start3A_196] : memref<12500x8x64xf32, #tpu.memory_space<hbm>> -> memref<1x1x64xf32, #tpu.memory_space<hbm>>
      %dma_start3A_198 = tpu.memref_squeeze %dma_start3A_197 : memref<1x1x64xf32, #tpu.memory_space<hbm>> -> memref<64xf32, #tpu.memory_space<hbm>>
      %dma_start3A_199 = arith.constant 0 : i32
      %dma_start3A_200 = tpu.memref_slice %arg16[%add3A_188, %dma_start3A_199] : memref<128x64xf32, #tpu.memory_space<vmem>> -> memref<1x64xf32, #tpu.memory_space<vmem>>
      %dma_start3A_201 = tpu.memref_squeeze %dma_start3A_200 : memref<1x64xf32, #tpu.memory_space<vmem>> -> memref<64xf32, #tpu.memory_space<vmem>>
      %dma_start3A_202 = arith.constant 0 : i32
      %dma_start3A_203 = tpu.memref_slice %arg2[%squeeze3A_190, %squeeze3A_192, %dma_start3A_202] : memref<12500x8x64xf32, #tpu.memory_space<hbm>> -> memref<1x1x64xf32, #tpu.memory_space<hbm>>
      %dma_start3A_204 = tpu.memref_squeeze %dma_start3A_203 : memref<1x1x64xf32, #tpu.memory_space<hbm>> -> memref<64xf32, #tpu.memory_space<hbm>>
      tpu.enqueue_dma source(%dma_start3A_204 : memref<64xf32, #tpu.memory_space<hbm>>) target(%dma_start3A_201 : memref<64xf32, #tpu.memory_space<vmem>>) target_semaphore(%arg21 : memref<!tpu.dma_semaphore, #tpu.memory_space<semaphore_mem>>)
      %slice3A_205 = vector.extract_strided_slice %shift_right_arithmetic3A_42 {offsets = [2], sizes = [1], strides = [1]} : vector<16xi32> to vector<1xi32>
      %squeeze3A_206 = vector.extract %slice3A_205[0] : i32 from vector<1xi32>
      %slice3A_207 = vector.extract_strided_slice %and3A_45 {offsets = [2], sizes = [1], strides = [1]} : vector<16xi32> to vector<1xi32>
      %squeeze3A_208 = vector.extract %slice3A_207[0] : i32 from vector<1xi32>
      %dma_start3A_209 = arith.constant 0 : i32
      %dma_start3A_210 = tpu.memref_slice %arg17[%add3A_188, %dma_start3A_209] : memref<128x64xf32, #tpu.memory_space<vmem>> -> memref<1x64xf32, #tpu.memory_space<vmem>>
      %dma_start3A_211 = tpu.memref_squeeze %dma_start3A_210 : memref<1x64xf32, #tpu.memory_space<vmem>> -> memref<64xf32, #tpu.memory_space<vmem>>
      %dma_start3A_212 = arith.constant 0 : i32
      %dma_start3A_213 = tpu.memref_slice %arg3[%squeeze3A_206, %squeeze3A_208, %dma_start3A_212] : memref<25x8x64xf32, #tpu.memory_space<hbm>> -> memref<1x1x64xf32, #tpu.memory_space<hbm>>
      %dma_start3A_214 = tpu.memref_squeeze %dma_start3A_213 : memref<1x1x64xf32, #tpu.memory_space<hbm>> -> memref<64xf32, #tpu.memory_space<hbm>>
      %dma_start3A_215 = arith.constant 0 : i32
      %dma_start3A_216 = tpu.memref_slice %arg17[%add3A_188, %dma_start3A_215] : memref<128x64xf32, #tpu.memory_space<vmem>> -> memref<1x64xf32, #tpu.memory_space<vmem>>
      %dma_start3A_217 = tpu.memref_squeeze %dma_start3A_216 : memref<1x64xf32, #tpu.memory_space<vmem>> -> memref<64xf32, #tpu.memory_space<vmem>>
      %dma_start3A_218 = arith.constant 0 : i32
      %dma_start3A_219 = tpu.memref_slice %arg3[%squeeze3A_206, %squeeze3A_208, %dma_start3A_218] : memref<25x8x64xf32, #tpu.memory_space<hbm>> -> memref<1x1x64xf32, #tpu.memory_space<hbm>>
      %dma_start3A_220 = tpu.memref_squeeze %dma_start3A_219 : memref<1x1x64xf32, #tpu.memory_space<hbm>> -> memref<64xf32, #tpu.memory_space<hbm>>
      tpu.enqueue_dma source(%dma_start3A_220 : memref<64xf32, #tpu.memory_space<hbm>>) target(%dma_start3A_217 : memref<64xf32, #tpu.memory_space<vmem>>) target_semaphore(%arg21 : memref<!tpu.dma_semaphore, #tpu.memory_space<semaphore_mem>>)
      %slice3A_221 = vector.extract_strided_slice %shift_right_arithmetic3A_48 {offsets = [2], sizes = [1], strides = [1]} : vector<16xi32> to vector<1xi32>
      %squeeze3A_222 = vector.extract %slice3A_221[0] : i32 from vector<1xi32>
      %slice3A_223 = vector.extract_strided_slice %and3A_51 {offsets = [2], sizes = [1], strides = [1]} : vector<16xi32> to vector<1xi32>
      %squeeze3A_224 = vector.extract %slice3A_223[0] : i32 from vector<1xi32>
      %dma_start3A_225 = arith.constant 0 : i32
      %dma_start3A_226 = tpu.memref_slice %arg18[%add3A_188, %dma_start3A_225] : memref<128x64xf32, #tpu.memory_space<vmem>> -> memref<1x64xf32, #tpu.memory_space<vmem>>
      %dma_start3A_227 = tpu.memref_squeeze %dma_start3A_226 : memref<1x64xf32, #tpu.memory_space<vmem>> -> memref<64xf32, #tpu.memory_space<vmem>>
      %dma_start3A_228 = arith.constant 0 : i32
      %dma_start3A_229 = tpu.memref_slice %arg4[%squeeze3A_222, %squeeze3A_224, %dma_start3A_228] : memref<12500x8x64xf32, #tpu.memory_space<hbm>> -> memref<1x1x64xf32, #tpu.memory_space<hbm>>
      %dma_start3A_230 = tpu.memref_squeeze %dma_start3A_229 : memref<1x1x64xf32, #tpu.memory_space<hbm>> -> memref<64xf32, #tpu.memory_space<hbm>>
      %dma_start3A_231 = arith.constant 0 : i32
      %dma_start3A_232 = tpu.memref_slice %arg18[%add3A_188, %dma_start3A_231] : memref<128x64xf32, #tpu.memory_space<vmem>> -> memref<1x64xf32, #tpu.memory_space<vmem>>
      %dma_start3A_233 = tpu.memref_squeeze %dma_start3A_232 : memref<1x64xf32, #tpu.memory_space<vmem>> -> memref<64xf32, #tpu.memory_space<vmem>>
      %dma_start3A_234 = arith.constant 0 : i32
      %dma_start3A_235 = tpu.memref_slice %arg4[%squeeze3A_222, %squeeze3A_224, %dma_start3A_234] : memref<12500x8x64xf32, #tpu.memory_space<hbm>> -> memref<1x1x64xf32, #tpu.memory_space<hbm>>
      %dma_start3A_236 = tpu.memref_squeeze %dma_start3A_235 : memref<1x1x64xf32, #tpu.memory_space<hbm>> -> memref<64xf32, #tpu.memory_space<hbm>>
      tpu.enqueue_dma source(%dma_start3A_236 : memref<64xf32, #tpu.memory_space<hbm>>) target(%dma_start3A_233 : memref<64xf32, #tpu.memory_space<vmem>>) target_semaphore(%arg21 : memref<!tpu.dma_semaphore, #tpu.memory_space<semaphore_mem>>)
      %slice3A_237 = vector.extract_strided_slice %shift_right_arithmetic3A_54 {offsets = [2], sizes = [1], strides = [1]} : vector<16xi32> to vector<1xi32>
      %squeeze3A_238 = vector.extract %slice3A_237[0] : i32 from vector<1xi32>
      %slice3A_239 = vector.extract_strided_slice %and3A_57 {offsets = [2], sizes = [1], strides = [1]} : vector<16xi32> to vector<1xi32>
      %squeeze3A_240 = vector.extract %slice3A_239[0] : i32 from vector<1xi32>
      %dma_start3A_241 = arith.constant 0 : i32
      %dma_start3A_242 = tpu.memref_slice %arg19[%add3A_188, %dma_start3A_241] : memref<128x64xf32, #tpu.memory_space<vmem>> -> memref<1x64xf32, #tpu.memory_space<vmem>>
      %dma_start3A_243 = tpu.memref_squeeze %dma_start3A_242 : memref<1x64xf32, #tpu.memory_space<vmem>> -> memref<64xf32, #tpu.memory_space<vmem>>
      %dma_start3A_244 = arith.constant 0 : i32
      %dma_start3A_245 = tpu.memref_slice %arg5[%squeeze3A_238, %squeeze3A_240, %dma_start3A_244] : memref<1250x8x64xf32, #tpu.memory_space<hbm>> -> memref<1x1x64xf32, #tpu.memory_space<hbm>>
      %dma_start3A_246 = tpu.memref_squeeze %dma_start3A_245 : memref<1x1x64xf32, #tpu.memory_space<hbm>> -> memref<64xf32, #tpu.memory_space<hbm>>
      %dma_start3A_247 = arith.constant 0 : i32
      %dma_start3A_248 = tpu.memref_slice %arg19[%add3A_188, %dma_start3A_247] : memref<128x64xf32, #tpu.memory_space<vmem>> -> memref<1x64xf32, #tpu.memory_space<vmem>>
      %dma_start3A_249 = tpu.memref_squeeze %dma_start3A_248 : memref<1x64xf32, #tpu.memory_space<vmem>> -> memref<64xf32, #tpu.memory_space<vmem>>
      %dma_start3A_250 = arith.constant 0 : i32
      %dma_start3A_251 = tpu.memref_slice %arg5[%squeeze3A_238, %squeeze3A_240, %dma_start3A_250] : memref<1250x8x64xf32, #tpu.memory_space<hbm>> -> memref<1x1x64xf32, #tpu.memory_space<hbm>>
      %dma_start3A_252 = tpu.memref_squeeze %dma_start3A_251 : memref<1x1x64xf32, #tpu.memory_space<hbm>> -> memref<64xf32, #tpu.memory_space<hbm>>
      tpu.enqueue_dma source(%dma_start3A_252 : memref<64xf32, #tpu.memory_space<hbm>>) target(%dma_start3A_249 : memref<64xf32, #tpu.memory_space<vmem>>) target_semaphore(%arg21 : memref<!tpu.dma_semaphore, #tpu.memory_space<semaphore_mem>>)
      %add3A_253 = arith.constant 3 : i32
      %add3A_254 = arith.addi %mul3A_24, %add3A_253 : i32
      %slice3A_255 = vector.extract_strided_slice %shift_right_arithmetic3A_37 {offsets = [3], sizes = [1], strides = [1]} : vector<16xi32> to vector<1xi32>
      %squeeze3A_256 = vector.extract %slice3A_255[0] : i32 from vector<1xi32>
      %slice3A_257 = vector.extract_strided_slice %and3A_39 {offsets = [3], sizes = [1], strides = [1]} : vector<16xi32> to vector<1xi32>
      %squeeze3A_258 = vector.extract %slice3A_257[0] : i32 from vector<1xi32>
      %dma_start3A_259 = arith.constant 0 : i32
      %dma_start3A_260 = tpu.memref_slice %arg16[%add3A_254, %dma_start3A_259] : memref<128x64xf32, #tpu.memory_space<vmem>> -> memref<1x64xf32, #tpu.memory_space<vmem>>
      %dma_start3A_261 = tpu.memref_squeeze %dma_start3A_260 : memref<1x64xf32, #tpu.memory_space<vmem>> -> memref<64xf32, #tpu.memory_space<vmem>>
      %dma_start3A_262 = arith.constant 0 : i32
      %dma_start3A_263 = tpu.memref_slice %arg2[%squeeze3A_256, %squeeze3A_258, %dma_start3A_262] : memref<12500x8x64xf32, #tpu.memory_space<hbm>> -> memref<1x1x64xf32, #tpu.memory_space<hbm>>
      %dma_start3A_264 = tpu.memref_squeeze %dma_start3A_263 : memref<1x1x64xf32, #tpu.memory_space<hbm>> -> memref<64xf32, #tpu.memory_space<hbm>>
      %dma_start3A_265 = arith.constant 0 : i32
      %dma_start3A_266 = tpu.memref_slice %arg16[%add3A_254, %dma_start3A_265] : memref<128x64xf32, #tpu.memory_space<vmem>> -> memref<1x64xf32, #tpu.memory_space<vmem>>
      %dma_start3A_267 = tpu.memref_squeeze %dma_start3A_266 : memref<1x64xf32, #tpu.memory_space<vmem>> -> memref<64xf32, #tpu.memory_space<vmem>>
      %dma_start3A_268 = arith.constant 0 : i32
      %dma_start3A_269 = tpu.memref_slice %arg2[%squeeze3A_256, %squeeze3A_258, %dma_start3A_268] : memref<12500x8x64xf32, #tpu.memory_space<hbm>> -> memref<1x1x64xf32, #tpu.memory_space<hbm>>
      %dma_start3A_270 = tpu.memref_squeeze %dma_start3A_269 : memref<1x1x64xf32, #tpu.memory_space<hbm>> -> memref<64xf32, #tpu.memory_space<hbm>>
      tpu.enqueue_dma source(%dma_start3A_270 : memref<64xf32, #tpu.memory_space<hbm>>) target(%dma_start3A_267 : memref<64xf32, #tpu.memory_space<vmem>>) target_semaphore(%arg21 : memref<!tpu.dma_semaphore, #tpu.memory_space<semaphore_mem>>)
      %slice3A_271 = vector.extract_strided_slice %shift_right_arithmetic3A_42 {offsets = [3], sizes = [1], strides = [1]} : vector<16xi32> to vector<1xi32>
      %squeeze3A_272 = vector.extract %slice3A_271[0] : i32 from vector<1xi32>
      %slice3A_273 = vector.extract_strided_slice %and3A_45 {offsets = [3], sizes = [1], strides = [1]} : vector<16xi32> to vector<1xi32>
      %squeeze3A_274 = vector.extract %slice3A_273[0] : i32 from vector<1xi32>
      %dma_start3A_275 = arith.constant 0 : i32
      %dma_start3A_276 = tpu.memref_slice %arg17[%add3A_254, %dma_start3A_275] : memref<128x64xf32, #tpu.memory_space<vmem>> -> memref<1x64xf32, #tpu.memory_space<vmem>>
      %dma_start3A_277 = tpu.memref_squeeze %dma_start3A_276 : memref<1x64xf32, #tpu.memory_space<vmem>> -> memref<64xf32, #tpu.memory_space<vmem>>
      %dma_start3A_278 = arith.constant 0 : i32
      %dma_start3A_279 = tpu.memref_slice %arg3[%squeeze3A_272, %squeeze3A_274, %dma_start3A_278] : memref<25x8x64xf32, #tpu.memory_space<hbm>> -> memref<1x1x64xf32, #tpu.memory_space<hbm>>
      %dma_start3A_280 = tpu.memref_squeeze %dma_start3A_279 : memref<1x1x64xf32, #tpu.memory_space<hbm>> -> memref<64xf32, #tpu.memory_space<hbm>>
      %dma_start3A_281 = arith.constant 0 : i32
      %dma_start3A_282 = tpu.memref_slice %arg17[%add3A_254, %dma_start3A_281] : memref<128x64xf32, #tpu.memory_space<vmem>> -> memref<1x64xf32, #tpu.memory_space<vmem>>
      %dma_start3A_283 = tpu.memref_squeeze %dma_start3A_282 : memref<1x64xf32, #tpu.memory_space<vmem>> -> memref<64xf32, #tpu.memory_space<vmem>>
      %dma_start3A_284 = arith.constant 0 : i32
      %dma_start3A_285 = tpu.memref_slice %arg3[%squeeze3A_272, %squeeze3A_274, %dma_start3A_284] : memref<25x8x64xf32, #tpu.memory_space<hbm>> -> memref<1x1x64xf32, #tpu.memory_space<hbm>>
      %dma_start3A_286 = tpu.memref_squeeze %dma_start3A_285 : memref<1x1x64xf32, #tpu.memory_space<hbm>> -> memref<64xf32, #tpu.memory_space<hbm>>
      tpu.enqueue_dma source(%dma_start3A_286 : memref<64xf32, #tpu.memory_space<hbm>>) target(%dma_start3A_283 : memref<64xf32, #tpu.memory_space<vmem>>) target_semaphore(%arg21 : memref<!tpu.dma_semaphore, #tpu.memory_space<semaphore_mem>>)
      %slice3A_287 = vector.extract_strided_slice %shift_right_arithmetic3A_48 {offsets = [3], sizes = [1], strides = [1]} : vector<16xi32> to vector<1xi32>
      %squeeze3A_288 = vector.extract %slice3A_287[0] : i32 from vector<1xi32>
      %slice3A_289 = vector.extract_strided_slice %and3A_51 {offsets = [3], sizes = [1], strides = [1]} : vector<16xi32> to vector<1xi32>
      %squeeze3A_290 = vector.extract %slice3A_289[0] : i32 from vector<1xi32>
      %dma_start3A_291 = arith.constant 0 : i32
      %dma_start3A_292 = tpu.memref_slice %arg18[%add3A_254, %dma_start3A_291] : memref<128x64xf32, #tpu.memory_space<vmem>> -> memref<1x64xf32, #tpu.memory_space<vmem>>
      %dma_start3A_293 = tpu.memref_squeeze %dma_start3A_292 : memref<1x64xf32, #tpu.memory_space<vmem>> -> memref<64xf32, #tpu.memory_space<vmem>>
      %dma_start3A_294 = arith.constant 0 : i32
      %dma_start3A_295 = tpu.memref_slice %arg4[%squeeze3A_288, %squeeze3A_290, %dma_start3A_294] : memref<12500x8x64xf32, #tpu.memory_space<hbm>> -> memref<1x1x64xf32, #tpu.memory_space<hbm>>
      %dma_start3A_296 = tpu.memref_squeeze %dma_start3A_295 : memref<1x1x64xf32, #tpu.memory_space<hbm>> -> memref<64xf32, #tpu.memory_space<hbm>>
      %dma_start3A_297 = arith.constant 0 : i32
      %dma_start3A_298 = tpu.memref_slice %arg18[%add3A_254, %dma_start3A_297] : memref<128x64xf32, #tpu.memory_space<vmem>> -> memref<1x64xf32, #tpu.memory_space<vmem>>
      %dma_start3A_299 = tpu.memref_squeeze %dma_start3A_298 : memref<1x64xf32, #tpu.memory_space<vmem>> -> memref<64xf32, #tpu.memory_space<vmem>>
      %dma_start3A_300 = arith.constant 0 : i32
      %dma_start3A_301 = tpu.memref_slice %arg4[%squeeze3A_288, %squeeze3A_290, %dma_start3A_300] : memref<12500x8x64xf32, #tpu.memory_space<hbm>> -> memref<1x1x64xf32, #tpu.memory_space<hbm>>
      %dma_start3A_302 = tpu.memref_squeeze %dma_start3A_301 : memref<1x1x64xf32, #tpu.memory_space<hbm>> -> memref<64xf32, #tpu.memory_space<hbm>>
      tpu.enqueue_dma source(%dma_start3A_302 : memref<64xf32, #tpu.memory_space<hbm>>) target(%dma_start3A_299 : memref<64xf32, #tpu.memory_space<vmem>>) target_semaphore(%arg21 : memref<!tpu.dma_semaphore, #tpu.memory_space<semaphore_mem>>)
      %slice3A_303 = vector.extract_strided_slice %shift_right_arithmetic3A_54 {offsets = [3], sizes = [1], strides = [1]} : vector<16xi32> to vector<1xi32>
      %squeeze3A_304 = vector.extract %slice3A_303[0] : i32 from vector<1xi32>
      %slice3A_305 = vector.extract_strided_slice %and3A_57 {offsets = [3], sizes = [1], strides = [1]} : vector<16xi32> to vector<1xi32>
      %squeeze3A_306 = vector.extract %slice3A_305[0] : i32 from vector<1xi32>
      %dma_start3A_307 = arith.constant 0 : i32
      %dma_start3A_308 = tpu.memref_slice %arg19[%add3A_254, %dma_start3A_307] : memref<128x64xf32, #tpu.memory_space<vmem>> -> memref<1x64xf32, #tpu.memory_space<vmem>>
      %dma_start3A_309 = tpu.memref_squeeze %dma_start3A_308 : memref<1x64xf32, #tpu.memory_space<vmem>> -> memref<64xf32, #tpu.memory_space<vmem>>
      %dma_start3A_310 = arith.constant 0 : i32
      %dma_start3A_311 = tpu.memref_slice %arg5[%squeeze3A_304, %squeeze3A_306, %dma_start3A_310] : memref<1250x8x64xf32, #tpu.memory_space<hbm>> -> memref<1x1x64xf32, #tpu.memory_space<hbm>>
      %dma_start3A_312 = tpu.memref_squeeze %dma_start3A_311 : memref<1x1x64xf32, #tpu.memory_space<hbm>> -> memref<64xf32, #tpu.memory_space<hbm>>
      %dma_start3A_313 = arith.constant 0 : i32
      %dma_start3A_314 = tpu.memref_slice %arg19[%add3A_254, %dma_start3A_313] : memref<128x64xf32, #tpu.memory_space<vmem>> -> memref<1x64xf32, #tpu.memory_space<vmem>>
      %dma_start3A_315 = tpu.memref_squeeze %dma_start3A_314 : memref<1x64xf32, #tpu.memory_space<vmem>> -> memref<64xf32, #tpu.memory_space<vmem>>
      %dma_start3A_316 = arith.constant 0 : i32
      %dma_start3A_317 = tpu.memref_slice %arg5[%squeeze3A_304, %squeeze3A_306, %dma_start3A_316] : memref<1250x8x64xf32, #tpu.memory_space<hbm>> -> memref<1x1x64xf32, #tpu.memory_space<hbm>>
      %dma_start3A_318 = tpu.memref_squeeze %dma_start3A_317 : memref<1x1x64xf32, #tpu.memory_space<hbm>> -> memref<64xf32, #tpu.memory_space<hbm>>
      tpu.enqueue_dma source(%dma_start3A_318 : memref<64xf32, #tpu.memory_space<hbm>>) target(%dma_start3A_315 : memref<64xf32, #tpu.memory_space<vmem>>) target_semaphore(%arg21 : memref<!tpu.dma_semaphore, #tpu.memory_space<semaphore_mem>>)
      %add3A_319 = arith.constant 4 : i32
      %add3A_320 = arith.addi %mul3A_24, %add3A_319 : i32
      %slice3A_321 = vector.extract_strided_slice %shift_right_arithmetic3A_37 {offsets = [4], sizes = [1], strides = [1]} : vector<16xi32> to vector<1xi32>
      %squeeze3A_322 = vector.extract %slice3A_321[0] : i32 from vector<1xi32>
      %slice3A_323 = vector.extract_strided_slice %and3A_39 {offsets = [4], sizes = [1], strides = [1]} : vector<16xi32> to vector<1xi32>
      %squeeze3A_324 = vector.extract %slice3A_323[0] : i32 from vector<1xi32>
      %dma_start3A_325 = arith.constant 0 : i32
      %dma_start3A_326 = tpu.memref_slice %arg16[%add3A_320, %dma_start3A_325] : memref<128x64xf32, #tpu.memory_space<vmem>> -> memref<1x64xf32, #tpu.memory_space<vmem>>
      %dma_start3A_327 = tpu.memref_squeeze %dma_start3A_326 : memref<1x64xf32, #tpu.memory_space<vmem>> -> memref<64xf32, #tpu.memory_space<vmem>>
      %dma_start3A_328 = arith.constant 0 : i32
      %dma_start3A_329 = tpu.memref_slice %arg2[%squeeze3A_322, %squeeze3A_324, %dma_start3A_328] : memref<12500x8x64xf32, #tpu.memory_space<hbm>> -> memref<1x1x64xf32, #tpu.memory_space<hbm>>
      %dma_start3A_330 = tpu.memref_squeeze %dma_start3A_329 : memref<1x1x64xf32, #tpu.memory_space<hbm>> -> memref<64xf32, #tpu.memory_space<hbm>>
      %dma_start3A_331 = arith.constant 0 : i32
      %dma_start3A_332 = tpu.memref_slice %arg16[%add3A_320, %dma_start3A_331] : memref<128x64xf32, #tpu.memory_space<vmem>> -> memref<1x64xf32, #tpu.memory_space<vmem>>
      %dma_start3A_333 = tpu.memref_squeeze %dma_start3A_332 : memref<1x64xf32, #tpu.memory_space<vmem>> -> memref<64xf32, #tpu.memory_space<vmem>>
      %dma_start3A_334 = arith.constant 0 : i32
      %dma_start3A_335 = tpu.memref_slice %arg2[%squeeze3A_322, %squeeze3A_324, %dma_start3A_334] : memref<12500x8x64xf32, #tpu.memory_space<hbm>> -> memref<1x1x64xf32, #tpu.memory_space<hbm>>
      %dma_start3A_336 = tpu.memref_squeeze %dma_start3A_335 : memref<1x1x64xf32, #tpu.memory_space<hbm>> -> memref<64xf32, #tpu.memory_space<hbm>>
      tpu.enqueue_dma source(%dma_start3A_336 : memref<64xf32, #tpu.memory_space<hbm>>) target(%dma_start3A_333 : memref<64xf32, #tpu.memory_space<vmem>>) target_semaphore(%arg21 : memref<!tpu.dma_semaphore, #tpu.memory_space<semaphore_mem>>)
      %slice3A_337 = vector.extract_strided_slice %shift_right_arithmetic3A_42 {offsets = [4], sizes = [1], strides = [1]} : vector<16xi32> to vector<1xi32>
      %squeeze3A_338 = vector.extract %slice3A_337[0] : i32 from vector<1xi32>
      %slice3A_339 = vector.extract_strided_slice %and3A_45 {offsets = [4], sizes = [1], strides = [1]} : vector<16xi32> to vector<1xi32>
      %squeeze3A_340 = vector.extract %slice3A_339[0] : i32 from vector<1xi32>
      %dma_start3A_341 = arith.constant 0 : i32
      %dma_start3A_342 = tpu.memref_slice %arg17[%add3A_320, %dma_start3A_341] : memref<128x64xf32, #tpu.memory_space<vmem>> -> memref<1x64xf32, #tpu.memory_space<vmem>>
      %dma_start3A_343 = tpu.memref_squeeze %dma_start3A_342 : memref<1x64xf32, #tpu.memory_space<vmem>> -> memref<64xf32, #tpu.memory_space<vmem>>
      %dma_start3A_344 = arith.constant 0 : i32
      %dma_start3A_345 = tpu.memref_slice %arg3[%squeeze3A_338, %squeeze3A_340, %dma_start3A_344] : memref<25x8x64xf32, #tpu.memory_space<hbm>> -> memref<1x1x64xf32, #tpu.memory_space<hbm>>
      %dma_start3A_346 = tpu.memref_squeeze %dma_start3A_345 : memref<1x1x64xf32, #tpu.memory_space<hbm>> -> memref<64xf32, #tpu.memory_space<hbm>>
      %dma_start3A_347 = arith.constant 0 : i32
      %dma_start3A_348 = tpu.memref_slice %arg17[%add3A_320, %dma_start3A_347] : memref<128x64xf32, #tpu.memory_space<vmem>> -> memref<1x64xf32, #tpu.memory_space<vmem>>
      %dma_start3A_349 = tpu.memref_squeeze %dma_start3A_348 : memref<1x64xf32, #tpu.memory_space<vmem>> -> memref<64xf32, #tpu.memory_space<vmem>>
      %dma_start3A_350 = arith.constant 0 : i32
      %dma_start3A_351 = tpu.memref_slice %arg3[%squeeze3A_338, %squeeze3A_340, %dma_start3A_350] : memref<25x8x64xf32, #tpu.memory_space<hbm>> -> memref<1x1x64xf32, #tpu.memory_space<hbm>>
      %dma_start3A_352 = tpu.memref_squeeze %dma_start3A_351 : memref<1x1x64xf32, #tpu.memory_space<hbm>> -> memref<64xf32, #tpu.memory_space<hbm>>
      tpu.enqueue_dma source(%dma_start3A_352 : memref<64xf32, #tpu.memory_space<hbm>>) target(%dma_start3A_349 : memref<64xf32, #tpu.memory_space<vmem>>) target_semaphore(%arg21 : memref<!tpu.dma_semaphore, #tpu.memory_space<semaphore_mem>>)
      %slice3A_353 = vector.extract_strided_slice %shift_right_arithmetic3A_48 {offsets = [4], sizes = [1], strides = [1]} : vector<16xi32> to vector<1xi32>
      %squeeze3A_354 = vector.extract %slice3A_353[0] : i32 from vector<1xi32>
      %slice3A_355 = vector.extract_strided_slice %and3A_51 {offsets = [4], sizes = [1], strides = [1]} : vector<16xi32> to vector<1xi32>
      %squeeze3A_356 = vector.extract %slice3A_355[0] : i32 from vector<1xi32>
      %dma_start3A_357 = arith.constant 0 : i32
      %dma_start3A_358 = tpu.memref_slice %arg18[%add3A_320, %dma_start3A_357] : memref<128x64xf32, #tpu.memory_space<vmem>> -> memref<1x64xf32, #tpu.memory_space<vmem>>
      %dma_start3A_359 = tpu.memref_squeeze %dma_start3A_358 : memref<1x64xf32, #tpu.memory_space<vmem>> -> memref<64xf32, #tpu.memory_space<vmem>>
      %dma_start3A_360 = arith.constant 0 : i32
      %dma_start3A_361 = tpu.memref_slice %arg4[%squeeze3A_354, %squeeze3A_356, %dma_start3A_360] : memref<12500x8x64xf32, #tpu.memory_space<hbm>> -> memref<1x1x64xf32, #tpu.memory_space<hbm>>
      %dma_start3A_362 = tpu.memref_squeeze %dma_start3A_361 : memref<1x1x64xf32, #tpu.memory_space<hbm>> -> memref<64xf32, #tpu.memory_space<hbm>>
      %dma_start3A_363 = arith.constant 0 : i32
      %dma_start3A_364 = tpu.memref_slice %arg18[%add3A_320, %dma_start3A_363] : memref<128x64xf32, #tpu.memory_space<vmem>> -> memref<1x64xf32, #tpu.memory_space<vmem>>
      %dma_start3A_365 = tpu.memref_squeeze %dma_start3A_364 : memref<1x64xf32, #tpu.memory_space<vmem>> -> memref<64xf32, #tpu.memory_space<vmem>>
      %dma_start3A_366 = arith.constant 0 : i32
      %dma_start3A_367 = tpu.memref_slice %arg4[%squeeze3A_354, %squeeze3A_356, %dma_start3A_366] : memref<12500x8x64xf32, #tpu.memory_space<hbm>> -> memref<1x1x64xf32, #tpu.memory_space<hbm>>
      %dma_start3A_368 = tpu.memref_squeeze %dma_start3A_367 : memref<1x1x64xf32, #tpu.memory_space<hbm>> -> memref<64xf32, #tpu.memory_space<hbm>>
      tpu.enqueue_dma source(%dma_start3A_368 : memref<64xf32, #tpu.memory_space<hbm>>) target(%dma_start3A_365 : memref<64xf32, #tpu.memory_space<vmem>>) target_semaphore(%arg21 : memref<!tpu.dma_semaphore, #tpu.memory_space<semaphore_mem>>)
      %slice3A_369 = vector.extract_strided_slice %shift_right_arithmetic3A_54 {offsets = [4], sizes = [1], strides = [1]} : vector<16xi32> to vector<1xi32>
      %squeeze3A_370 = vector.extract %slice3A_369[0] : i32 from vector<1xi32>
      %slice3A_371 = vector.extract_strided_slice %and3A_57 {offsets = [4], sizes = [1], strides = [1]} : vector<16xi32> to vector<1xi32>
      %squeeze3A_372 = vector.extract %slice3A_371[0] : i32 from vector<1xi32>
      %dma_start3A_373 = arith.constant 0 : i32
      %dma_start3A_374 = tpu.memref_slice %arg19[%add3A_320, %dma_start3A_373] : memref<128x64xf32, #tpu.memory_space<vmem>> -> memref<1x64xf32, #tpu.memory_space<vmem>>
      %dma_start3A_375 = tpu.memref_squeeze %dma_start3A_374 : memref<1x64xf32, #tpu.memory_space<vmem>> -> memref<64xf32, #tpu.memory_space<vmem>>
      %dma_start3A_376 = arith.constant 0 : i32
      %dma_start3A_377 = tpu.memref_slice %arg5[%squeeze3A_370, %squeeze3A_372, %dma_start3A_376] : memref<1250x8x64xf32, #tpu.memory_space<hbm>> -> memref<1x1x64xf32, #tpu.memory_space<hbm>>
      %dma_start3A_378 = tpu.memref_squeeze %dma_start3A_377 : memref<1x1x64xf32, #tpu.memory_space<hbm>> -> memref<64xf32, #tpu.memory_space<hbm>>
      %dma_start3A_379 = arith.constant 0 : i32
      %dma_start3A_380 = tpu.memref_slice %arg19[%add3A_320, %dma_start3A_379] : memref<128x64xf32, #tpu.memory_space<vmem>> -> memref<1x64xf32, #tpu.memory_space<vmem>>
      %dma_start3A_381 = tpu.memref_squeeze %dma_start3A_380 : memref<1x64xf32, #tpu.memory_space<vmem>> -> memref<64xf32, #tpu.memory_space<vmem>>
      %dma_start3A_382 = arith.constant 0 : i32
      %dma_start3A_383 = tpu.memref_slice %arg5[%squeeze3A_370, %squeeze3A_372, %dma_start3A_382] : memref<1250x8x64xf32, #tpu.memory_space<hbm>> -> memref<1x1x64xf32, #tpu.memory_space<hbm>>
      %dma_start3A_384 = tpu.memref_squeeze %dma_start3A_383 : memref<1x1x64xf32, #tpu.memory_space<hbm>> -> memref<64xf32, #tpu.memory_space<hbm>>
      tpu.enqueue_dma source(%dma_start3A_384 : memref<64xf32, #tpu.memory_space<hbm>>) target(%dma_start3A_381 : memref<64xf32, #tpu.memory_space<vmem>>) target_semaphore(%arg21 : memref<!tpu.dma_semaphore, #tpu.memory_space<semaphore_mem>>)
      %add3A_385 = arith.constant 5 : i32
      %add3A_386 = arith.addi %mul3A_24, %add3A_385 : i32
      %slice3A_387 = vector.extract_strided_slice %shift_right_arithmetic3A_37 {offsets = [5], sizes = [1], strides = [1]} : vector<16xi32> to vector<1xi32>
      %squeeze3A_388 = vector.extract %slice3A_387[0] : i32 from vector<1xi32>
      %slice3A_389 = vector.extract_strided_slice %and3A_39 {offsets = [5], sizes = [1], strides = [1]} : vector<16xi32> to vector<1xi32>
      %squeeze3A_390 = vector.extract %slice3A_389[0] : i32 from vector<1xi32>
      %dma_start3A_391 = arith.constant 0 : i32
      %dma_start3A_392 = tpu.memref_slice %arg16[%add3A_386, %dma_start3A_391] : memref<128x64xf32, #tpu.memory_space<vmem>> -> memref<1x64xf32, #tpu.memory_space<vmem>>
      %dma_start3A_393 = tpu.memref_squeeze %dma_start3A_392 : memref<1x64xf32, #tpu.memory_space<vmem>> -> memref<64xf32, #tpu.memory_space<vmem>>
      %dma_start3A_394 = arith.constant 0 : i32
      %dma_start3A_395 = tpu.memref_slice %arg2[%squeeze3A_388, %squeeze3A_390, %dma_start3A_394] : memref<12500x8x64xf32, #tpu.memory_space<hbm>> -> memref<1x1x64xf32, #tpu.memory_space<hbm>>
      %dma_start3A_396 = tpu.memref_squeeze %dma_start3A_395 : memref<1x1x64xf32, #tpu.memory_space<hbm>> -> memref<64xf32, #tpu.memory_space<hbm>>
      %dma_start3A_397 = arith.constant 0 : i32
      %dma_start3A_398 = tpu.memref_slice %arg16[%add3A_386, %dma_start3A_397] : memref<128x64xf32, #tpu.memory_space<vmem>> -> memref<1x64xf32, #tpu.memory_space<vmem>>
      %dma_start3A_399 = tpu.memref_squeeze %dma_start3A_398 : memref<1x64xf32, #tpu.memory_space<vmem>> -> memref<64xf32, #tpu.memory_space<vmem>>
      %dma_start3A_400 = arith.constant 0 : i32
      %dma_start3A_401 = tpu.memref_slice %arg2[%squeeze3A_388, %squeeze3A_390, %dma_start3A_400] : memref<12500x8x64xf32, #tpu.memory_space<hbm>> -> memref<1x1x64xf32, #tpu.memory_space<hbm>>
      %dma_start3A_402 = tpu.memref_squeeze %dma_start3A_401 : memref<1x1x64xf32, #tpu.memory_space<hbm>> -> memref<64xf32, #tpu.memory_space<hbm>>
      tpu.enqueue_dma source(%dma_start3A_402 : memref<64xf32, #tpu.memory_space<hbm>>) target(%dma_start3A_399 : memref<64xf32, #tpu.memory_space<vmem>>) target_semaphore(%arg21 : memref<!tpu.dma_semaphore, #tpu.memory_space<semaphore_mem>>)
      %slice3A_403 = vector.extract_strided_slice %shift_right_arithmetic3A_42 {offsets = [5], sizes = [1], strides = [1]} : vector<16xi32> to vector<1xi32>
      %squeeze3A_404 = vector.extract %slice3A_403[0] : i32 from vector<1xi32>
      %slice3A_405 = vector.extract_strided_slice %and3A_45 {offsets = [5], sizes = [1], strides = [1]} : vector<16xi32> to vector<1xi32>
      %squeeze3A_406 = vector.extract %slice3A_405[0] : i32 from vector<1xi32>
      %dma_start3A_407 = arith.constant 0 : i32
      %dma_start3A_408 = tpu.memref_slice %arg17[%add3A_386, %dma_start3A_407] : memref<128x64xf32, #tpu.memory_space<vmem>> -> memref<1x64xf32, #tpu.memory_space<vmem>>
      %dma_start3A_409 = tpu.memref_squeeze %dma_start3A_408 : memref<1x64xf32, #tpu.memory_space<vmem>> -> memref<64xf32, #tpu.memory_space<vmem>>
      %dma_start3A_410 = arith.constant 0 : i32
      %dma_start3A_411 = tpu.memref_slice %arg3[%squeeze3A_404, %squeeze3A_406, %dma_start3A_410] : memref<25x8x64xf32, #tpu.memory_space<hbm>> -> memref<1x1x64xf32, #tpu.memory_space<hbm>>
      %dma_start3A_412 = tpu.memref_squeeze %dma_start3A_411 : memref<1x1x64xf32, #tpu.memory_space<hbm>> -> memref<64xf32, #tpu.memory_space<hbm>>
      %dma_start3A_413 = arith.constant 0 : i32
      %dma_start3A_414 = tpu.memref_slice %arg17[%add3A_386, %dma_start3A_413] : memref<128x64xf32, #tpu.memory_space<vmem>> -> memref<1x64xf32, #tpu.memory_space<vmem>>
      %dma_start3A_415 = tpu.memref_squeeze %dma_start3A_414 : memref<1x64xf32, #tpu.memory_space<vmem>> -> memref<64xf32, #tpu.memory_space<vmem>>
      %dma_start3A_416 = arith.constant 0 : i32
      %dma_start3A_417 = tpu.memref_slice %arg3[%squeeze3A_404, %squeeze3A_406, %dma_start3A_416] : memref<25x8x64xf32, #tpu.memory_space<hbm>> -> memref<1x1x64xf32, #tpu.memory_space<hbm>>
      %dma_start3A_418 = tpu.memref_squeeze %dma_start3A_417 : memref<1x1x64xf32, #tpu.memory_space<hbm>> -> memref<64xf32, #tpu.memory_space<hbm>>
      tpu.enqueue_dma source(%dma_start3A_418 : memref<64xf32, #tpu.memory_space<hbm>>) target(%dma_start3A_415 : memref<64xf32, #tpu.memory_space<vmem>>) target_semaphore(%arg21 : memref<!tpu.dma_semaphore, #tpu.memory_space<semaphore_mem>>)
      %slice3A_419 = vector.extract_strided_slice %shift_right_arithmetic3A_48 {offsets = [5], sizes = [1], strides = [1]} : vector<16xi32> to vector<1xi32>
      %squeeze3A_420 = vector.extract %slice3A_419[0] : i32 from vector<1xi32>
      %slice3A_421 = vector.extract_strided_slice %and3A_51 {offsets = [5], sizes = [1], strides = [1]} : vector<16xi32> to vector<1xi32>
      %squeeze3A_422 = vector.extract %slice3A_421[0] : i32 from vector<1xi32>
      %dma_start3A_423 = arith.constant 0 : i32
      %dma_start3A_424 = tpu.memref_slice %arg18[%add3A_386, %dma_start3A_423] : memref<128x64xf32, #tpu.memory_space<vmem>> -> memref<1x64xf32, #tpu.memory_space<vmem>>
      %dma_start3A_425 = tpu.memref_squeeze %dma_start3A_424 : memref<1x64xf32, #tpu.memory_space<vmem>> -> memref<64xf32, #tpu.memory_space<vmem>>
      %dma_start3A_426 = arith.constant 0 : i32
      %dma_start3A_427 = tpu.memref_slice %arg4[%squeeze3A_420, %squeeze3A_422, %dma_start3A_426] : memref<12500x8x64xf32, #tpu.memory_space<hbm>> -> memref<1x1x64xf32, #tpu.memory_space<hbm>>
      %dma_start3A_428 = tpu.memref_squeeze %dma_start3A_427 : memref<1x1x64xf32, #tpu.memory_space<hbm>> -> memref<64xf32, #tpu.memory_space<hbm>>
      %dma_start3A_429 = arith.constant 0 : i32
      %dma_start3A_430 = tpu.memref_slice %arg18[%add3A_386, %dma_start3A_429] : memref<128x64xf32, #tpu.memory_space<vmem>> -> memref<1x64xf32, #tpu.memory_space<vmem>>
      %dma_start3A_431 = tpu.memref_squeeze %dma_start3A_430 : memref<1x64xf32, #tpu.memory_space<vmem>> -> memref<64xf32, #tpu.memory_space<vmem>>
      %dma_start3A_432 = arith.constant 0 : i32
      %dma_start3A_433 = tpu.memref_slice %arg4[%squeeze3A_420, %squeeze3A_422, %dma_start3A_432] : memref<12500x8x64xf32, #tpu.memory_space<hbm>> -> memref<1x1x64xf32, #tpu.memory_space<hbm>>
      %dma_start3A_434 = tpu.memref_squeeze %dma_start3A_433 : memref<1x1x64xf32, #tpu.memory_space<hbm>> -> memref<64xf32, #tpu.memory_space<hbm>>
      tpu.enqueue_dma source(%dma_start3A_434 : memref<64xf32, #tpu.memory_space<hbm>>) target(%dma_start3A_431 : memref<64xf32, #tpu.memory_space<vmem>>) target_semaphore(%arg21 : memref<!tpu.dma_semaphore, #tpu.memory_space<semaphore_mem>>)
      %slice3A_435 = vector.extract_strided_slice %shift_right_arithmetic3A_54 {offsets = [5], sizes = [1], strides = [1]} : vector<16xi32> to vector<1xi32>
      %squeeze3A_436 = vector.extract %slice3A_435[0] : i32 from vector<1xi32>
      %slice3A_437 = vector.extract_strided_slice %and3A_57 {offsets = [5], sizes = [1], strides = [1]} : vector<16xi32> to vector<1xi32>
      %squeeze3A_438 = vector.extract %slice3A_437[0] : i32 from vector<1xi32>
      %dma_start3A_439 = arith.constant 0 : i32
      %dma_start3A_440 = tpu.memref_slice %arg19[%add3A_386, %dma_start3A_439] : memref<128x64xf32, #tpu.memory_space<vmem>> -> memref<1x64xf32, #tpu.memory_space<vmem>>
      %dma_start3A_441 = tpu.memref_squeeze %dma_start3A_440 : memref<1x64xf32, #tpu.memory_space<vmem>> -> memref<64xf32, #tpu.memory_space<vmem>>
      %dma_start3A_442 = arith.constant 0 : i32
      %dma_start3A_443 = tpu.memref_slice %arg5[%squeeze3A_436, %squeeze3A_438, %dma_start3A_442] : memref<1250x8x64xf32, #tpu.memory_space<hbm>> -> memref<1x1x64xf32, #tpu.memory_space<hbm>>
      %dma_start3A_444 = tpu.memref_squeeze %dma_start3A_443 : memref<1x1x64xf32, #tpu.memory_space<hbm>> -> memref<64xf32, #tpu.memory_space<hbm>>
      %dma_start3A_445 = arith.constant 0 : i32
      %dma_start3A_446 = tpu.memref_slice %arg19[%add3A_386, %dma_start3A_445] : memref<128x64xf32, #tpu.memory_space<vmem>> -> memref<1x64xf32, #tpu.memory_space<vmem>>
      %dma_start3A_447 = tpu.memref_squeeze %dma_start3A_446 : memref<1x64xf32, #tpu.memory_space<vmem>> -> memref<64xf32, #tpu.memory_space<vmem>>
      %dma_start3A_448 = arith.constant 0 : i32
      %dma_start3A_449 = tpu.memref_slice %arg5[%squeeze3A_436, %squeeze3A_438, %dma_start3A_448] : memref<1250x8x64xf32, #tpu.memory_space<hbm>> -> memref<1x1x64xf32, #tpu.memory_space<hbm>>
      %dma_start3A_450 = tpu.memref_squeeze %dma_start3A_449 : memref<1x1x64xf32, #tpu.memory_space<hbm>> -> memref<64xf32, #tpu.memory_space<hbm>>
      tpu.enqueue_dma source(%dma_start3A_450 : memref<64xf32, #tpu.memory_space<hbm>>) target(%dma_start3A_447 : memref<64xf32, #tpu.memory_space<vmem>>) target_semaphore(%arg21 : memref<!tpu.dma_semaphore, #tpu.memory_space<semaphore_mem>>)
      %add3A_451 = arith.constant 6 : i32
      %add3A_452 = arith.addi %mul3A_24, %add3A_451 : i32
      %slice3A_453 = vector.extract_strided_slice %shift_right_arithmetic3A_37 {offsets = [6], sizes = [1], strides = [1]} : vector<16xi32> to vector<1xi32>
      %squeeze3A_454 = vector.extract %slice3A_453[0] : i32 from vector<1xi32>
      %slice3A_455 = vector.extract_strided_slice %and3A_39 {offsets = [6], sizes = [1], strides = [1]} : vector<16xi32> to vector<1xi32>
      %squeeze3A_456 = vector.extract %slice3A_455[0] : i32 from vector<1xi32>
      %dma_start3A_457 = arith.constant 0 : i32
      %dma_start3A_458 = tpu.memref_slice %arg16[%add3A_452, %dma_start3A_457] : memref<128x64xf32, #tpu.memory_space<vmem>> -> memref<1x64xf32, #tpu.memory_space<vmem>>
      %dma_start3A_459 = tpu.memref_squeeze %dma_start3A_458 : memref<1x64xf32, #tpu.memory_space<vmem>> -> memref<64xf32, #tpu.memory_space<vmem>>
      %dma_start3A_460 = arith.constant 0 : i32
      %dma_start3A_461 = tpu.memref_slice %arg2[%squeeze3A_454, %squeeze3A_456, %dma_start3A_460] : memref<12500x8x64xf32, #tpu.memory_space<hbm>> -> memref<1x1x64xf32, #tpu.memory_space<hbm>>
      %dma_start3A_462 = tpu.memref_squeeze %dma_start3A_461 : memref<1x1x64xf32, #tpu.memory_space<hbm>> -> memref<64xf32, #tpu.memory_space<hbm>>
      %dma_start3A_463 = arith.constant 0 : i32
      %dma_start3A_464 = tpu.memref_slice %arg16[%add3A_452, %dma_start3A_463] : memref<128x64xf32, #tpu.memory_space<vmem>> -> memref<1x64xf32, #tpu.memory_space<vmem>>
      %dma_start3A_465 = tpu.memref_squeeze %dma_start3A_464 : memref<1x64xf32, #tpu.memory_space<vmem>> -> memref<64xf32, #tpu.memory_space<vmem>>
      %dma_start3A_466 = arith.constant 0 : i32
      %dma_start3A_467 = tpu.memref_slice %arg2[%squeeze3A_454, %squeeze3A_456, %dma_start3A_466] : memref<12500x8x64xf32, #tpu.memory_space<hbm>> -> memref<1x1x64xf32, #tpu.memory_space<hbm>>
      %dma_start3A_468 = tpu.memref_squeeze %dma_start3A_467 : memref<1x1x64xf32, #tpu.memory_space<hbm>> -> memref<64xf32, #tpu.memory_space<hbm>>
      tpu.enqueue_dma source(%dma_start3A_468 : memref<64xf32, #tpu.memory_space<hbm>>) target(%dma_start3A_465 : memref<64xf32, #tpu.memory_space<vmem>>) target_semaphore(%arg21 : memref<!tpu.dma_semaphore, #tpu.memory_space<semaphore_mem>>)
      %slice3A_469 = vector.extract_strided_slice %shift_right_arithmetic3A_42 {offsets = [6], sizes = [1], strides = [1]} : vector<16xi32> to vector<1xi32>
      %squeeze3A_470 = vector.extract %slice3A_469[0] : i32 from vector<1xi32>
      %slice3A_471 = vector.extract_strided_slice %and3A_45 {offsets = [6], sizes = [1], strides = [1]} : vector<16xi32> to vector<1xi32>
      %squeeze3A_472 = vector.extract %slice3A_471[0] : i32 from vector<1xi32>
      %dma_start3A_473 = arith.constant 0 : i32
      %dma_start3A_474 = tpu.memref_slice %arg17[%add3A_452, %dma_start3A_473] : memref<128x64xf32, #tpu.memory_space<vmem>> -> memref<1x64xf32, #tpu.memory_space<vmem>>
      %dma_start3A_475 = tpu.memref_squeeze %dma_start3A_474 : memref<1x64xf32, #tpu.memory_space<vmem>> -> memref<64xf32, #tpu.memory_space<vmem>>
      %dma_start3A_476 = arith.constant 0 : i32
      %dma_start3A_477 = tpu.memref_slice %arg3[%squeeze3A_470, %squeeze3A_472, %dma_start3A_476] : memref<25x8x64xf32, #tpu.memory_space<hbm>> -> memref<1x1x64xf32, #tpu.memory_space<hbm>>
      %dma_start3A_478 = tpu.memref_squeeze %dma_start3A_477 : memref<1x1x64xf32, #tpu.memory_space<hbm>> -> memref<64xf32, #tpu.memory_space<hbm>>
      %dma_start3A_479 = arith.constant 0 : i32
      %dma_start3A_480 = tpu.memref_slice %arg17[%add3A_452, %dma_start3A_479] : memref<128x64xf32, #tpu.memory_space<vmem>> -> memref<1x64xf32, #tpu.memory_space<vmem>>
      %dma_start3A_481 = tpu.memref_squeeze %dma_start3A_480 : memref<1x64xf32, #tpu.memory_space<vmem>> -> memref<64xf32, #tpu.memory_space<vmem>>
      %dma_start3A_482 = arith.constant 0 : i32
      %dma_start3A_483 = tpu.memref_slice %arg3[%squeeze3A_470, %squeeze3A_472, %dma_start3A_482] : memref<25x8x64xf32, #tpu.memory_space<hbm>> -> memref<1x1x64xf32, #tpu.memory_space<hbm>>
      %dma_start3A_484 = tpu.memref_squeeze %dma_start3A_483 : memref<1x1x64xf32, #tpu.memory_space<hbm>> -> memref<64xf32, #tpu.memory_space<hbm>>
      tpu.enqueue_dma source(%dma_start3A_484 : memref<64xf32, #tpu.memory_space<hbm>>) target(%dma_start3A_481 : memref<64xf32, #tpu.memory_space<vmem>>) target_semaphore(%arg21 : memref<!tpu.dma_semaphore, #tpu.memory_space<semaphore_mem>>)
      %slice3A_485 = vector.extract_strided_slice %shift_right_arithmetic3A_48 {offsets = [6], sizes = [1], strides = [1]} : vector<16xi32> to vector<1xi32>
      %squeeze3A_486 = vector.extract %slice3A_485[0] : i32 from vector<1xi32>
      %slice3A_487 = vector.extract_strided_slice %and3A_51 {offsets = [6], sizes = [1], strides = [1]} : vector<16xi32> to vector<1xi32>
      %squeeze3A_488 = vector.extract %slice3A_487[0] : i32 from vector<1xi32>
      %dma_start3A_489 = arith.constant 0 : i32
      %dma_start3A_490 = tpu.memref_slice %arg18[%add3A_452, %dma_start3A_489] : memref<128x64xf32, #tpu.memory_space<vmem>> -> memref<1x64xf32, #tpu.memory_space<vmem>>
      %dma_start3A_491 = tpu.memref_squeeze %dma_start3A_490 : memref<1x64xf32, #tpu.memory_space<vmem>> -> memref<64xf32, #tpu.memory_space<vmem>>
      %dma_start3A_492 = arith.constant 0 : i32
      %dma_start3A_493 = tpu.memref_slice %arg4[%squeeze3A_486, %squeeze3A_488, %dma_start3A_492] : memref<12500x8x64xf32, #tpu.memory_space<hbm>> -> memref<1x1x64xf32, #tpu.memory_space<hbm>>
      %dma_start3A_494 = tpu.memref_squeeze %dma_start3A_493 : memref<1x1x64xf32, #tpu.memory_space<hbm>> -> memref<64xf32, #tpu.memory_space<hbm>>
      %dma_start3A_495 = arith.constant 0 : i32
      %dma_start3A_496 = tpu.memref_slice %arg18[%add3A_452, %dma_start3A_495] : memref<128x64xf32, #tpu.memory_space<vmem>> -> memref<1x64xf32, #tpu.memory_space<vmem>>
      %dma_start3A_497 = tpu.memref_squeeze %dma_start3A_496 : memref<1x64xf32, #tpu.memory_space<vmem>> -> memref<64xf32, #tpu.memory_space<vmem>>
      %dma_start3A_498 = arith.constant 0 : i32
      %dma_start3A_499 = tpu.memref_slice %arg4[%squeeze3A_486, %squeeze3A_488, %dma_start3A_498] : memref<12500x8x64xf32, #tpu.memory_space<hbm>> -> memref<1x1x64xf32, #tpu.memory_space<hbm>>
      %dma_start3A_500 = tpu.memref_squeeze %dma_start3A_499 : memref<1x1x64xf32, #tpu.memory_space<hbm>> -> memref<64xf32, #tpu.memory_space<hbm>>
      tpu.enqueue_dma source(%dma_start3A_500 : memref<64xf32, #tpu.memory_space<hbm>>) target(%dma_start3A_497 : memref<64xf32, #tpu.memory_space<vmem>>) target_semaphore(%arg21 : memref<!tpu.dma_semaphore, #tpu.memory_space<semaphore_mem>>)
      %slice3A_501 = vector.extract_strided_slice %shift_right_arithmetic3A_54 {offsets = [6], sizes = [1], strides = [1]} : vector<16xi32> to vector<1xi32>
      %squeeze3A_502 = vector.extract %slice3A_501[0] : i32 from vector<1xi32>
      %slice3A_503 = vector.extract_strided_slice %and3A_57 {offsets = [6], sizes = [1], strides = [1]} : vector<16xi32> to vector<1xi32>
      %squeeze3A_504 = vector.extract %slice3A_503[0] : i32 from vector<1xi32>
      %dma_start3A_505 = arith.constant 0 : i32
      %dma_start3A_506 = tpu.memref_slice %arg19[%add3A_452, %dma_start3A_505] : memref<128x64xf32, #tpu.memory_space<vmem>> -> memref<1x64xf32, #tpu.memory_space<vmem>>
      %dma_start3A_507 = tpu.memref_squeeze %dma_start3A_506 : memref<1x64xf32, #tpu.memory_space<vmem>> -> memref<64xf32, #tpu.memory_space<vmem>>
      %dma_start3A_508 = arith.constant 0 : i32
      %dma_start3A_509 = tpu.memref_slice %arg5[%squeeze3A_502, %squeeze3A_504, %dma_start3A_508] : memref<1250x8x64xf32, #tpu.memory_space<hbm>> -> memref<1x1x64xf32, #tpu.memory_space<hbm>>
      %dma_start3A_510 = tpu.memref_squeeze %dma_start3A_509 : memref<1x1x64xf32, #tpu.memory_space<hbm>> -> memref<64xf32, #tpu.memory_space<hbm>>
      %dma_start3A_511 = arith.constant 0 : i32
      %dma_start3A_512 = tpu.memref_slice %arg19[%add3A_452, %dma_start3A_511] : memref<128x64xf32, #tpu.memory_space<vmem>> -> memref<1x64xf32, #tpu.memory_space<vmem>>
      %dma_start3A_513 = tpu.memref_squeeze %dma_start3A_512 : memref<1x64xf32, #tpu.memory_space<vmem>> -> memref<64xf32, #tpu.memory_space<vmem>>
      %dma_start3A_514 = arith.constant 0 : i32
      %dma_start3A_515 = tpu.memref_slice %arg5[%squeeze3A_502, %squeeze3A_504, %dma_start3A_514] : memref<1250x8x64xf32, #tpu.memory_space<hbm>> -> memref<1x1x64xf32, #tpu.memory_space<hbm>>
      %dma_start3A_516 = tpu.memref_squeeze %dma_start3A_515 : memref<1x1x64xf32, #tpu.memory_space<hbm>> -> memref<64xf32, #tpu.memory_space<hbm>>
      tpu.enqueue_dma source(%dma_start3A_516 : memref<64xf32, #tpu.memory_space<hbm>>) target(%dma_start3A_513 : memref<64xf32, #tpu.memory_space<vmem>>) target_semaphore(%arg21 : memref<!tpu.dma_semaphore, #tpu.memory_space<semaphore_mem>>)
      %add3A_517 = arith.constant 7 : i32
      %add3A_518 = arith.addi %mul3A_24, %add3A_517 : i32
      %slice3A_519 = vector.extract_strided_slice %shift_right_arithmetic3A_37 {offsets = [7], sizes = [1], strides = [1]} : vector<16xi32> to vector<1xi32>
      %squeeze3A_520 = vector.extract %slice3A_519[0] : i32 from vector<1xi32>
      %slice3A_521 = vector.extract_strided_slice %and3A_39 {offsets = [7], sizes = [1], strides = [1]} : vector<16xi32> to vector<1xi32>
      %squeeze3A_522 = vector.extract %slice3A_521[0] : i32 from vector<1xi32>
      %dma_start3A_523 = arith.constant 0 : i32
      %dma_start3A_524 = tpu.memref_slice %arg16[%add3A_518, %dma_start3A_523] : memref<128x64xf32, #tpu.memory_space<vmem>> -> memref<1x64xf32, #tpu.memory_space<vmem>>
      %dma_start3A_525 = tpu.memref_squeeze %dma_start3A_524 : memref<1x64xf32, #tpu.memory_space<vmem>> -> memref<64xf32, #tpu.memory_space<vmem>>
      %dma_start3A_526 = arith.constant 0 : i32
      %dma_start3A_527 = tpu.memref_slice %arg2[%squeeze3A_520, %squeeze3A_522, %dma_start3A_526] : memref<12500x8x64xf32, #tpu.memory_space<hbm>> -> memref<1x1x64xf32, #tpu.memory_space<hbm>>
      %dma_start3A_528 = tpu.memref_squeeze %dma_start3A_527 : memref<1x1x64xf32, #tpu.memory_space<hbm>> -> memref<64xf32, #tpu.memory_space<hbm>>
      %dma_start3A_529 = arith.constant 0 : i32
      %dma_start3A_530 = tpu.memref_slice %arg16[%add3A_518, %dma_start3A_529] : memref<128x64xf32, #tpu.memory_space<vmem>> -> memref<1x64xf32, #tpu.memory_space<vmem>>
      %dma_start3A_531 = tpu.memref_squeeze %dma_start3A_530 : memref<1x64xf32, #tpu.memory_space<vmem>> -> memref<64xf32, #tpu.memory_space<vmem>>
      %dma_start3A_532 = arith.constant 0 : i32
      %dma_start3A_533 = tpu.memref_slice %arg2[%squeeze3A_520, %squeeze3A_522, %dma_start3A_532] : memref<12500x8x64xf32, #tpu.memory_space<hbm>> -> memref<1x1x64xf32, #tpu.memory_space<hbm>>
      %dma_start3A_534 = tpu.memref_squeeze %dma_start3A_533 : memref<1x1x64xf32, #tpu.memory_space<hbm>> -> memref<64xf32, #tpu.memory_space<hbm>>
      tpu.enqueue_dma source(%dma_start3A_534 : memref<64xf32, #tpu.memory_space<hbm>>) target(%dma_start3A_531 : memref<64xf32, #tpu.memory_space<vmem>>) target_semaphore(%arg21 : memref<!tpu.dma_semaphore, #tpu.memory_space<semaphore_mem>>)
      %slice3A_535 = vector.extract_strided_slice %shift_right_arithmetic3A_42 {offsets = [7], sizes = [1], strides = [1]} : vector<16xi32> to vector<1xi32>
      %squeeze3A_536 = vector.extract %slice3A_535[0] : i32 from vector<1xi32>
      %slice3A_537 = vector.extract_strided_slice %and3A_45 {offsets = [7], sizes = [1], strides = [1]} : vector<16xi32> to vector<1xi32>
      %squeeze3A_538 = vector.extract %slice3A_537[0] : i32 from vector<1xi32>
      %dma_start3A_539 = arith.constant 0 : i32
      %dma_start3A_540 = tpu.memref_slice %arg17[%add3A_518, %dma_start3A_539] : memref<128x64xf32, #tpu.memory_space<vmem>> -> memref<1x64xf32, #tpu.memory_space<vmem>>
      %dma_start3A_541 = tpu.memref_squeeze %dma_start3A_540 : memref<1x64xf32, #tpu.memory_space<vmem>> -> memref<64xf32, #tpu.memory_space<vmem>>
      %dma_start3A_542 = arith.constant 0 : i32
      %dma_start3A_543 = tpu.memref_slice %arg3[%squeeze3A_536, %squeeze3A_538, %dma_start3A_542] : memref<25x8x64xf32, #tpu.memory_space<hbm>> -> memref<1x1x64xf32, #tpu.memory_space<hbm>>
      %dma_start3A_544 = tpu.memref_squeeze %dma_start3A_543 : memref<1x1x64xf32, #tpu.memory_space<hbm>> -> memref<64xf32, #tpu.memory_space<hbm>>
      %dma_start3A_545 = arith.constant 0 : i32
      %dma_start3A_546 = tpu.memref_slice %arg17[%add3A_518, %dma_start3A_545] : memref<128x64xf32, #tpu.memory_space<vmem>> -> memref<1x64xf32, #tpu.memory_space<vmem>>
      %dma_start3A_547 = tpu.memref_squeeze %dma_start3A_546 : memref<1x64xf32, #tpu.memory_space<vmem>> -> memref<64xf32, #tpu.memory_space<vmem>>
      %dma_start3A_548 = arith.constant 0 : i32
      %dma_start3A_549 = tpu.memref_slice %arg3[%squeeze3A_536, %squeeze3A_538, %dma_start3A_548] : memref<25x8x64xf32, #tpu.memory_space<hbm>> -> memref<1x1x64xf32, #tpu.memory_space<hbm>>
      %dma_start3A_550 = tpu.memref_squeeze %dma_start3A_549 : memref<1x1x64xf32, #tpu.memory_space<hbm>> -> memref<64xf32, #tpu.memory_space<hbm>>
      tpu.enqueue_dma source(%dma_start3A_550 : memref<64xf32, #tpu.memory_space<hbm>>) target(%dma_start3A_547 : memref<64xf32, #tpu.memory_space<vmem>>) target_semaphore(%arg21 : memref<!tpu.dma_semaphore, #tpu.memory_space<semaphore_mem>>)
      %slice3A_551 = vector.extract_strided_slice %shift_right_arithmetic3A_48 {offsets = [7], sizes = [1], strides = [1]} : vector<16xi32> to vector<1xi32>
      %squeeze3A_552 = vector.extract %slice3A_551[0] : i32 from vector<1xi32>
      %slice3A_553 = vector.extract_strided_slice %and3A_51 {offsets = [7], sizes = [1], strides = [1]} : vector<16xi32> to vector<1xi32>
      %squeeze3A_554 = vector.extract %slice3A_553[0] : i32 from vector<1xi32>
      %dma_start3A_555 = arith.constant 0 : i32
      %dma_start3A_556 = tpu.memref_slice %arg18[%add3A_518, %dma_start3A_555] : memref<128x64xf32, #tpu.memory_space<vmem>> -> memref<1x64xf32, #tpu.memory_space<vmem>>
      %dma_start3A_557 = tpu.memref_squeeze %dma_start3A_556 : memref<1x64xf32, #tpu.memory_space<vmem>> -> memref<64xf32, #tpu.memory_space<vmem>>
      %dma_start3A_558 = arith.constant 0 : i32
      %dma_start3A_559 = tpu.memref_slice %arg4[%squeeze3A_552, %squeeze3A_554, %dma_start3A_558] : memref<12500x8x64xf32, #tpu.memory_space<hbm>> -> memref<1x1x64xf32, #tpu.memory_space<hbm>>
      %dma_start3A_560 = tpu.memref_squeeze %dma_start3A_559 : memref<1x1x64xf32, #tpu.memory_space<hbm>> -> memref<64xf32, #tpu.memory_space<hbm>>
      %dma_start3A_561 = arith.constant 0 : i32
      %dma_start3A_562 = tpu.memref_slice %arg18[%add3A_518, %dma_start3A_561] : memref<128x64xf32, #tpu.memory_space<vmem>> -> memref<1x64xf32, #tpu.memory_space<vmem>>
      %dma_start3A_563 = tpu.memref_squeeze %dma_start3A_562 : memref<1x64xf32, #tpu.memory_space<vmem>> -> memref<64xf32, #tpu.memory_space<vmem>>
      %dma_start3A_564 = arith.constant 0 : i32
      %dma_start3A_565 = tpu.memref_slice %arg4[%squeeze3A_552, %squeeze3A_554, %dma_start3A_564] : memref<12500x8x64xf32, #tpu.memory_space<hbm>> -> memref<1x1x64xf32, #tpu.memory_space<hbm>>
      %dma_start3A_566 = tpu.memref_squeeze %dma_start3A_565 : memref<1x1x64xf32, #tpu.memory_space<hbm>> -> memref<64xf32, #tpu.memory_space<hbm>>
      tpu.enqueue_dma source(%dma_start3A_566 : memref<64xf32, #tpu.memory_space<hbm>>) target(%dma_start3A_563 : memref<64xf32, #tpu.memory_space<vmem>>) target_semaphore(%arg21 : memref<!tpu.dma_semaphore, #tpu.memory_space<semaphore_mem>>)
      %slice3A_567 = vector.extract_strided_slice %shift_right_arithmetic3A_54 {offsets = [7], sizes = [1], strides = [1]} : vector<16xi32> to vector<1xi32>
      %squeeze3A_568 = vector.extract %slice3A_567[0] : i32 from vector<1xi32>
      %slice3A_569 = vector.extract_strided_slice %and3A_57 {offsets = [7], sizes = [1], strides = [1]} : vector<16xi32> to vector<1xi32>
      %squeeze3A_570 = vector.extract %slice3A_569[0] : i32 from vector<1xi32>
      %dma_start3A_571 = arith.constant 0 : i32
      %dma_start3A_572 = tpu.memref_slice %arg19[%add3A_518, %dma_start3A_571] : memref<128x64xf32, #tpu.memory_space<vmem>> -> memref<1x64xf32, #tpu.memory_space<vmem>>
      %dma_start3A_573 = tpu.memref_squeeze %dma_start3A_572 : memref<1x64xf32, #tpu.memory_space<vmem>> -> memref<64xf32, #tpu.memory_space<vmem>>
      %dma_start3A_574 = arith.constant 0 : i32
      %dma_start3A_575 = tpu.memref_slice %arg5[%squeeze3A_568, %squeeze3A_570, %dma_start3A_574] : memref<1250x8x64xf32, #tpu.memory_space<hbm>> -> memref<1x1x64xf32, #tpu.memory_space<hbm>>
      %dma_start3A_576 = tpu.memref_squeeze %dma_start3A_575 : memref<1x1x64xf32, #tpu.memory_space<hbm>> -> memref<64xf32, #tpu.memory_space<hbm>>
      %dma_start3A_577 = arith.constant 0 : i32
      %dma_start3A_578 = tpu.memref_slice %arg19[%add3A_518, %dma_start3A_577] : memref<128x64xf32, #tpu.memory_space<vmem>> -> memref<1x64xf32, #tpu.memory_space<vmem>>
      %dma_start3A_579 = tpu.memref_squeeze %dma_start3A_578 : memref<1x64xf32, #tpu.memory_space<vmem>> -> memref<64xf32, #tpu.memory_space<vmem>>
      %dma_start3A_580 = arith.constant 0 : i32
      %dma_start3A_581 = tpu.memref_slice %arg5[%squeeze3A_568, %squeeze3A_570, %dma_start3A_580] : memref<1250x8x64xf32, #tpu.memory_space<hbm>> -> memref<1x1x64xf32, #tpu.memory_space<hbm>>
      %dma_start3A_582 = tpu.memref_squeeze %dma_start3A_581 : memref<1x1x64xf32, #tpu.memory_space<hbm>> -> memref<64xf32, #tpu.memory_space<hbm>>
      tpu.enqueue_dma source(%dma_start3A_582 : memref<64xf32, #tpu.memory_space<hbm>>) target(%dma_start3A_579 : memref<64xf32, #tpu.memory_space<vmem>>) target_semaphore(%arg21 : memref<!tpu.dma_semaphore, #tpu.memory_space<semaphore_mem>>)
      %add3A_583 = arith.constant 8 : i32
      %add3A_584 = arith.addi %mul3A_24, %add3A_583 : i32
      %slice3A_585 = vector.extract_strided_slice %shift_right_arithmetic3A_37 {offsets = [8], sizes = [1], strides = [1]} : vector<16xi32> to vector<1xi32>
      %squeeze3A_586 = vector.extract %slice3A_585[0] : i32 from vector<1xi32>
      %slice3A_587 = vector.extract_strided_slice %and3A_39 {offsets = [8], sizes = [1], strides = [1]} : vector<16xi32> to vector<1xi32>
      %squeeze3A_588 = vector.extract %slice3A_587[0] : i32 from vector<1xi32>
      %dma_start3A_589 = arith.constant 0 : i32
      %dma_start3A_590 = tpu.memref_slice %arg16[%add3A_584, %dma_start3A_589] : memref<128x64xf32, #tpu.memory_space<vmem>> -> memref<1x64xf32, #tpu.memory_space<vmem>>
      %dma_start3A_591 = tpu.memref_squeeze %dma_start3A_590 : memref<1x64xf32, #tpu.memory_space<vmem>> -> memref<64xf32, #tpu.memory_space<vmem>>
      %dma_start3A_592 = arith.constant 0 : i32
      %dma_start3A_593 = tpu.memref_slice %arg2[%squeeze3A_586, %squeeze3A_588, %dma_start3A_592] : memref<12500x8x64xf32, #tpu.memory_space<hbm>> -> memref<1x1x64xf32, #tpu.memory_space<hbm>>
      %dma_start3A_594 = tpu.memref_squeeze %dma_start3A_593 : memref<1x1x64xf32, #tpu.memory_space<hbm>> -> memref<64xf32, #tpu.memory_space<hbm>>
      %dma_start3A_595 = arith.constant 0 : i32
      %dma_start3A_596 = tpu.memref_slice %arg16[%add3A_584, %dma_start3A_595] : memref<128x64xf32, #tpu.memory_space<vmem>> -> memref<1x64xf32, #tpu.memory_space<vmem>>
      %dma_start3A_597 = tpu.memref_squeeze %dma_start3A_596 : memref<1x64xf32, #tpu.memory_space<vmem>> -> memref<64xf32, #tpu.memory_space<vmem>>
      %dma_start3A_598 = arith.constant 0 : i32
      %dma_start3A_599 = tpu.memref_slice %arg2[%squeeze3A_586, %squeeze3A_588, %dma_start3A_598] : memref<12500x8x64xf32, #tpu.memory_space<hbm>> -> memref<1x1x64xf32, #tpu.memory_space<hbm>>
      %dma_start3A_600 = tpu.memref_squeeze %dma_start3A_599 : memref<1x1x64xf32, #tpu.memory_space<hbm>> -> memref<64xf32, #tpu.memory_space<hbm>>
      tpu.enqueue_dma source(%dma_start3A_600 : memref<64xf32, #tpu.memory_space<hbm>>) target(%dma_start3A_597 : memref<64xf32, #tpu.memory_space<vmem>>) target_semaphore(%arg21 : memref<!tpu.dma_semaphore, #tpu.memory_space<semaphore_mem>>)
      %slice3A_601 = vector.extract_strided_slice %shift_right_arithmetic3A_42 {offsets = [8], sizes = [1], strides = [1]} : vector<16xi32> to vector<1xi32>
      %squeeze3A_602 = vector.extract %slice3A_601[0] : i32 from vector<1xi32>
      %slice3A_603 = vector.extract_strided_slice %and3A_45 {offsets = [8], sizes = [1], strides = [1]} : vector<16xi32> to vector<1xi32>
      %squeeze3A_604 = vector.extract %slice3A_603[0] : i32 from vector<1xi32>
      %dma_start3A_605 = arith.constant 0 : i32
      %dma_start3A_606 = tpu.memref_slice %arg17[%add3A_584, %dma_start3A_605] : memref<128x64xf32, #tpu.memory_space<vmem>> -> memref<1x64xf32, #tpu.memory_space<vmem>>
      %dma_start3A_607 = tpu.memref_squeeze %dma_start3A_606 : memref<1x64xf32, #tpu.memory_space<vmem>> -> memref<64xf32, #tpu.memory_space<vmem>>
      %dma_start3A_608 = arith.constant 0 : i32
      %dma_start3A_609 = tpu.memref_slice %arg3[%squeeze3A_602, %squeeze3A_604, %dma_start3A_608] : memref<25x8x64xf32, #tpu.memory_space<hbm>> -> memref<1x1x64xf32, #tpu.memory_space<hbm>>
      %dma_start3A_610 = tpu.memref_squeeze %dma_start3A_609 : memref<1x1x64xf32, #tpu.memory_space<hbm>> -> memref<64xf32, #tpu.memory_space<hbm>>
      %dma_start3A_611 = arith.constant 0 : i32
      %dma_start3A_612 = tpu.memref_slice %arg17[%add3A_584, %dma_start3A_611] : memref<128x64xf32, #tpu.memory_space<vmem>> -> memref<1x64xf32, #tpu.memory_space<vmem>>
      %dma_start3A_613 = tpu.memref_squeeze %dma_start3A_612 : memref<1x64xf32, #tpu.memory_space<vmem>> -> memref<64xf32, #tpu.memory_space<vmem>>
      %dma_start3A_614 = arith.constant 0 : i32
      %dma_start3A_615 = tpu.memref_slice %arg3[%squeeze3A_602, %squeeze3A_604, %dma_start3A_614] : memref<25x8x64xf32, #tpu.memory_space<hbm>> -> memref<1x1x64xf32, #tpu.memory_space<hbm>>
      %dma_start3A_616 = tpu.memref_squeeze %dma_start3A_615 : memref<1x1x64xf32, #tpu.memory_space<hbm>> -> memref<64xf32, #tpu.memory_space<hbm>>
      tpu.enqueue_dma source(%dma_start3A_616 : memref<64xf32, #tpu.memory_space<hbm>>) target(%dma_start3A_613 : memref<64xf32, #tpu.memory_space<vmem>>) target_semaphore(%arg21 : memref<!tpu.dma_semaphore, #tpu.memory_space<semaphore_mem>>)
      %slice3A_617 = vector.extract_strided_slice %shift_right_arithmetic3A_48 {offsets = [8], sizes = [1], strides = [1]} : vector<16xi32> to vector<1xi32>
      %squeeze3A_618 = vector.extract %slice3A_617[0] : i32 from vector<1xi32>
      %slice3A_619 = vector.extract_strided_slice %and3A_51 {offsets = [8], sizes = [1], strides = [1]} : vector<16xi32> to vector<1xi32>
      %squeeze3A_620 = vector.extract %slice3A_619[0] : i32 from vector<1xi32>
      %dma_start3A_621 = arith.constant 0 : i32
      %dma_start3A_622 = tpu.memref_slice %arg18[%add3A_584, %dma_start3A_621] : memref<128x64xf32, #tpu.memory_space<vmem>> -> memref<1x64xf32, #tpu.memory_space<vmem>>
      %dma_start3A_623 = tpu.memref_squeeze %dma_start3A_622 : memref<1x64xf32, #tpu.memory_space<vmem>> -> memref<64xf32, #tpu.memory_space<vmem>>
      %dma_start3A_624 = arith.constant 0 : i32
      %dma_start3A_625 = tpu.memref_slice %arg4[%squeeze3A_618, %squeeze3A_620, %dma_start3A_624] : memref<12500x8x64xf32, #tpu.memory_space<hbm>> -> memref<1x1x64xf32, #tpu.memory_space<hbm>>
      %dma_start3A_626 = tpu.memref_squeeze %dma_start3A_625 : memref<1x1x64xf32, #tpu.memory_space<hbm>> -> memref<64xf32, #tpu.memory_space<hbm>>
      %dma_start3A_627 = arith.constant 0 : i32
      %dma_start3A_628 = tpu.memref_slice %arg18[%add3A_584, %dma_start3A_627] : memref<128x64xf32, #tpu.memory_space<vmem>> -> memref<1x64xf32, #tpu.memory_space<vmem>>
      %dma_start3A_629 = tpu.memref_squeeze %dma_start3A_628 : memref<1x64xf32, #tpu.memory_space<vmem>> -> memref<64xf32, #tpu.memory_space<vmem>>
      %dma_start3A_630 = arith.constant 0 : i32
      %dma_start3A_631 = tpu.memref_slice %arg4[%squeeze3A_618, %squeeze3A_620, %dma_start3A_630] : memref<12500x8x64xf32, #tpu.memory_space<hbm>> -> memref<1x1x64xf32, #tpu.memory_space<hbm>>
      %dma_start3A_632 = tpu.memref_squeeze %dma_start3A_631 : memref<1x1x64xf32, #tpu.memory_space<hbm>> -> memref<64xf32, #tpu.memory_space<hbm>>
      tpu.enqueue_dma source(%dma_start3A_632 : memref<64xf32, #tpu.memory_space<hbm>>) target(%dma_start3A_629 : memref<64xf32, #tpu.memory_space<vmem>>) target_semaphore(%arg21 : memref<!tpu.dma_semaphore, #tpu.memory_space<semaphore_mem>>)
      %slice3A_633 = vector.extract_strided_slice %shift_right_arithmetic3A_54 {offsets = [8], sizes = [1], strides = [1]} : vector<16xi32> to vector<1xi32>
      %squeeze3A_634 = vector.extract %slice3A_633[0] : i32 from vector<1xi32>
      %slice3A_635 = vector.extract_strided_slice %and3A_57 {offsets = [8], sizes = [1], strides = [1]} : vector<16xi32> to vector<1xi32>
      %squeeze3A_636 = vector.extract %slice3A_635[0] : i32 from vector<1xi32>
      %dma_start3A_637 = arith.constant 0 : i32
      %dma_start3A_638 = tpu.memref_slice %arg19[%add3A_584, %dma_start3A_637] : memref<128x64xf32, #tpu.memory_space<vmem>> -> memref<1x64xf32, #tpu.memory_space<vmem>>
      %dma_start3A_639 = tpu.memref_squeeze %dma_start3A_638 : memref<1x64xf32, #tpu.memory_space<vmem>> -> memref<64xf32, #tpu.memory_space<vmem>>
      %dma_start3A_640 = arith.constant 0 : i32
      %dma_start3A_641 = tpu.memref_slice %arg5[%squeeze3A_634, %squeeze3A_636, %dma_start3A_640] : memref<1250x8x64xf32, #tpu.memory_space<hbm>> -> memref<1x1x64xf32, #tpu.memory_space<hbm>>
      %dma_start3A_642 = tpu.memref_squeeze %dma_start3A_641 : memref<1x1x64xf32, #tpu.memory_space<hbm>> -> memref<64xf32, #tpu.memory_space<hbm>>
      %dma_start3A_643 = arith.constant 0 : i32
      %dma_start3A_644 = tpu.memref_slice %arg19[%add3A_584, %dma_start3A_643] : memref<128x64xf32, #tpu.memory_space<vmem>> -> memref<1x64xf32, #tpu.memory_space<vmem>>
      %dma_start3A_645 = tpu.memref_squeeze %dma_start3A_644 : memref<1x64xf32, #tpu.memory_space<vmem>> -> memref<64xf32, #tpu.memory_space<vmem>>
      %dma_start3A_646 = arith.constant 0 : i32
      %dma_start3A_647 = tpu.memref_slice %arg5[%squeeze3A_634, %squeeze3A_636, %dma_start3A_646] : memref<1250x8x64xf32, #tpu.memory_space<hbm>> -> memref<1x1x64xf32, #tpu.memory_space<hbm>>
      %dma_start3A_648 = tpu.memref_squeeze %dma_start3A_647 : memref<1x1x64xf32, #tpu.memory_space<hbm>> -> memref<64xf32, #tpu.memory_space<hbm>>
      tpu.enqueue_dma source(%dma_start3A_648 : memref<64xf32, #tpu.memory_space<hbm>>) target(%dma_start3A_645 : memref<64xf32, #tpu.memory_space<vmem>>) target_semaphore(%arg21 : memref<!tpu.dma_semaphore, #tpu.memory_space<semaphore_mem>>)
      %add3A_649 = arith.constant 9 : i32
      %add3A_650 = arith.addi %mul3A_24, %add3A_649 : i32
      %slice3A_651 = vector.extract_strided_slice %shift_right_arithmetic3A_37 {offsets = [9], sizes = [1], strides = [1]} : vector<16xi32> to vector<1xi32>
      %squeeze3A_652 = vector.extract %slice3A_651[0] : i32 from vector<1xi32>
      %slice3A_653 = vector.extract_strided_slice %and3A_39 {offsets = [9], sizes = [1], strides = [1]} : vector<16xi32> to vector<1xi32>
      %squeeze3A_654 = vector.extract %slice3A_653[0] : i32 from vector<1xi32>
      %dma_start3A_655 = arith.constant 0 : i32
      %dma_start3A_656 = tpu.memref_slice %arg16[%add3A_650, %dma_start3A_655] : memref<128x64xf32, #tpu.memory_space<vmem>> -> memref<1x64xf32, #tpu.memory_space<vmem>>
      %dma_start3A_657 = tpu.memref_squeeze %dma_start3A_656 : memref<1x64xf32, #tpu.memory_space<vmem>> -> memref<64xf32, #tpu.memory_space<vmem>>
      %dma_start3A_658 = arith.constant 0 : i32
      %dma_start3A_659 = tpu.memref_slice %arg2[%squeeze3A_652, %squeeze3A_654, %dma_start3A_658] : memref<12500x8x64xf32, #tpu.memory_space<hbm>> -> memref<1x1x64xf32, #tpu.memory_space<hbm>>
      %dma_start3A_660 = tpu.memref_squeeze %dma_start3A_659 : memref<1x1x64xf32, #tpu.memory_space<hbm>> -> memref<64xf32, #tpu.memory_space<hbm>>
      %dma_start3A_661 = arith.constant 0 : i32
      %dma_start3A_662 = tpu.memref_slice %arg16[%add3A_650, %dma_start3A_661] : memref<128x64xf32, #tpu.memory_space<vmem>> -> memref<1x64xf32, #tpu.memory_space<vmem>>
      %dma_start3A_663 = tpu.memref_squeeze %dma_start3A_662 : memref<1x64xf32, #tpu.memory_space<vmem>> -> memref<64xf32, #tpu.memory_space<vmem>>
      %dma_start3A_664 = arith.constant 0 : i32
      %dma_start3A_665 = tpu.memref_slice %arg2[%squeeze3A_652, %squeeze3A_654, %dma_start3A_664] : memref<12500x8x64xf32, #tpu.memory_space<hbm>> -> memref<1x1x64xf32, #tpu.memory_space<hbm>>
      %dma_start3A_666 = tpu.memref_squeeze %dma_start3A_665 : memref<1x1x64xf32, #tpu.memory_space<hbm>> -> memref<64xf32, #tpu.memory_space<hbm>>
      tpu.enqueue_dma source(%dma_start3A_666 : memref<64xf32, #tpu.memory_space<hbm>>) target(%dma_start3A_663 : memref<64xf32, #tpu.memory_space<vmem>>) target_semaphore(%arg21 : memref<!tpu.dma_semaphore, #tpu.memory_space<semaphore_mem>>)
      %slice3A_667 = vector.extract_strided_slice %shift_right_arithmetic3A_42 {offsets = [9], sizes = [1], strides = [1]} : vector<16xi32> to vector<1xi32>
      %squeeze3A_668 = vector.extract %slice3A_667[0] : i32 from vector<1xi32>
      %slice3A_669 = vector.extract_strided_slice %and3A_45 {offsets = [9], sizes = [1], strides = [1]} : vector<16xi32> to vector<1xi32>
      %squeeze3A_670 = vector.extract %slice3A_669[0] : i32 from vector<1xi32>
      %dma_start3A_671 = arith.constant 0 : i32
      %dma_start3A_672 = tpu.memref_slice %arg17[%add3A_650, %dma_start3A_671] : memref<128x64xf32, #tpu.memory_space<vmem>> -> memref<1x64xf32, #tpu.memory_space<vmem>>
      %dma_start3A_673 = tpu.memref_squeeze %dma_start3A_672 : memref<1x64xf32, #tpu.memory_space<vmem>> -> memref<64xf32, #tpu.memory_space<vmem>>
      %dma_start3A_674 = arith.constant 0 : i32
      %dma_start3A_675 = tpu.memref_slice %arg3[%squeeze3A_668, %squeeze3A_670, %dma_start3A_674] : memref<25x8x64xf32, #tpu.memory_space<hbm>> -> memref<1x1x64xf32, #tpu.memory_space<hbm>>
      %dma_start3A_676 = tpu.memref_squeeze %dma_start3A_675 : memref<1x1x64xf32, #tpu.memory_space<hbm>> -> memref<64xf32, #tpu.memory_space<hbm>>
      %dma_start3A_677 = arith.constant 0 : i32
      %dma_start3A_678 = tpu.memref_slice %arg17[%add3A_650, %dma_start3A_677] : memref<128x64xf32, #tpu.memory_space<vmem>> -> memref<1x64xf32, #tpu.memory_space<vmem>>
      %dma_start3A_679 = tpu.memref_squeeze %dma_start3A_678 : memref<1x64xf32, #tpu.memory_space<vmem>> -> memref<64xf32, #tpu.memory_space<vmem>>
      %dma_start3A_680 = arith.constant 0 : i32
      %dma_start3A_681 = tpu.memref_slice %arg3[%squeeze3A_668, %squeeze3A_670, %dma_start3A_680] : memref<25x8x64xf32, #tpu.memory_space<hbm>> -> memref<1x1x64xf32, #tpu.memory_space<hbm>>
      %dma_start3A_682 = tpu.memref_squeeze %dma_start3A_681 : memref<1x1x64xf32, #tpu.memory_space<hbm>> -> memref<64xf32, #tpu.memory_space<hbm>>
      tpu.enqueue_dma source(%dma_start3A_682 : memref<64xf32, #tpu.memory_space<hbm>>) target(%dma_start3A_679 : memref<64xf32, #tpu.memory_space<vmem>>) target_semaphore(%arg21 : memref<!tpu.dma_semaphore, #tpu.memory_space<semaphore_mem>>)
      %slice3A_683 = vector.extract_strided_slice %shift_right_arithmetic3A_48 {offsets = [9], sizes = [1], strides = [1]} : vector<16xi32> to vector<1xi32>
      %squeeze3A_684 = vector.extract %slice3A_683[0] : i32 from vector<1xi32>
      %slice3A_685 = vector.extract_strided_slice %and3A_51 {offsets = [9], sizes = [1], strides = [1]} : vector<16xi32> to vector<1xi32>
      %squeeze3A_686 = vector.extract %slice3A_685[0] : i32 from vector<1xi32>
      %dma_start3A_687 = arith.constant 0 : i32
      %dma_start3A_688 = tpu.memref_slice %arg18[%add3A_650, %dma_start3A_687] : memref<128x64xf32, #tpu.memory_space<vmem>> -> memref<1x64xf32, #tpu.memory_space<vmem>>
      %dma_start3A_689 = tpu.memref_squeeze %dma_start3A_688 : memref<1x64xf32, #tpu.memory_space<vmem>> -> memref<64xf32, #tpu.memory_space<vmem>>
      %dma_start3A_690 = arith.constant 0 : i32
      %dma_start3A_691 = tpu.memref_slice %arg4[%squeeze3A_684, %squeeze3A_686, %dma_start3A_690] : memref<12500x8x64xf32, #tpu.memory_space<hbm>> -> memref<1x1x64xf32, #tpu.memory_space<hbm>>
      %dma_start3A_692 = tpu.memref_squeeze %dma_start3A_691 : memref<1x1x64xf32, #tpu.memory_space<hbm>> -> memref<64xf32, #tpu.memory_space<hbm>>
      %dma_start3A_693 = arith.constant 0 : i32
      %dma_start3A_694 = tpu.memref_slice %arg18[%add3A_650, %dma_start3A_693] : memref<128x64xf32, #tpu.memory_space<vmem>> -> memref<1x64xf32, #tpu.memory_space<vmem>>
      %dma_start3A_695 = tpu.memref_squeeze %dma_start3A_694 : memref<1x64xf32, #tpu.memory_space<vmem>> -> memref<64xf32, #tpu.memory_space<vmem>>
      %dma_start3A_696 = arith.constant 0 : i32
      %dma_start3A_697 = tpu.memref_slice %arg4[%squeeze3A_684, %squeeze3A_686, %dma_start3A_696] : memref<12500x8x64xf32, #tpu.memory_space<hbm>> -> memref<1x1x64xf32, #tpu.memory_space<hbm>>
      %dma_start3A_698 = tpu.memref_squeeze %dma_start3A_697 : memref<1x1x64xf32, #tpu.memory_space<hbm>> -> memref<64xf32, #tpu.memory_space<hbm>>
      tpu.enqueue_dma source(%dma_start3A_698 : memref<64xf32, #tpu.memory_space<hbm>>) target(%dma_start3A_695 : memref<64xf32, #tpu.memory_space<vmem>>) target_semaphore(%arg21 : memref<!tpu.dma_semaphore, #tpu.memory_space<semaphore_mem>>)
      %slice3A_699 = vector.extract_strided_slice %shift_right_arithmetic3A_54 {offsets = [9], sizes = [1], strides = [1]} : vector<16xi32> to vector<1xi32>
      %squeeze3A_700 = vector.extract %slice3A_699[0] : i32 from vector<1xi32>
      %slice3A_701 = vector.extract_strided_slice %and3A_57 {offsets = [9], sizes = [1], strides = [1]} : vector<16xi32> to vector<1xi32>
      %squeeze3A_702 = vector.extract %slice3A_701[0] : i32 from vector<1xi32>
      %dma_start3A_703 = arith.constant 0 : i32
      %dma_start3A_704 = tpu.memref_slice %arg19[%add3A_650, %dma_start3A_703] : memref<128x64xf32, #tpu.memory_space<vmem>> -> memref<1x64xf32, #tpu.memory_space<vmem>>
      %dma_start3A_705 = tpu.memref_squeeze %dma_start3A_704 : memref<1x64xf32, #tpu.memory_space<vmem>> -> memref<64xf32, #tpu.memory_space<vmem>>
      %dma_start3A_706 = arith.constant 0 : i32
      %dma_start3A_707 = tpu.memref_slice %arg5[%squeeze3A_700, %squeeze3A_702, %dma_start3A_706] : memref<1250x8x64xf32, #tpu.memory_space<hbm>> -> memref<1x1x64xf32, #tpu.memory_space<hbm>>
      %dma_start3A_708 = tpu.memref_squeeze %dma_start3A_707 : memref<1x1x64xf32, #tpu.memory_space<hbm>> -> memref<64xf32, #tpu.memory_space<hbm>>
      %dma_start3A_709 = arith.constant 0 : i32
      %dma_start3A_710 = tpu.memref_slice %arg19[%add3A_650, %dma_start3A_709] : memref<128x64xf32, #tpu.memory_space<vmem>> -> memref<1x64xf32, #tpu.memory_space<vmem>>
      %dma_start3A_711 = tpu.memref_squeeze %dma_start3A_710 : memref<1x64xf32, #tpu.memory_space<vmem>> -> memref<64xf32, #tpu.memory_space<vmem>>
      %dma_start3A_712 = arith.constant 0 : i32
      %dma_start3A_713 = tpu.memref_slice %arg5[%squeeze3A_700, %squeeze3A_702, %dma_start3A_712] : memref<1250x8x64xf32, #tpu.memory_space<hbm>> -> memref<1x1x64xf32, #tpu.memory_space<hbm>>
      %dma_start3A_714 = tpu.memref_squeeze %dma_start3A_713 : memref<1x1x64xf32, #tpu.memory_space<hbm>> -> memref<64xf32, #tpu.memory_space<hbm>>
      tpu.enqueue_dma source(%dma_start3A_714 : memref<64xf32, #tpu.memory_space<hbm>>) target(%dma_start3A_711 : memref<64xf32, #tpu.memory_space<vmem>>) target_semaphore(%arg21 : memref<!tpu.dma_semaphore, #tpu.memory_space<semaphore_mem>>)
      %add3A_715 = arith.constant 10 : i32
      %add3A_716 = arith.addi %mul3A_24, %add3A_715 : i32
      %slice3A_717 = vector.extract_strided_slice %shift_right_arithmetic3A_37 {offsets = [10], sizes = [1], strides = [1]} : vector<16xi32> to vector<1xi32>
      %squeeze3A_718 = vector.extract %slice3A_717[0] : i32 from vector<1xi32>
      %slice3A_719 = vector.extract_strided_slice %and3A_39 {offsets = [10], sizes = [1], strides = [1]} : vector<16xi32> to vector<1xi32>
      %squeeze3A_720 = vector.extract %slice3A_719[0] : i32 from vector<1xi32>
      %dma_start3A_721 = arith.constant 0 : i32
      %dma_start3A_722 = tpu.memref_slice %arg16[%add3A_716, %dma_start3A_721] : memref<128x64xf32, #tpu.memory_space<vmem>> -> memref<1x64xf32, #tpu.memory_space<vmem>>
      %dma_start3A_723 = tpu.memref_squeeze %dma_start3A_722 : memref<1x64xf32, #tpu.memory_space<vmem>> -> memref<64xf32, #tpu.memory_space<vmem>>
      %dma_start3A_724 = arith.constant 0 : i32
      %dma_start3A_725 = tpu.memref_slice %arg2[%squeeze3A_718, %squeeze3A_720, %dma_start3A_724] : memref<12500x8x64xf32, #tpu.memory_space<hbm>> -> memref<1x1x64xf32, #tpu.memory_space<hbm>>
      %dma_start3A_726 = tpu.memref_squeeze %dma_start3A_725 : memref<1x1x64xf32, #tpu.memory_space<hbm>> -> memref<64xf32, #tpu.memory_space<hbm>>
      %dma_start3A_727 = arith.constant 0 : i32
      %dma_start3A_728 = tpu.memref_slice %arg16[%add3A_716, %dma_start3A_727] : memref<128x64xf32, #tpu.memory_space<vmem>> -> memref<1x64xf32, #tpu.memory_space<vmem>>
      %dma_start3A_729 = tpu.memref_squeeze %dma_start3A_728 : memref<1x64xf32, #tpu.memory_space<vmem>> -> memref<64xf32, #tpu.memory_space<vmem>>
      %dma_start3A_730 = arith.constant 0 : i32
      %dma_start3A_731 = tpu.memref_slice %arg2[%squeeze3A_718, %squeeze3A_720, %dma_start3A_730] : memref<12500x8x64xf32, #tpu.memory_space<hbm>> -> memref<1x1x64xf32, #tpu.memory_space<hbm>>
      %dma_start3A_732 = tpu.memref_squeeze %dma_start3A_731 : memref<1x1x64xf32, #tpu.memory_space<hbm>> -> memref<64xf32, #tpu.memory_space<hbm>>
      tpu.enqueue_dma source(%dma_start3A_732 : memref<64xf32, #tpu.memory_space<hbm>>) target(%dma_start3A_729 : memref<64xf32, #tpu.memory_space<vmem>>) target_semaphore(%arg21 : memref<!tpu.dma_semaphore, #tpu.memory_space<semaphore_mem>>)
      %slice3A_733 = vector.extract_strided_slice %shift_right_arithmetic3A_42 {offsets = [10], sizes = [1], strides = [1]} : vector<16xi32> to vector<1xi32>
      %squeeze3A_734 = vector.extract %slice3A_733[0] : i32 from vector<1xi32>
      %slice3A_735 = vector.extract_strided_slice %and3A_45 {offsets = [10], sizes = [1], strides = [1]} : vector<16xi32> to vector<1xi32>
      %squeeze3A_736 = vector.extract %slice3A_735[0] : i32 from vector<1xi32>
      %dma_start3A_737 = arith.constant 0 : i32
      %dma_start3A_738 = tpu.memref_slice %arg17[%add3A_716, %dma_start3A_737] : memref<128x64xf32, #tpu.memory_space<vmem>> -> memref<1x64xf32, #tpu.memory_space<vmem>>
      %dma_start3A_739 = tpu.memref_squeeze %dma_start3A_738 : memref<1x64xf32, #tpu.memory_space<vmem>> -> memref<64xf32, #tpu.memory_space<vmem>>
      %dma_start3A_740 = arith.constant 0 : i32
      %dma_start3A_741 = tpu.memref_slice %arg3[%squeeze3A_734, %squeeze3A_736, %dma_start3A_740] : memref<25x8x64xf32, #tpu.memory_space<hbm>> -> memref<1x1x64xf32, #tpu.memory_space<hbm>>
      %dma_start3A_742 = tpu.memref_squeeze %dma_start3A_741 : memref<1x1x64xf32, #tpu.memory_space<hbm>> -> memref<64xf32, #tpu.memory_space<hbm>>
      %dma_start3A_743 = arith.constant 0 : i32
      %dma_start3A_744 = tpu.memref_slice %arg17[%add3A_716, %dma_start3A_743] : memref<128x64xf32, #tpu.memory_space<vmem>> -> memref<1x64xf32, #tpu.memory_space<vmem>>
      %dma_start3A_745 = tpu.memref_squeeze %dma_start3A_744 : memref<1x64xf32, #tpu.memory_space<vmem>> -> memref<64xf32, #tpu.memory_space<vmem>>
      %dma_start3A_746 = arith.constant 0 : i32
      %dma_start3A_747 = tpu.memref_slice %arg3[%squeeze3A_734, %squeeze3A_736, %dma_start3A_746] : memref<25x8x64xf32, #tpu.memory_space<hbm>> -> memref<1x1x64xf32, #tpu.memory_space<hbm>>
      %dma_start3A_748 = tpu.memref_squeeze %dma_start3A_747 : memref<1x1x64xf32, #tpu.memory_space<hbm>> -> memref<64xf32, #tpu.memory_space<hbm>>
      tpu.enqueue_dma source(%dma_start3A_748 : memref<64xf32, #tpu.memory_space<hbm>>) target(%dma_start3A_745 : memref<64xf32, #tpu.memory_space<vmem>>) target_semaphore(%arg21 : memref<!tpu.dma_semaphore, #tpu.memory_space<semaphore_mem>>)
      %slice3A_749 = vector.extract_strided_slice %shift_right_arithmetic3A_48 {offsets = [10], sizes = [1], strides = [1]} : vector<16xi32> to vector<1xi32>
      %squeeze3A_750 = vector.extract %slice3A_749[0] : i32 from vector<1xi32>
      %slice3A_751 = vector.extract_strided_slice %and3A_51 {offsets = [10], sizes = [1], strides = [1]} : vector<16xi32> to vector<1xi32>
      %squeeze3A_752 = vector.extract %slice3A_751[0] : i32 from vector<1xi32>
      %dma_start3A_753 = arith.constant 0 : i32
      %dma_start3A_754 = tpu.memref_slice %arg18[%add3A_716, %dma_start3A_753] : memref<128x64xf32, #tpu.memory_space<vmem>> -> memref<1x64xf32, #tpu.memory_space<vmem>>
      %dma_start3A_755 = tpu.memref_squeeze %dma_start3A_754 : memref<1x64xf32, #tpu.memory_space<vmem>> -> memref<64xf32, #tpu.memory_space<vmem>>
      %dma_start3A_756 = arith.constant 0 : i32
      %dma_start3A_757 = tpu.memref_slice %arg4[%squeeze3A_750, %squeeze3A_752, %dma_start3A_756] : memref<12500x8x64xf32, #tpu.memory_space<hbm>> -> memref<1x1x64xf32, #tpu.memory_space<hbm>>
      %dma_start3A_758 = tpu.memref_squeeze %dma_start3A_757 : memref<1x1x64xf32, #tpu.memory_space<hbm>> -> memref<64xf32, #tpu.memory_space<hbm>>
      %dma_start3A_759 = arith.constant 0 : i32
      %dma_start3A_760 = tpu.memref_slice %arg18[%add3A_716, %dma_start3A_759] : memref<128x64xf32, #tpu.memory_space<vmem>> -> memref<1x64xf32, #tpu.memory_space<vmem>>
      %dma_start3A_761 = tpu.memref_squeeze %dma_start3A_760 : memref<1x64xf32, #tpu.memory_space<vmem>> -> memref<64xf32, #tpu.memory_space<vmem>>
      %dma_start3A_762 = arith.constant 0 : i32
      %dma_start3A_763 = tpu.memref_slice %arg4[%squeeze3A_750, %squeeze3A_752, %dma_start3A_762] : memref<12500x8x64xf32, #tpu.memory_space<hbm>> -> memref<1x1x64xf32, #tpu.memory_space<hbm>>
      %dma_start3A_764 = tpu.memref_squeeze %dma_start3A_763 : memref<1x1x64xf32, #tpu.memory_space<hbm>> -> memref<64xf32, #tpu.memory_space<hbm>>
      tpu.enqueue_dma source(%dma_start3A_764 : memref<64xf32, #tpu.memory_space<hbm>>) target(%dma_start3A_761 : memref<64xf32, #tpu.memory_space<vmem>>) target_semaphore(%arg21 : memref<!tpu.dma_semaphore, #tpu.memory_space<semaphore_mem>>)
      %slice3A_765 = vector.extract_strided_slice %shift_right_arithmetic3A_54 {offsets = [10], sizes = [1], strides = [1]} : vector<16xi32> to vector<1xi32>
      %squeeze3A_766 = vector.extract %slice3A_765[0] : i32 from vector<1xi32>
      %slice3A_767 = vector.extract_strided_slice %and3A_57 {offsets = [10], sizes = [1], strides = [1]} : vector<16xi32> to vector<1xi32>
      %squeeze3A_768 = vector.extract %slice3A_767[0] : i32 from vector<1xi32>
      %dma_start3A_769 = arith.constant 0 : i32
      %dma_start3A_770 = tpu.memref_slice %arg19[%add3A_716, %dma_start3A_769] : memref<128x64xf32, #tpu.memory_space<vmem>> -> memref<1x64xf32, #tpu.memory_space<vmem>>
      %dma_start3A_771 = tpu.memref_squeeze %dma_start3A_770 : memref<1x64xf32, #tpu.memory_space<vmem>> -> memref<64xf32, #tpu.memory_space<vmem>>
      %dma_start3A_772 = arith.constant 0 : i32
      %dma_start3A_773 = tpu.memref_slice %arg5[%squeeze3A_766, %squeeze3A_768, %dma_start3A_772] : memref<1250x8x64xf32, #tpu.memory_space<hbm>> -> memref<1x1x64xf32, #tpu.memory_space<hbm>>
      %dma_start3A_774 = tpu.memref_squeeze %dma_start3A_773 : memref<1x1x64xf32, #tpu.memory_space<hbm>> -> memref<64xf32, #tpu.memory_space<hbm>>
      %dma_start3A_775 = arith.constant 0 : i32
      %dma_start3A_776 = tpu.memref_slice %arg19[%add3A_716, %dma_start3A_775] : memref<128x64xf32, #tpu.memory_space<vmem>> -> memref<1x64xf32, #tpu.memory_space<vmem>>
      %dma_start3A_777 = tpu.memref_squeeze %dma_start3A_776 : memref<1x64xf32, #tpu.memory_space<vmem>> -> memref<64xf32, #tpu.memory_space<vmem>>
      %dma_start3A_778 = arith.constant 0 : i32
      %dma_start3A_779 = tpu.memref_slice %arg5[%squeeze3A_766, %squeeze3A_768, %dma_start3A_778] : memref<1250x8x64xf32, #tpu.memory_space<hbm>> -> memref<1x1x64xf32, #tpu.memory_space<hbm>>
      %dma_start3A_780 = tpu.memref_squeeze %dma_start3A_779 : memref<1x1x64xf32, #tpu.memory_space<hbm>> -> memref<64xf32, #tpu.memory_space<hbm>>
      tpu.enqueue_dma source(%dma_start3A_780 : memref<64xf32, #tpu.memory_space<hbm>>) target(%dma_start3A_777 : memref<64xf32, #tpu.memory_space<vmem>>) target_semaphore(%arg21 : memref<!tpu.dma_semaphore, #tpu.memory_space<semaphore_mem>>)
      %add3A_781 = arith.constant 11 : i32
      %add3A_782 = arith.addi %mul3A_24, %add3A_781 : i32
      %slice3A_783 = vector.extract_strided_slice %shift_right_arithmetic3A_37 {offsets = [11], sizes = [1], strides = [1]} : vector<16xi32> to vector<1xi32>
      %squeeze3A_784 = vector.extract %slice3A_783[0] : i32 from vector<1xi32>
      %slice3A_785 = vector.extract_strided_slice %and3A_39 {offsets = [11], sizes = [1], strides = [1]} : vector<16xi32> to vector<1xi32>
      %squeeze3A_786 = vector.extract %slice3A_785[0] : i32 from vector<1xi32>
      %dma_start3A_787 = arith.constant 0 : i32
      %dma_start3A_788 = tpu.memref_slice %arg16[%add3A_782, %dma_start3A_787] : memref<128x64xf32, #tpu.memory_space<vmem>> -> memref<1x64xf32, #tpu.memory_space<vmem>>
      %dma_start3A_789 = tpu.memref_squeeze %dma_start3A_788 : memref<1x64xf32, #tpu.memory_space<vmem>> -> memref<64xf32, #tpu.memory_space<vmem>>
      %dma_start3A_790 = arith.constant 0 : i32
      %dma_start3A_791 = tpu.memref_slice %arg2[%squeeze3A_784, %squeeze3A_786, %dma_start3A_790] : memref<12500x8x64xf32, #tpu.memory_space<hbm>> -> memref<1x1x64xf32, #tpu.memory_space<hbm>>
      %dma_start3A_792 = tpu.memref_squeeze %dma_start3A_791 : memref<1x1x64xf32, #tpu.memory_space<hbm>> -> memref<64xf32, #tpu.memory_space<hbm>>
      %dma_start3A_793 = arith.constant 0 : i32
      %dma_start3A_794 = tpu.memref_slice %arg16[%add3A_782, %dma_start3A_793] : memref<128x64xf32, #tpu.memory_space<vmem>> -> memref<1x64xf32, #tpu.memory_space<vmem>>
      %dma_start3A_795 = tpu.memref_squeeze %dma_start3A_794 : memref<1x64xf32, #tpu.memory_space<vmem>> -> memref<64xf32, #tpu.memory_space<vmem>>
      %dma_start3A_796 = arith.constant 0 : i32
      %dma_start3A_797 = tpu.memref_slice %arg2[%squeeze3A_784, %squeeze3A_786, %dma_start3A_796] : memref<12500x8x64xf32, #tpu.memory_space<hbm>> -> memref<1x1x64xf32, #tpu.memory_space<hbm>>
      %dma_start3A_798 = tpu.memref_squeeze %dma_start3A_797 : memref<1x1x64xf32, #tpu.memory_space<hbm>> -> memref<64xf32, #tpu.memory_space<hbm>>
      tpu.enqueue_dma source(%dma_start3A_798 : memref<64xf32, #tpu.memory_space<hbm>>) target(%dma_start3A_795 : memref<64xf32, #tpu.memory_space<vmem>>) target_semaphore(%arg21 : memref<!tpu.dma_semaphore, #tpu.memory_space<semaphore_mem>>)
      %slice3A_799 = vector.extract_strided_slice %shift_right_arithmetic3A_42 {offsets = [11], sizes = [1], strides = [1]} : vector<16xi32> to vector<1xi32>
      %squeeze3A_800 = vector.extract %slice3A_799[0] : i32 from vector<1xi32>
      %slice3A_801 = vector.extract_strided_slice %and3A_45 {offsets = [11], sizes = [1], strides = [1]} : vector<16xi32> to vector<1xi32>
      %squeeze3A_802 = vector.extract %slice3A_801[0] : i32 from vector<1xi32>
      %dma_start3A_803 = arith.constant 0 : i32
      %dma_start3A_804 = tpu.memref_slice %arg17[%add3A_782, %dma_start3A_803] : memref<128x64xf32, #tpu.memory_space<vmem>> -> memref<1x64xf32, #tpu.memory_space<vmem>>
      %dma_start3A_805 = tpu.memref_squeeze %dma_start3A_804 : memref<1x64xf32, #tpu.memory_space<vmem>> -> memref<64xf32, #tpu.memory_space<vmem>>
      %dma_start3A_806 = arith.constant 0 : i32
      %dma_start3A_807 = tpu.memref_slice %arg3[%squeeze3A_800, %squeeze3A_802, %dma_start3A_806] : memref<25x8x64xf32, #tpu.memory_space<hbm>> -> memref<1x1x64xf32, #tpu.memory_space<hbm>>
      %dma_start3A_808 = tpu.memref_squeeze %dma_start3A_807 : memref<1x1x64xf32, #tpu.memory_space<hbm>> -> memref<64xf32, #tpu.memory_space<hbm>>
      %dma_start3A_809 = arith.constant 0 : i32
      %dma_start3A_810 = tpu.memref_slice %arg17[%add3A_782, %dma_start3A_809] : memref<128x64xf32, #tpu.memory_space<vmem>> -> memref<1x64xf32, #tpu.memory_space<vmem>>
      %dma_start3A_811 = tpu.memref_squeeze %dma_start3A_810 : memref<1x64xf32, #tpu.memory_space<vmem>> -> memref<64xf32, #tpu.memory_space<vmem>>
      %dma_start3A_812 = arith.constant 0 : i32
      %dma_start3A_813 = tpu.memref_slice %arg3[%squeeze3A_800, %squeeze3A_802, %dma_start3A_812] : memref<25x8x64xf32, #tpu.memory_space<hbm>> -> memref<1x1x64xf32, #tpu.memory_space<hbm>>
      %dma_start3A_814 = tpu.memref_squeeze %dma_start3A_813 : memref<1x1x64xf32, #tpu.memory_space<hbm>> -> memref<64xf32, #tpu.memory_space<hbm>>
      tpu.enqueue_dma source(%dma_start3A_814 : memref<64xf32, #tpu.memory_space<hbm>>) target(%dma_start3A_811 : memref<64xf32, #tpu.memory_space<vmem>>) target_semaphore(%arg21 : memref<!tpu.dma_semaphore, #tpu.memory_space<semaphore_mem>>)
      %slice3A_815 = vector.extract_strided_slice %shift_right_arithmetic3A_48 {offsets = [11], sizes = [1], strides = [1]} : vector<16xi32> to vector<1xi32>
      %squeeze3A_816 = vector.extract %slice3A_815[0] : i32 from vector<1xi32>
      %slice3A_817 = vector.extract_strided_slice %and3A_51 {offsets = [11], sizes = [1], strides = [1]} : vector<16xi32> to vector<1xi32>
      %squeeze3A_818 = vector.extract %slice3A_817[0] : i32 from vector<1xi32>
      %dma_start3A_819 = arith.constant 0 : i32
      %dma_start3A_820 = tpu.memref_slice %arg18[%add3A_782, %dma_start3A_819] : memref<128x64xf32, #tpu.memory_space<vmem>> -> memref<1x64xf32, #tpu.memory_space<vmem>>
      %dma_start3A_821 = tpu.memref_squeeze %dma_start3A_820 : memref<1x64xf32, #tpu.memory_space<vmem>> -> memref<64xf32, #tpu.memory_space<vmem>>
      %dma_start3A_822 = arith.constant 0 : i32
      %dma_start3A_823 = tpu.memref_slice %arg4[%squeeze3A_816, %squeeze3A_818, %dma_start3A_822] : memref<12500x8x64xf32, #tpu.memory_space<hbm>> -> memref<1x1x64xf32, #tpu.memory_space<hbm>>
      %dma_start3A_824 = tpu.memref_squeeze %dma_start3A_823 : memref<1x1x64xf32, #tpu.memory_space<hbm>> -> memref<64xf32, #tpu.memory_space<hbm>>
      %dma_start3A_825 = arith.constant 0 : i32
      %dma_start3A_826 = tpu.memref_slice %arg18[%add3A_782, %dma_start3A_825] : memref<128x64xf32, #tpu.memory_space<vmem>> -> memref<1x64xf32, #tpu.memory_space<vmem>>
      %dma_start3A_827 = tpu.memref_squeeze %dma_start3A_826 : memref<1x64xf32, #tpu.memory_space<vmem>> -> memref<64xf32, #tpu.memory_space<vmem>>
      %dma_start3A_828 = arith.constant 0 : i32
      %dma_start3A_829 = tpu.memref_slice %arg4[%squeeze3A_816, %squeeze3A_818, %dma_start3A_828] : memref<12500x8x64xf32, #tpu.memory_space<hbm>> -> memref<1x1x64xf32, #tpu.memory_space<hbm>>
      %dma_start3A_830 = tpu.memref_squeeze %dma_start3A_829 : memref<1x1x64xf32, #tpu.memory_space<hbm>> -> memref<64xf32, #tpu.memory_space<hbm>>
      tpu.enqueue_dma source(%dma_start3A_830 : memref<64xf32, #tpu.memory_space<hbm>>) target(%dma_start3A_827 : memref<64xf32, #tpu.memory_space<vmem>>) target_semaphore(%arg21 : memref<!tpu.dma_semaphore, #tpu.memory_space<semaphore_mem>>)
      %slice3A_831 = vector.extract_strided_slice %shift_right_arithmetic3A_54 {offsets = [11], sizes = [1], strides = [1]} : vector<16xi32> to vector<1xi32>
      %squeeze3A_832 = vector.extract %slice3A_831[0] : i32 from vector<1xi32>
      %slice3A_833 = vector.extract_strided_slice %and3A_57 {offsets = [11], sizes = [1], strides = [1]} : vector<16xi32> to vector<1xi32>
      %squeeze3A_834 = vector.extract %slice3A_833[0] : i32 from vector<1xi32>
      %dma_start3A_835 = arith.constant 0 : i32
      %dma_start3A_836 = tpu.memref_slice %arg19[%add3A_782, %dma_start3A_835] : memref<128x64xf32, #tpu.memory_space<vmem>> -> memref<1x64xf32, #tpu.memory_space<vmem>>
      %dma_start3A_837 = tpu.memref_squeeze %dma_start3A_836 : memref<1x64xf32, #tpu.memory_space<vmem>> -> memref<64xf32, #tpu.memory_space<vmem>>
      %dma_start3A_838 = arith.constant 0 : i32
      %dma_start3A_839 = tpu.memref_slice %arg5[%squeeze3A_832, %squeeze3A_834, %dma_start3A_838] : memref<1250x8x64xf32, #tpu.memory_space<hbm>> -> memref<1x1x64xf32, #tpu.memory_space<hbm>>
      %dma_start3A_840 = tpu.memref_squeeze %dma_start3A_839 : memref<1x1x64xf32, #tpu.memory_space<hbm>> -> memref<64xf32, #tpu.memory_space<hbm>>
      %dma_start3A_841 = arith.constant 0 : i32
      %dma_start3A_842 = tpu.memref_slice %arg19[%add3A_782, %dma_start3A_841] : memref<128x64xf32, #tpu.memory_space<vmem>> -> memref<1x64xf32, #tpu.memory_space<vmem>>
      %dma_start3A_843 = tpu.memref_squeeze %dma_start3A_842 : memref<1x64xf32, #tpu.memory_space<vmem>> -> memref<64xf32, #tpu.memory_space<vmem>>
      %dma_start3A_844 = arith.constant 0 : i32
      %dma_start3A_845 = tpu.memref_slice %arg5[%squeeze3A_832, %squeeze3A_834, %dma_start3A_844] : memref<1250x8x64xf32, #tpu.memory_space<hbm>> -> memref<1x1x64xf32, #tpu.memory_space<hbm>>
      %dma_start3A_846 = tpu.memref_squeeze %dma_start3A_845 : memref<1x1x64xf32, #tpu.memory_space<hbm>> -> memref<64xf32, #tpu.memory_space<hbm>>
      tpu.enqueue_dma source(%dma_start3A_846 : memref<64xf32, #tpu.memory_space<hbm>>) target(%dma_start3A_843 : memref<64xf32, #tpu.memory_space<vmem>>) target_semaphore(%arg21 : memref<!tpu.dma_semaphore, #tpu.memory_space<semaphore_mem>>)
      %add3A_847 = arith.constant 12 : i32
      %add3A_848 = arith.addi %mul3A_24, %add3A_847 : i32
      %slice3A_849 = vector.extract_strided_slice %shift_right_arithmetic3A_37 {offsets = [12], sizes = [1], strides = [1]} : vector<16xi32> to vector<1xi32>
      %squeeze3A_850 = vector.extract %slice3A_849[0] : i32 from vector<1xi32>
      %slice3A_851 = vector.extract_strided_slice %and3A_39 {offsets = [12], sizes = [1], strides = [1]} : vector<16xi32> to vector<1xi32>
      %squeeze3A_852 = vector.extract %slice3A_851[0] : i32 from vector<1xi32>
      %dma_start3A_853 = arith.constant 0 : i32
      %dma_start3A_854 = tpu.memref_slice %arg16[%add3A_848, %dma_start3A_853] : memref<128x64xf32, #tpu.memory_space<vmem>> -> memref<1x64xf32, #tpu.memory_space<vmem>>
      %dma_start3A_855 = tpu.memref_squeeze %dma_start3A_854 : memref<1x64xf32, #tpu.memory_space<vmem>> -> memref<64xf32, #tpu.memory_space<vmem>>
      %dma_start3A_856 = arith.constant 0 : i32
      %dma_start3A_857 = tpu.memref_slice %arg2[%squeeze3A_850, %squeeze3A_852, %dma_start3A_856] : memref<12500x8x64xf32, #tpu.memory_space<hbm>> -> memref<1x1x64xf32, #tpu.memory_space<hbm>>
      %dma_start3A_858 = tpu.memref_squeeze %dma_start3A_857 : memref<1x1x64xf32, #tpu.memory_space<hbm>> -> memref<64xf32, #tpu.memory_space<hbm>>
      %dma_start3A_859 = arith.constant 0 : i32
      %dma_start3A_860 = tpu.memref_slice %arg16[%add3A_848, %dma_start3A_859] : memref<128x64xf32, #tpu.memory_space<vmem>> -> memref<1x64xf32, #tpu.memory_space<vmem>>
      %dma_start3A_861 = tpu.memref_squeeze %dma_start3A_860 : memref<1x64xf32, #tpu.memory_space<vmem>> -> memref<64xf32, #tpu.memory_space<vmem>>
      %dma_start3A_862 = arith.constant 0 : i32
      %dma_start3A_863 = tpu.memref_slice %arg2[%squeeze3A_850, %squeeze3A_852, %dma_start3A_862] : memref<12500x8x64xf32, #tpu.memory_space<hbm>> -> memref<1x1x64xf32, #tpu.memory_space<hbm>>
      %dma_start3A_864 = tpu.memref_squeeze %dma_start3A_863 : memref<1x1x64xf32, #tpu.memory_space<hbm>> -> memref<64xf32, #tpu.memory_space<hbm>>
      tpu.enqueue_dma source(%dma_start3A_864 : memref<64xf32, #tpu.memory_space<hbm>>) target(%dma_start3A_861 : memref<64xf32, #tpu.memory_space<vmem>>) target_semaphore(%arg21 : memref<!tpu.dma_semaphore, #tpu.memory_space<semaphore_mem>>)
      %slice3A_865 = vector.extract_strided_slice %shift_right_arithmetic3A_42 {offsets = [12], sizes = [1], strides = [1]} : vector<16xi32> to vector<1xi32>
      %squeeze3A_866 = vector.extract %slice3A_865[0] : i32 from vector<1xi32>
      %slice3A_867 = vector.extract_strided_slice %and3A_45 {offsets = [12], sizes = [1], strides = [1]} : vector<16xi32> to vector<1xi32>
      %squeeze3A_868 = vector.extract %slice3A_867[0] : i32 from vector<1xi32>
      %dma_start3A_869 = arith.constant 0 : i32
      %dma_start3A_870 = tpu.memref_slice %arg17[%add3A_848, %dma_start3A_869] : memref<128x64xf32, #tpu.memory_space<vmem>> -> memref<1x64xf32, #tpu.memory_space<vmem>>
      %dma_start3A_871 = tpu.memref_squeeze %dma_start3A_870 : memref<1x64xf32, #tpu.memory_space<vmem>> -> memref<64xf32, #tpu.memory_space<vmem>>
      %dma_start3A_872 = arith.constant 0 : i32
      %dma_start3A_873 = tpu.memref_slice %arg3[%squeeze3A_866, %squeeze3A_868, %dma_start3A_872] : memref<25x8x64xf32, #tpu.memory_space<hbm>> -> memref<1x1x64xf32, #tpu.memory_space<hbm>>
      %dma_start3A_874 = tpu.memref_squeeze %dma_start3A_873 : memref<1x1x64xf32, #tpu.memory_space<hbm>> -> memref<64xf32, #tpu.memory_space<hbm>>
      %dma_start3A_875 = arith.constant 0 : i32
      %dma_start3A_876 = tpu.memref_slice %arg17[%add3A_848, %dma_start3A_875] : memref<128x64xf32, #tpu.memory_space<vmem>> -> memref<1x64xf32, #tpu.memory_space<vmem>>
      %dma_start3A_877 = tpu.memref_squeeze %dma_start3A_876 : memref<1x64xf32, #tpu.memory_space<vmem>> -> memref<64xf32, #tpu.memory_space<vmem>>
      %dma_start3A_878 = arith.constant 0 : i32
      %dma_start3A_879 = tpu.memref_slice %arg3[%squeeze3A_866, %squeeze3A_868, %dma_start3A_878] : memref<25x8x64xf32, #tpu.memory_space<hbm>> -> memref<1x1x64xf32, #tpu.memory_space<hbm>>
      %dma_start3A_880 = tpu.memref_squeeze %dma_start3A_879 : memref<1x1x64xf32, #tpu.memory_space<hbm>> -> memref<64xf32, #tpu.memory_space<hbm>>
      tpu.enqueue_dma source(%dma_start3A_880 : memref<64xf32, #tpu.memory_space<hbm>>) target(%dma_start3A_877 : memref<64xf32, #tpu.memory_space<vmem>>) target_semaphore(%arg21 : memref<!tpu.dma_semaphore, #tpu.memory_space<semaphore_mem>>)
      %slice3A_881 = vector.extract_strided_slice %shift_right_arithmetic3A_48 {offsets = [12], sizes = [1], strides = [1]} : vector<16xi32> to vector<1xi32>
      %squeeze3A_882 = vector.extract %slice3A_881[0] : i32 from vector<1xi32>
      %slice3A_883 = vector.extract_strided_slice %and3A_51 {offsets = [12], sizes = [1], strides = [1]} : vector<16xi32> to vector<1xi32>
      %squeeze3A_884 = vector.extract %slice3A_883[0] : i32 from vector<1xi32>
      %dma_start3A_885 = arith.constant 0 : i32
      %dma_start3A_886 = tpu.memref_slice %arg18[%add3A_848, %dma_start3A_885] : memref<128x64xf32, #tpu.memory_space<vmem>> -> memref<1x64xf32, #tpu.memory_space<vmem>>
      %dma_start3A_887 = tpu.memref_squeeze %dma_start3A_886 : memref<1x64xf32, #tpu.memory_space<vmem>> -> memref<64xf32, #tpu.memory_space<vmem>>
      %dma_start3A_888 = arith.constant 0 : i32
      %dma_start3A_889 = tpu.memref_slice %arg4[%squeeze3A_882, %squeeze3A_884, %dma_start3A_888] : memref<12500x8x64xf32, #tpu.memory_space<hbm>> -> memref<1x1x64xf32, #tpu.memory_space<hbm>>
      %dma_start3A_890 = tpu.memref_squeeze %dma_start3A_889 : memref<1x1x64xf32, #tpu.memory_space<hbm>> -> memref<64xf32, #tpu.memory_space<hbm>>
      %dma_start3A_891 = arith.constant 0 : i32
      %dma_start3A_892 = tpu.memref_slice %arg18[%add3A_848, %dma_start3A_891] : memref<128x64xf32, #tpu.memory_space<vmem>> -> memref<1x64xf32, #tpu.memory_space<vmem>>
      %dma_start3A_893 = tpu.memref_squeeze %dma_start3A_892 : memref<1x64xf32, #tpu.memory_space<vmem>> -> memref<64xf32, #tpu.memory_space<vmem>>
      %dma_start3A_894 = arith.constant 0 : i32
      %dma_start3A_895 = tpu.memref_slice %arg4[%squeeze3A_882, %squeeze3A_884, %dma_start3A_894] : memref<12500x8x64xf32, #tpu.memory_space<hbm>> -> memref<1x1x64xf32, #tpu.memory_space<hbm>>
      %dma_start3A_896 = tpu.memref_squeeze %dma_start3A_895 : memref<1x1x64xf32, #tpu.memory_space<hbm>> -> memref<64xf32, #tpu.memory_space<hbm>>
      tpu.enqueue_dma source(%dma_start3A_896 : memref<64xf32, #tpu.memory_space<hbm>>) target(%dma_start3A_893 : memref<64xf32, #tpu.memory_space<vmem>>) target_semaphore(%arg21 : memref<!tpu.dma_semaphore, #tpu.memory_space<semaphore_mem>>)
      %slice3A_897 = vector.extract_strided_slice %shift_right_arithmetic3A_54 {offsets = [12], sizes = [1], strides = [1]} : vector<16xi32> to vector<1xi32>
      %squeeze3A_898 = vector.extract %slice3A_897[0] : i32 from vector<1xi32>
      %slice3A_899 = vector.extract_strided_slice %and3A_57 {offsets = [12], sizes = [1], strides = [1]} : vector<16xi32> to vector<1xi32>
      %squeeze3A_900 = vector.extract %slice3A_899[0] : i32 from vector<1xi32>
      %dma_start3A_901 = arith.constant 0 : i32
      %dma_start3A_902 = tpu.memref_slice %arg19[%add3A_848, %dma_start3A_901] : memref<128x64xf32, #tpu.memory_space<vmem>> -> memref<1x64xf32, #tpu.memory_space<vmem>>
      %dma_start3A_903 = tpu.memref_squeeze %dma_start3A_902 : memref<1x64xf32, #tpu.memory_space<vmem>> -> memref<64xf32, #tpu.memory_space<vmem>>
      %dma_start3A_904 = arith.constant 0 : i32
      %dma_start3A_905 = tpu.memref_slice %arg5[%squeeze3A_898, %squeeze3A_900, %dma_start3A_904] : memref<1250x8x64xf32, #tpu.memory_space<hbm>> -> memref<1x1x64xf32, #tpu.memory_space<hbm>>
      %dma_start3A_906 = tpu.memref_squeeze %dma_start3A_905 : memref<1x1x64xf32, #tpu.memory_space<hbm>> -> memref<64xf32, #tpu.memory_space<hbm>>
      %dma_start3A_907 = arith.constant 0 : i32
      %dma_start3A_908 = tpu.memref_slice %arg19[%add3A_848, %dma_start3A_907] : memref<128x64xf32, #tpu.memory_space<vmem>> -> memref<1x64xf32, #tpu.memory_space<vmem>>
      %dma_start3A_909 = tpu.memref_squeeze %dma_start3A_908 : memref<1x64xf32, #tpu.memory_space<vmem>> -> memref<64xf32, #tpu.memory_space<vmem>>
      %dma_start3A_910 = arith.constant 0 : i32
      %dma_start3A_911 = tpu.memref_slice %arg5[%squeeze3A_898, %squeeze3A_900, %dma_start3A_910] : memref<1250x8x64xf32, #tpu.memory_space<hbm>> -> memref<1x1x64xf32, #tpu.memory_space<hbm>>
      %dma_start3A_912 = tpu.memref_squeeze %dma_start3A_911 : memref<1x1x64xf32, #tpu.memory_space<hbm>> -> memref<64xf32, #tpu.memory_space<hbm>>
      tpu.enqueue_dma source(%dma_start3A_912 : memref<64xf32, #tpu.memory_space<hbm>>) target(%dma_start3A_909 : memref<64xf32, #tpu.memory_space<vmem>>) target_semaphore(%arg21 : memref<!tpu.dma_semaphore, #tpu.memory_space<semaphore_mem>>)
      %add3A_913 = arith.constant 13 : i32
      %add3A_914 = arith.addi %mul3A_24, %add3A_913 : i32
      %slice3A_915 = vector.extract_strided_slice %shift_right_arithmetic3A_37 {offsets = [13], sizes = [1], strides = [1]} : vector<16xi32> to vector<1xi32>
      %squeeze3A_916 = vector.extract %slice3A_915[0] : i32 from vector<1xi32>
      %slice3A_917 = vector.extract_strided_slice %and3A_39 {offsets = [13], sizes = [1], strides = [1]} : vector<16xi32> to vector<1xi32>
      %squeeze3A_918 = vector.extract %slice3A_917[0] : i32 from vector<1xi32>
      %dma_start3A_919 = arith.constant 0 : i32
      %dma_start3A_920 = tpu.memref_slice %arg16[%add3A_914, %dma_start3A_919] : memref<128x64xf32, #tpu.memory_space<vmem>> -> memref<1x64xf32, #tpu.memory_space<vmem>>
      %dma_start3A_921 = tpu.memref_squeeze %dma_start3A_920 : memref<1x64xf32, #tpu.memory_space<vmem>> -> memref<64xf32, #tpu.memory_space<vmem>>
      %dma_start3A_922 = arith.constant 0 : i32
      %dma_start3A_923 = tpu.memref_slice %arg2[%squeeze3A_916, %squeeze3A_918, %dma_start3A_922] : memref<12500x8x64xf32, #tpu.memory_space<hbm>> -> memref<1x1x64xf32, #tpu.memory_space<hbm>>
      %dma_start3A_924 = tpu.memref_squeeze %dma_start3A_923 : memref<1x1x64xf32, #tpu.memory_space<hbm>> -> memref<64xf32, #tpu.memory_space<hbm>>
      %dma_start3A_925 = arith.constant 0 : i32
      %dma_start3A_926 = tpu.memref_slice %arg16[%add3A_914, %dma_start3A_925] : memref<128x64xf32, #tpu.memory_space<vmem>> -> memref<1x64xf32, #tpu.memory_space<vmem>>
      %dma_start3A_927 = tpu.memref_squeeze %dma_start3A_926 : memref<1x64xf32, #tpu.memory_space<vmem>> -> memref<64xf32, #tpu.memory_space<vmem>>
      %dma_start3A_928 = arith.constant 0 : i32
      %dma_start3A_929 = tpu.memref_slice %arg2[%squeeze3A_916, %squeeze3A_918, %dma_start3A_928] : memref<12500x8x64xf32, #tpu.memory_space<hbm>> -> memref<1x1x64xf32, #tpu.memory_space<hbm>>
      %dma_start3A_930 = tpu.memref_squeeze %dma_start3A_929 : memref<1x1x64xf32, #tpu.memory_space<hbm>> -> memref<64xf32, #tpu.memory_space<hbm>>
      tpu.enqueue_dma source(%dma_start3A_930 : memref<64xf32, #tpu.memory_space<hbm>>) target(%dma_start3A_927 : memref<64xf32, #tpu.memory_space<vmem>>) target_semaphore(%arg21 : memref<!tpu.dma_semaphore, #tpu.memory_space<semaphore_mem>>)
      %slice3A_931 = vector.extract_strided_slice %shift_right_arithmetic3A_42 {offsets = [13], sizes = [1], strides = [1]} : vector<16xi32> to vector<1xi32>
      %squeeze3A_932 = vector.extract %slice3A_931[0] : i32 from vector<1xi32>
      %slice3A_933 = vector.extract_strided_slice %and3A_45 {offsets = [13], sizes = [1], strides = [1]} : vector<16xi32> to vector<1xi32>
      %squeeze3A_934 = vector.extract %slice3A_933[0] : i32 from vector<1xi32>
      %dma_start3A_935 = arith.constant 0 : i32
      %dma_start3A_936 = tpu.memref_slice %arg17[%add3A_914, %dma_start3A_935] : memref<128x64xf32, #tpu.memory_space<vmem>> -> memref<1x64xf32, #tpu.memory_space<vmem>>
      %dma_start3A_937 = tpu.memref_squeeze %dma_start3A_936 : memref<1x64xf32, #tpu.memory_space<vmem>> -> memref<64xf32, #tpu.memory_space<vmem>>
      %dma_start3A_938 = arith.constant 0 : i32
      %dma_start3A_939 = tpu.memref_slice %arg3[%squeeze3A_932, %squeeze3A_934, %dma_start3A_938] : memref<25x8x64xf32, #tpu.memory_space<hbm>> -> memref<1x1x64xf32, #tpu.memory_space<hbm>>
      %dma_start3A_940 = tpu.memref_squeeze %dma_start3A_939 : memref<1x1x64xf32, #tpu.memory_space<hbm>> -> memref<64xf32, #tpu.memory_space<hbm>>
      %dma_start3A_941 = arith.constant 0 : i32
      %dma_start3A_942 = tpu.memref_slice %arg17[%add3A_914, %dma_start3A_941] : memref<128x64xf32, #tpu.memory_space<vmem>> -> memref<1x64xf32, #tpu.memory_space<vmem>>
      %dma_start3A_943 = tpu.memref_squeeze %dma_start3A_942 : memref<1x64xf32, #tpu.memory_space<vmem>> -> memref<64xf32, #tpu.memory_space<vmem>>
      %dma_start3A_944 = arith.constant 0 : i32
      %dma_start3A_945 = tpu.memref_slice %arg3[%squeeze3A_932, %squeeze3A_934, %dma_start3A_944] : memref<25x8x64xf32, #tpu.memory_space<hbm>> -> memref<1x1x64xf32, #tpu.memory_space<hbm>>
      %dma_start3A_946 = tpu.memref_squeeze %dma_start3A_945 : memref<1x1x64xf32, #tpu.memory_space<hbm>> -> memref<64xf32, #tpu.memory_space<hbm>>
      tpu.enqueue_dma source(%dma_start3A_946 : memref<64xf32, #tpu.memory_space<hbm>>) target(%dma_start3A_943 : memref<64xf32, #tpu.memory_space<vmem>>) target_semaphore(%arg21 : memref<!tpu.dma_semaphore, #tpu.memory_space<semaphore_mem>>)
      %slice3A_947 = vector.extract_strided_slice %shift_right_arithmetic3A_48 {offsets = [13], sizes = [1], strides = [1]} : vector<16xi32> to vector<1xi32>
      %squeeze3A_948 = vector.extract %slice3A_947[0] : i32 from vector<1xi32>
      %slice3A_949 = vector.extract_strided_slice %and3A_51 {offsets = [13], sizes = [1], strides = [1]} : vector<16xi32> to vector<1xi32>
      %squeeze3A_950 = vector.extract %slice3A_949[0] : i32 from vector<1xi32>
      %dma_start3A_951 = arith.constant 0 : i32
      %dma_start3A_952 = tpu.memref_slice %arg18[%add3A_914, %dma_start3A_951] : memref<128x64xf32, #tpu.memory_space<vmem>> -> memref<1x64xf32, #tpu.memory_space<vmem>>
      %dma_start3A_953 = tpu.memref_squeeze %dma_start3A_952 : memref<1x64xf32, #tpu.memory_space<vmem>> -> memref<64xf32, #tpu.memory_space<vmem>>
      %dma_start3A_954 = arith.constant 0 : i32
      %dma_start3A_955 = tpu.memref_slice %arg4[%squeeze3A_948, %squeeze3A_950, %dma_start3A_954] : memref<12500x8x64xf32, #tpu.memory_space<hbm>> -> memref<1x1x64xf32, #tpu.memory_space<hbm>>
      %dma_start3A_956 = tpu.memref_squeeze %dma_start3A_955 : memref<1x1x64xf32, #tpu.memory_space<hbm>> -> memref<64xf32, #tpu.memory_space<hbm>>
      %dma_start3A_957 = arith.constant 0 : i32
      %dma_start3A_958 = tpu.memref_slice %arg18[%add3A_914, %dma_start3A_957] : memref<128x64xf32, #tpu.memory_space<vmem>> -> memref<1x64xf32, #tpu.memory_space<vmem>>
      %dma_start3A_959 = tpu.memref_squeeze %dma_start3A_958 : memref<1x64xf32, #tpu.memory_space<vmem>> -> memref<64xf32, #tpu.memory_space<vmem>>
      %dma_start3A_960 = arith.constant 0 : i32
      %dma_start3A_961 = tpu.memref_slice %arg4[%squeeze3A_948, %squeeze3A_950, %dma_start3A_960] : memref<12500x8x64xf32, #tpu.memory_space<hbm>> -> memref<1x1x64xf32, #tpu.memory_space<hbm>>
      %dma_start3A_962 = tpu.memref_squeeze %dma_start3A_961 : memref<1x1x64xf32, #tpu.memory_space<hbm>> -> memref<64xf32, #tpu.memory_space<hbm>>
      tpu.enqueue_dma source(%dma_start3A_962 : memref<64xf32, #tpu.memory_space<hbm>>) target(%dma_start3A_959 : memref<64xf32, #tpu.memory_space<vmem>>) target_semaphore(%arg21 : memref<!tpu.dma_semaphore, #tpu.memory_space<semaphore_mem>>)
      %slice3A_963 = vector.extract_strided_slice %shift_right_arithmetic3A_54 {offsets = [13], sizes = [1], strides = [1]} : vector<16xi32> to vector<1xi32>
      %squeeze3A_964 = vector.extract %slice3A_963[0] : i32 from vector<1xi32>
      %slice3A_965 = vector.extract_strided_slice %and3A_57 {offsets = [13], sizes = [1], strides = [1]} : vector<16xi32> to vector<1xi32>
      %squeeze3A_966 = vector.extract %slice3A_965[0] : i32 from vector<1xi32>
      %dma_start3A_967 = arith.constant 0 : i32
      %dma_start3A_968 = tpu.memref_slice %arg19[%add3A_914, %dma_start3A_967] : memref<128x64xf32, #tpu.memory_space<vmem>> -> memref<1x64xf32, #tpu.memory_space<vmem>>
      %dma_start3A_969 = tpu.memref_squeeze %dma_start3A_968 : memref<1x64xf32, #tpu.memory_space<vmem>> -> memref<64xf32, #tpu.memory_space<vmem>>
      %dma_start3A_970 = arith.constant 0 : i32
      %dma_start3A_971 = tpu.memref_slice %arg5[%squeeze3A_964, %squeeze3A_966, %dma_start3A_970] : memref<1250x8x64xf32, #tpu.memory_space<hbm>> -> memref<1x1x64xf32, #tpu.memory_space<hbm>>
      %dma_start3A_972 = tpu.memref_squeeze %dma_start3A_971 : memref<1x1x64xf32, #tpu.memory_space<hbm>> -> memref<64xf32, #tpu.memory_space<hbm>>
      %dma_start3A_973 = arith.constant 0 : i32
      %dma_start3A_974 = tpu.memref_slice %arg19[%add3A_914, %dma_start3A_973] : memref<128x64xf32, #tpu.memory_space<vmem>> -> memref<1x64xf32, #tpu.memory_space<vmem>>
      %dma_start3A_975 = tpu.memref_squeeze %dma_start3A_974 : memref<1x64xf32, #tpu.memory_space<vmem>> -> memref<64xf32, #tpu.memory_space<vmem>>
      %dma_start3A_976 = arith.constant 0 : i32
      %dma_start3A_977 = tpu.memref_slice %arg5[%squeeze3A_964, %squeeze3A_966, %dma_start3A_976] : memref<1250x8x64xf32, #tpu.memory_space<hbm>> -> memref<1x1x64xf32, #tpu.memory_space<hbm>>
      %dma_start3A_978 = tpu.memref_squeeze %dma_start3A_977 : memref<1x1x64xf32, #tpu.memory_space<hbm>> -> memref<64xf32, #tpu.memory_space<hbm>>
      tpu.enqueue_dma source(%dma_start3A_978 : memref<64xf32, #tpu.memory_space<hbm>>) target(%dma_start3A_975 : memref<64xf32, #tpu.memory_space<vmem>>) target_semaphore(%arg21 : memref<!tpu.dma_semaphore, #tpu.memory_space<semaphore_mem>>)
      %add3A_979 = arith.constant 14 : i32
      %add3A_980 = arith.addi %mul3A_24, %add3A_979 : i32
      %slice3A_981 = vector.extract_strided_slice %shift_right_arithmetic3A_37 {offsets = [14], sizes = [1], strides = [1]} : vector<16xi32> to vector<1xi32>
      %squeeze3A_982 = vector.extract %slice3A_981[0] : i32 from vector<1xi32>
      %slice3A_983 = vector.extract_strided_slice %and3A_39 {offsets = [14], sizes = [1], strides = [1]} : vector<16xi32> to vector<1xi32>
      %squeeze3A_984 = vector.extract %slice3A_983[0] : i32 from vector<1xi32>
      %dma_start3A_985 = arith.constant 0 : i32
      %dma_start3A_986 = tpu.memref_slice %arg16[%add3A_980, %dma_start3A_985] : memref<128x64xf32, #tpu.memory_space<vmem>> -> memref<1x64xf32, #tpu.memory_space<vmem>>
      %dma_start3A_987 = tpu.memref_squeeze %dma_start3A_986 : memref<1x64xf32, #tpu.memory_space<vmem>> -> memref<64xf32, #tpu.memory_space<vmem>>
      %dma_start3A_988 = arith.constant 0 : i32
      %dma_start3A_989 = tpu.memref_slice %arg2[%squeeze3A_982, %squeeze3A_984, %dma_start3A_988] : memref<12500x8x64xf32, #tpu.memory_space<hbm>> -> memref<1x1x64xf32, #tpu.memory_space<hbm>>
      %dma_start3A_990 = tpu.memref_squeeze %dma_start3A_989 : memref<1x1x64xf32, #tpu.memory_space<hbm>> -> memref<64xf32, #tpu.memory_space<hbm>>
      %dma_start3A_991 = arith.constant 0 : i32
      %dma_start3A_992 = tpu.memref_slice %arg16[%add3A_980, %dma_start3A_991] : memref<128x64xf32, #tpu.memory_space<vmem>> -> memref<1x64xf32, #tpu.memory_space<vmem>>
      %dma_start3A_993 = tpu.memref_squeeze %dma_start3A_992 : memref<1x64xf32, #tpu.memory_space<vmem>> -> memref<64xf32, #tpu.memory_space<vmem>>
      %dma_start3A_994 = arith.constant 0 : i32
      %dma_start3A_995 = tpu.memref_slice %arg2[%squeeze3A_982, %squeeze3A_984, %dma_start3A_994] : memref<12500x8x64xf32, #tpu.memory_space<hbm>> -> memref<1x1x64xf32, #tpu.memory_space<hbm>>
      %dma_start3A_996 = tpu.memref_squeeze %dma_start3A_995 : memref<1x1x64xf32, #tpu.memory_space<hbm>> -> memref<64xf32, #tpu.memory_space<hbm>>
      tpu.enqueue_dma source(%dma_start3A_996 : memref<64xf32, #tpu.memory_space<hbm>>) target(%dma_start3A_993 : memref<64xf32, #tpu.memory_space<vmem>>) target_semaphore(%arg21 : memref<!tpu.dma_semaphore, #tpu.memory_space<semaphore_mem>>)
      %slice3A_997 = vector.extract_strided_slice %shift_right_arithmetic3A_42 {offsets = [14], sizes = [1], strides = [1]} : vector<16xi32> to vector<1xi32>
      %squeeze3A_998 = vector.extract %slice3A_997[0] : i32 from vector<1xi32>
      %slice3A_999 = vector.extract_strided_slice %and3A_45 {offsets = [14], sizes = [1], strides = [1]} : vector<16xi32> to vector<1xi32>
      %squeeze3A_1000 = vector.extract %slice3A_999[0] : i32 from vector<1xi32>
      %dma_start3A_1001 = arith.constant 0 : i32
      %dma_start3A_1002 = tpu.memref_slice %arg17[%add3A_980, %dma_start3A_1001] : memref<128x64xf32, #tpu.memory_space<vmem>> -> memref<1x64xf32, #tpu.memory_space<vmem>>
      %dma_start3A_1003 = tpu.memref_squeeze %dma_start3A_1002 : memref<1x64xf32, #tpu.memory_space<vmem>> -> memref<64xf32, #tpu.memory_space<vmem>>
      %dma_start3A_1004 = arith.constant 0 : i32
      %dma_start3A_1005 = tpu.memref_slice %arg3[%squeeze3A_998, %squeeze3A_1000, %dma_start3A_1004] : memref<25x8x64xf32, #tpu.memory_space<hbm>> -> memref<1x1x64xf32, #tpu.memory_space<hbm>>
      %dma_start3A_1006 = tpu.memref_squeeze %dma_start3A_1005 : memref<1x1x64xf32, #tpu.memory_space<hbm>> -> memref<64xf32, #tpu.memory_space<hbm>>
      %dma_start3A_1007 = arith.constant 0 : i32
      %dma_start3A_1008 = tpu.memref_slice %arg17[%add3A_980, %dma_start3A_1007] : memref<128x64xf32, #tpu.memory_space<vmem>> -> memref<1x64xf32, #tpu.memory_space<vmem>>
      %dma_start3A_1009 = tpu.memref_squeeze %dma_start3A_1008 : memref<1x64xf32, #tpu.memory_space<vmem>> -> memref<64xf32, #tpu.memory_space<vmem>>
      %dma_start3A_1010 = arith.constant 0 : i32
      %dma_start3A_1011 = tpu.memref_slice %arg3[%squeeze3A_998, %squeeze3A_1000, %dma_start3A_1010] : memref<25x8x64xf32, #tpu.memory_space<hbm>> -> memref<1x1x64xf32, #tpu.memory_space<hbm>>
      %dma_start3A_1012 = tpu.memref_squeeze %dma_start3A_1011 : memref<1x1x64xf32, #tpu.memory_space<hbm>> -> memref<64xf32, #tpu.memory_space<hbm>>
      tpu.enqueue_dma source(%dma_start3A_1012 : memref<64xf32, #tpu.memory_space<hbm>>) target(%dma_start3A_1009 : memref<64xf32, #tpu.memory_space<vmem>>) target_semaphore(%arg21 : memref<!tpu.dma_semaphore, #tpu.memory_space<semaphore_mem>>)
      %slice3A_1013 = vector.extract_strided_slice %shift_right_arithmetic3A_48 {offsets = [14], sizes = [1], strides = [1]} : vector<16xi32> to vector<1xi32>
      %squeeze3A_1014 = vector.extract %slice3A_1013[0] : i32 from vector<1xi32>
      %slice3A_1015 = vector.extract_strided_slice %and3A_51 {offsets = [14], sizes = [1], strides = [1]} : vector<16xi32> to vector<1xi32>
      %squeeze3A_1016 = vector.extract %slice3A_1015[0] : i32 from vector<1xi32>
      %dma_start3A_1017 = arith.constant 0 : i32
      %dma_start3A_1018 = tpu.memref_slice %arg18[%add3A_980, %dma_start3A_1017] : memref<128x64xf32, #tpu.memory_space<vmem>> -> memref<1x64xf32, #tpu.memory_space<vmem>>
      %dma_start3A_1019 = tpu.memref_squeeze %dma_start3A_1018 : memref<1x64xf32, #tpu.memory_space<vmem>> -> memref<64xf32, #tpu.memory_space<vmem>>
      %dma_start3A_1020 = arith.constant 0 : i32
      %dma_start3A_1021 = tpu.memref_slice %arg4[%squeeze3A_1014, %squeeze3A_1016, %dma_start3A_1020] : memref<12500x8x64xf32, #tpu.memory_space<hbm>> -> memref<1x1x64xf32, #tpu.memory_space<hbm>>
      %dma_start3A_1022 = tpu.memref_squeeze %dma_start3A_1021 : memref<1x1x64xf32, #tpu.memory_space<hbm>> -> memref<64xf32, #tpu.memory_space<hbm>>
      %dma_start3A_1023 = arith.constant 0 : i32
      %dma_start3A_1024 = tpu.memref_slice %arg18[%add3A_980, %dma_start3A_1023] : memref<128x64xf32, #tpu.memory_space<vmem>> -> memref<1x64xf32, #tpu.memory_space<vmem>>
      %dma_start3A_1025 = tpu.memref_squeeze %dma_start3A_1024 : memref<1x64xf32, #tpu.memory_space<vmem>> -> memref<64xf32, #tpu.memory_space<vmem>>
      %dma_start3A_1026 = arith.constant 0 : i32
      %dma_start3A_1027 = tpu.memref_slice %arg4[%squeeze3A_1014, %squeeze3A_1016, %dma_start3A_1026] : memref<12500x8x64xf32, #tpu.memory_space<hbm>> -> memref<1x1x64xf32, #tpu.memory_space<hbm>>
      %dma_start3A_1028 = tpu.memref_squeeze %dma_start3A_1027 : memref<1x1x64xf32, #tpu.memory_space<hbm>> -> memref<64xf32, #tpu.memory_space<hbm>>
      tpu.enqueue_dma source(%dma_start3A_1028 : memref<64xf32, #tpu.memory_space<hbm>>) target(%dma_start3A_1025 : memref<64xf32, #tpu.memory_space<vmem>>) target_semaphore(%arg21 : memref<!tpu.dma_semaphore, #tpu.memory_space<semaphore_mem>>)
      %slice3A_1029 = vector.extract_strided_slice %shift_right_arithmetic3A_54 {offsets = [14], sizes = [1], strides = [1]} : vector<16xi32> to vector<1xi32>
      %squeeze3A_1030 = vector.extract %slice3A_1029[0] : i32 from vector<1xi32>
      %slice3A_1031 = vector.extract_strided_slice %and3A_57 {offsets = [14], sizes = [1], strides = [1]} : vector<16xi32> to vector<1xi32>
      %squeeze3A_1032 = vector.extract %slice3A_1031[0] : i32 from vector<1xi32>
      %dma_start3A_1033 = arith.constant 0 : i32
      %dma_start3A_1034 = tpu.memref_slice %arg19[%add3A_980, %dma_start3A_1033] : memref<128x64xf32, #tpu.memory_space<vmem>> -> memref<1x64xf32, #tpu.memory_space<vmem>>
      %dma_start3A_1035 = tpu.memref_squeeze %dma_start3A_1034 : memref<1x64xf32, #tpu.memory_space<vmem>> -> memref<64xf32, #tpu.memory_space<vmem>>
      %dma_start3A_1036 = arith.constant 0 : i32
      %dma_start3A_1037 = tpu.memref_slice %arg5[%squeeze3A_1030, %squeeze3A_1032, %dma_start3A_1036] : memref<1250x8x64xf32, #tpu.memory_space<hbm>> -> memref<1x1x64xf32, #tpu.memory_space<hbm>>
      %dma_start3A_1038 = tpu.memref_squeeze %dma_start3A_1037 : memref<1x1x64xf32, #tpu.memory_space<hbm>> -> memref<64xf32, #tpu.memory_space<hbm>>
      %dma_start3A_1039 = arith.constant 0 : i32
      %dma_start3A_1040 = tpu.memref_slice %arg19[%add3A_980, %dma_start3A_1039] : memref<128x64xf32, #tpu.memory_space<vmem>> -> memref<1x64xf32, #tpu.memory_space<vmem>>
      %dma_start3A_1041 = tpu.memref_squeeze %dma_start3A_1040 : memref<1x64xf32, #tpu.memory_space<vmem>> -> memref<64xf32, #tpu.memory_space<vmem>>
      %dma_start3A_1042 = arith.constant 0 : i32
      %dma_start3A_1043 = tpu.memref_slice %arg5[%squeeze3A_1030, %squeeze3A_1032, %dma_start3A_1042] : memref<1250x8x64xf32, #tpu.memory_space<hbm>> -> memref<1x1x64xf32, #tpu.memory_space<hbm>>
      %dma_start3A_1044 = tpu.memref_squeeze %dma_start3A_1043 : memref<1x1x64xf32, #tpu.memory_space<hbm>> -> memref<64xf32, #tpu.memory_space<hbm>>
      tpu.enqueue_dma source(%dma_start3A_1044 : memref<64xf32, #tpu.memory_space<hbm>>) target(%dma_start3A_1041 : memref<64xf32, #tpu.memory_space<vmem>>) target_semaphore(%arg21 : memref<!tpu.dma_semaphore, #tpu.memory_space<semaphore_mem>>)
      %add3A_1045 = arith.constant 15 : i32
      %add3A_1046 = arith.addi %mul3A_24, %add3A_1045 : i32
      %slice3A_1047 = vector.extract_strided_slice %shift_right_arithmetic3A_37 {offsets = [15], sizes = [1], strides = [1]} : vector<16xi32> to vector<1xi32>
      %squeeze3A_1048 = vector.extract %slice3A_1047[0] : i32 from vector<1xi32>
      %slice3A_1049 = vector.extract_strided_slice %and3A_39 {offsets = [15], sizes = [1], strides = [1]} : vector<16xi32> to vector<1xi32>
      %squeeze3A_1050 = vector.extract %slice3A_1049[0] : i32 from vector<1xi32>
      %dma_start3A_1051 = arith.constant 0 : i32
      %dma_start3A_1052 = tpu.memref_slice %arg16[%add3A_1046, %dma_start3A_1051] : memref<128x64xf32, #tpu.memory_space<vmem>> -> memref<1x64xf32, #tpu.memory_space<vmem>>
      %dma_start3A_1053 = tpu.memref_squeeze %dma_start3A_1052 : memref<1x64xf32, #tpu.memory_space<vmem>> -> memref<64xf32, #tpu.memory_space<vmem>>
      %dma_start3A_1054 = arith.constant 0 : i32
      %dma_start3A_1055 = tpu.memref_slice %arg2[%squeeze3A_1048, %squeeze3A_1050, %dma_start3A_1054] : memref<12500x8x64xf32, #tpu.memory_space<hbm>> -> memref<1x1x64xf32, #tpu.memory_space<hbm>>
      %dma_start3A_1056 = tpu.memref_squeeze %dma_start3A_1055 : memref<1x1x64xf32, #tpu.memory_space<hbm>> -> memref<64xf32, #tpu.memory_space<hbm>>
      %dma_start3A_1057 = arith.constant 0 : i32
      %dma_start3A_1058 = tpu.memref_slice %arg16[%add3A_1046, %dma_start3A_1057] : memref<128x64xf32, #tpu.memory_space<vmem>> -> memref<1x64xf32, #tpu.memory_space<vmem>>
      %dma_start3A_1059 = tpu.memref_squeeze %dma_start3A_1058 : memref<1x64xf32, #tpu.memory_space<vmem>> -> memref<64xf32, #tpu.memory_space<vmem>>
      %dma_start3A_1060 = arith.constant 0 : i32
      %dma_start3A_1061 = tpu.memref_slice %arg2[%squeeze3A_1048, %squeeze3A_1050, %dma_start3A_1060] : memref<12500x8x64xf32, #tpu.memory_space<hbm>> -> memref<1x1x64xf32, #tpu.memory_space<hbm>>
      %dma_start3A_1062 = tpu.memref_squeeze %dma_start3A_1061 : memref<1x1x64xf32, #tpu.memory_space<hbm>> -> memref<64xf32, #tpu.memory_space<hbm>>
      tpu.enqueue_dma source(%dma_start3A_1062 : memref<64xf32, #tpu.memory_space<hbm>>) target(%dma_start3A_1059 : memref<64xf32, #tpu.memory_space<vmem>>) target_semaphore(%arg21 : memref<!tpu.dma_semaphore, #tpu.memory_space<semaphore_mem>>)
      %slice3A_1063 = vector.extract_strided_slice %shift_right_arithmetic3A_42 {offsets = [15], sizes = [1], strides = [1]} : vector<16xi32> to vector<1xi32>
      %squeeze3A_1064 = vector.extract %slice3A_1063[0] : i32 from vector<1xi32>
      %slice3A_1065 = vector.extract_strided_slice %and3A_45 {offsets = [15], sizes = [1], strides = [1]} : vector<16xi32> to vector<1xi32>
      %squeeze3A_1066 = vector.extract %slice3A_1065[0] : i32 from vector<1xi32>
      %dma_start3A_1067 = arith.constant 0 : i32
      %dma_start3A_1068 = tpu.memref_slice %arg17[%add3A_1046, %dma_start3A_1067] : memref<128x64xf32, #tpu.memory_space<vmem>> -> memref<1x64xf32, #tpu.memory_space<vmem>>
      %dma_start3A_1069 = tpu.memref_squeeze %dma_start3A_1068 : memref<1x64xf32, #tpu.memory_space<vmem>> -> memref<64xf32, #tpu.memory_space<vmem>>
      %dma_start3A_1070 = arith.constant 0 : i32
      %dma_start3A_1071 = tpu.memref_slice %arg3[%squeeze3A_1064, %squeeze3A_1066, %dma_start3A_1070] : memref<25x8x64xf32, #tpu.memory_space<hbm>> -> memref<1x1x64xf32, #tpu.memory_space<hbm>>
      %dma_start3A_1072 = tpu.memref_squeeze %dma_start3A_1071 : memref<1x1x64xf32, #tpu.memory_space<hbm>> -> memref<64xf32, #tpu.memory_space<hbm>>
      %dma_start3A_1073 = arith.constant 0 : i32
      %dma_start3A_1074 = tpu.memref_slice %arg17[%add3A_1046, %dma_start3A_1073] : memref<128x64xf32, #tpu.memory_space<vmem>> -> memref<1x64xf32, #tpu.memory_space<vmem>>
      %dma_start3A_1075 = tpu.memref_squeeze %dma_start3A_1074 : memref<1x64xf32, #tpu.memory_space<vmem>> -> memref<64xf32, #tpu.memory_space<vmem>>
      %dma_start3A_1076 = arith.constant 0 : i32
      %dma_start3A_1077 = tpu.memref_slice %arg3[%squeeze3A_1064, %squeeze3A_1066, %dma_start3A_1076] : memref<25x8x64xf32, #tpu.memory_space<hbm>> -> memref<1x1x64xf32, #tpu.memory_space<hbm>>
      %dma_start3A_1078 = tpu.memref_squeeze %dma_start3A_1077 : memref<1x1x64xf32, #tpu.memory_space<hbm>> -> memref<64xf32, #tpu.memory_space<hbm>>
      tpu.enqueue_dma source(%dma_start3A_1078 : memref<64xf32, #tpu.memory_space<hbm>>) target(%dma_start3A_1075 : memref<64xf32, #tpu.memory_space<vmem>>) target_semaphore(%arg21 : memref<!tpu.dma_semaphore, #tpu.memory_space<semaphore_mem>>)
      %slice3A_1079 = vector.extract_strided_slice %shift_right_arithmetic3A_48 {offsets = [15], sizes = [1], strides = [1]} : vector<16xi32> to vector<1xi32>
      %squeeze3A_1080 = vector.extract %slice3A_1079[0] : i32 from vector<1xi32>
      %slice3A_1081 = vector.extract_strided_slice %and3A_51 {offsets = [15], sizes = [1], strides = [1]} : vector<16xi32> to vector<1xi32>
      %squeeze3A_1082 = vector.extract %slice3A_1081[0] : i32 from vector<1xi32>
      %dma_start3A_1083 = arith.constant 0 : i32
      %dma_start3A_1084 = tpu.memref_slice %arg18[%add3A_1046, %dma_start3A_1083] : memref<128x64xf32, #tpu.memory_space<vmem>> -> memref<1x64xf32, #tpu.memory_space<vmem>>
      %dma_start3A_1085 = tpu.memref_squeeze %dma_start3A_1084 : memref<1x64xf32, #tpu.memory_space<vmem>> -> memref<64xf32, #tpu.memory_space<vmem>>
      %dma_start3A_1086 = arith.constant 0 : i32
      %dma_start3A_1087 = tpu.memref_slice %arg4[%squeeze3A_1080, %squeeze3A_1082, %dma_start3A_1086] : memref<12500x8x64xf32, #tpu.memory_space<hbm>> -> memref<1x1x64xf32, #tpu.memory_space<hbm>>
      %dma_start3A_1088 = tpu.memref_squeeze %dma_start3A_1087 : memref<1x1x64xf32, #tpu.memory_space<hbm>> -> memref<64xf32, #tpu.memory_space<hbm>>
      %dma_start3A_1089 = arith.constant 0 : i32
      %dma_start3A_1090 = tpu.memref_slice %arg18[%add3A_1046, %dma_start3A_1089] : memref<128x64xf32, #tpu.memory_space<vmem>> -> memref<1x64xf32, #tpu.memory_space<vmem>>
      %dma_start3A_1091 = tpu.memref_squeeze %dma_start3A_1090 : memref<1x64xf32, #tpu.memory_space<vmem>> -> memref<64xf32, #tpu.memory_space<vmem>>
      %dma_start3A_1092 = arith.constant 0 : i32
      %dma_start3A_1093 = tpu.memref_slice %arg4[%squeeze3A_1080, %squeeze3A_1082, %dma_start3A_1092] : memref<12500x8x64xf32, #tpu.memory_space<hbm>> -> memref<1x1x64xf32, #tpu.memory_space<hbm>>
      %dma_start3A_1094 = tpu.memref_squeeze %dma_start3A_1093 : memref<1x1x64xf32, #tpu.memory_space<hbm>> -> memref<64xf32, #tpu.memory_space<hbm>>
      tpu.enqueue_dma source(%dma_start3A_1094 : memref<64xf32, #tpu.memory_space<hbm>>) target(%dma_start3A_1091 : memref<64xf32, #tpu.memory_space<vmem>>) target_semaphore(%arg21 : memref<!tpu.dma_semaphore, #tpu.memory_space<semaphore_mem>>)
      %slice3A_1095 = vector.extract_strided_slice %shift_right_arithmetic3A_54 {offsets = [15], sizes = [1], strides = [1]} : vector<16xi32> to vector<1xi32>
      %squeeze3A_1096 = vector.extract %slice3A_1095[0] : i32 from vector<1xi32>
      %slice3A_1097 = vector.extract_strided_slice %and3A_57 {offsets = [15], sizes = [1], strides = [1]} : vector<16xi32> to vector<1xi32>
      %squeeze3A_1098 = vector.extract %slice3A_1097[0] : i32 from vector<1xi32>
      %dma_start3A_1099 = arith.constant 0 : i32
      %dma_start3A_1100 = tpu.memref_slice %arg19[%add3A_1046, %dma_start3A_1099] : memref<128x64xf32, #tpu.memory_space<vmem>> -> memref<1x64xf32, #tpu.memory_space<vmem>>
      %dma_start3A_1101 = tpu.memref_squeeze %dma_start3A_1100 : memref<1x64xf32, #tpu.memory_space<vmem>> -> memref<64xf32, #tpu.memory_space<vmem>>
      %dma_start3A_1102 = arith.constant 0 : i32
      %dma_start3A_1103 = tpu.memref_slice %arg5[%squeeze3A_1096, %squeeze3A_1098, %dma_start3A_1102] : memref<1250x8x64xf32, #tpu.memory_space<hbm>> -> memref<1x1x64xf32, #tpu.memory_space<hbm>>
      %dma_start3A_1104 = tpu.memref_squeeze %dma_start3A_1103 : memref<1x1x64xf32, #tpu.memory_space<hbm>> -> memref<64xf32, #tpu.memory_space<hbm>>
      %dma_start3A_1105 = arith.constant 0 : i32
      %dma_start3A_1106 = tpu.memref_slice %arg19[%add3A_1046, %dma_start3A_1105] : memref<128x64xf32, #tpu.memory_space<vmem>> -> memref<1x64xf32, #tpu.memory_space<vmem>>
      %dma_start3A_1107 = tpu.memref_squeeze %dma_start3A_1106 : memref<1x64xf32, #tpu.memory_space<vmem>> -> memref<64xf32, #tpu.memory_space<vmem>>
      %dma_start3A_1108 = arith.constant 0 : i32
      %dma_start3A_1109 = tpu.memref_slice %arg5[%squeeze3A_1096, %squeeze3A_1098, %dma_start3A_1108] : memref<1250x8x64xf32, #tpu.memory_space<hbm>> -> memref<1x1x64xf32, #tpu.memory_space<hbm>>
      %dma_start3A_1110 = tpu.memref_squeeze %dma_start3A_1109 : memref<1x1x64xf32, #tpu.memory_space<hbm>> -> memref<64xf32, #tpu.memory_space<hbm>>
      tpu.enqueue_dma source(%dma_start3A_1110 : memref<64xf32, #tpu.memory_space<hbm>>) target(%dma_start3A_1107 : memref<64xf32, #tpu.memory_space<vmem>>) target_semaphore(%arg21 : memref<!tpu.dma_semaphore, #tpu.memory_space<semaphore_mem>>)
    }
    %scan3A_7 = arith.constant 8 : i32
    %scan3A_8 = arith.constant 0 : i32
    %scan3A_9 = arith.constant 0 : i32
    %scan3A_10 = arith.constant 128 : i32
    %scan3A_11 = arith.addi %scan3A_9, %scan3A_10 : i32
    %scan3A_12 = arith.constant 1 : i32
    scf.for %scan3A_22 = %scan3A_9 to %scan3A_11 step %scan3A_12  : i32 {
      %dma_wait3A = arith.constant 0 : i32
      %dma_wait3A_23 = arith.constant 0 : i32
      %dma_wait3A_24 = arith.constant 0 : i32
      %dma_wait3A_25 = arith.constant 0 : i32
      %dma_wait3A_26 = tpu.memref_slice %arg16[%dma_wait3A_24, %dma_wait3A_25] : memref<128x64xf32, #tpu.memory_space<vmem>> -> memref<1x64xf32, #tpu.memory_space<vmem>>
      %dma_wait3A_27 = tpu.memref_squeeze %dma_wait3A_26 : memref<1x64xf32, #tpu.memory_space<vmem>> -> memref<64xf32, #tpu.memory_space<vmem>>
      %dma_wait3A_28 = arith.constant 0 : i32
      %dma_wait3A_29 = tpu.memref_slice %arg2[%dma_wait3A, %dma_wait3A_23, %dma_wait3A_28] : memref<12500x8x64xf32, #tpu.memory_space<hbm>> -> memref<1x1x64xf32, #tpu.memory_space<hbm>>
      %dma_wait3A_30 = tpu.memref_squeeze %dma_wait3A_29 : memref<1x1x64xf32, #tpu.memory_space<hbm>> -> memref<64xf32, #tpu.memory_space<hbm>>
      %dma_wait3A_31 = arith.constant 0 : i32
      %dma_wait3A_32 = tpu.memref_slice %arg16[%dma_wait3A_24, %dma_wait3A_31] : memref<128x64xf32, #tpu.memory_space<vmem>> -> memref<1x64xf32, #tpu.memory_space<vmem>>
      %dma_wait3A_33 = tpu.memref_squeeze %dma_wait3A_32 : memref<1x64xf32, #tpu.memory_space<vmem>> -> memref<64xf32, #tpu.memory_space<vmem>>
      %dma_wait3A_34 = arith.constant 0 : i32
      %dma_wait3A_35 = tpu.memref_slice %arg2[%dma_wait3A, %dma_wait3A_23, %dma_wait3A_34] : memref<12500x8x64xf32, #tpu.memory_space<hbm>> -> memref<1x1x64xf32, #tpu.memory_space<hbm>>
      %dma_wait3A_36 = tpu.memref_squeeze %dma_wait3A_35 : memref<1x1x64xf32, #tpu.memory_space<hbm>> -> memref<64xf32, #tpu.memory_space<hbm>>
      tpu.wait_dma2 semaphore(%arg21 : memref<!tpu.dma_semaphore, #tpu.memory_space<semaphore_mem>>) src(%dma_wait3A_36 : memref<64xf32, #tpu.memory_space<hbm>>) dst(%dma_wait3A_33 : memref<64xf32, #tpu.memory_space<vmem>>)
      %dma_wait3A_37 = arith.constant 0 : i32
      %dma_wait3A_38 = arith.constant 0 : i32
      %dma_wait3A_39 = arith.constant 0 : i32
      %dma_wait3A_40 = arith.constant 0 : i32
      %dma_wait3A_41 = tpu.memref_slice %arg17[%dma_wait3A_39, %dma_wait3A_40] : memref<128x64xf32, #tpu.memory_space<vmem>> -> memref<1x64xf32, #tpu.memory_space<vmem>>
      %dma_wait3A_42 = tpu.memref_squeeze %dma_wait3A_41 : memref<1x64xf32, #tpu.memory_space<vmem>> -> memref<64xf32, #tpu.memory_space<vmem>>
      %dma_wait3A_43 = arith.constant 0 : i32
      %dma_wait3A_44 = tpu.memref_slice %arg3[%dma_wait3A_37, %dma_wait3A_38, %dma_wait3A_43] : memref<25x8x64xf32, #tpu.memory_space<hbm>> -> memref<1x1x64xf32, #tpu.memory_space<hbm>>
      %dma_wait3A_45 = tpu.memref_squeeze %dma_wait3A_44 : memref<1x1x64xf32, #tpu.memory_space<hbm>> -> memref<64xf32, #tpu.memory_space<hbm>>
      %dma_wait3A_46 = arith.constant 0 : i32
      %dma_wait3A_47 = tpu.memref_slice %arg17[%dma_wait3A_39, %dma_wait3A_46] : memref<128x64xf32, #tpu.memory_space<vmem>> -> memref<1x64xf32, #tpu.memory_space<vmem>>
      %dma_wait3A_48 = tpu.memref_squeeze %dma_wait3A_47 : memref<1x64xf32, #tpu.memory_space<vmem>> -> memref<64xf32, #tpu.memory_space<vmem>>
      %dma_wait3A_49 = arith.constant 0 : i32
      %dma_wait3A_50 = tpu.memref_slice %arg3[%dma_wait3A_37, %dma_wait3A_38, %dma_wait3A_49] : memref<25x8x64xf32, #tpu.memory_space<hbm>> -> memref<1x1x64xf32, #tpu.memory_space<hbm>>
      %dma_wait3A_51 = tpu.memref_squeeze %dma_wait3A_50 : memref<1x1x64xf32, #tpu.memory_space<hbm>> -> memref<64xf32, #tpu.memory_space<hbm>>
      tpu.wait_dma2 semaphore(%arg21 : memref<!tpu.dma_semaphore, #tpu.memory_space<semaphore_mem>>) src(%dma_wait3A_51 : memref<64xf32, #tpu.memory_space<hbm>>) dst(%dma_wait3A_48 : memref<64xf32, #tpu.memory_space<vmem>>)
      %dma_wait3A_52 = arith.constant 0 : i32
      %dma_wait3A_53 = arith.constant 0 : i32
      %dma_wait3A_54 = arith.constant 0 : i32
      %dma_wait3A_55 = arith.constant 0 : i32
      %dma_wait3A_56 = tpu.memref_slice %arg18[%dma_wait3A_54, %dma_wait3A_55] : memref<128x64xf32, #tpu.memory_space<vmem>> -> memref<1x64xf32, #tpu.memory_space<vmem>>
      %dma_wait3A_57 = tpu.memref_squeeze %dma_wait3A_56 : memref<1x64xf32, #tpu.memory_space<vmem>> -> memref<64xf32, #tpu.memory_space<vmem>>
      %dma_wait3A_58 = arith.constant 0 : i32
      %dma_wait3A_59 = tpu.memref_slice %arg4[%dma_wait3A_52, %dma_wait3A_53, %dma_wait3A_58] : memref<12500x8x64xf32, #tpu.memory_space<hbm>> -> memref<1x1x64xf32, #tpu.memory_space<hbm>>
      %dma_wait3A_60 = tpu.memref_squeeze %dma_wait3A_59 : memref<1x1x64xf32, #tpu.memory_space<hbm>> -> memref<64xf32, #tpu.memory_space<hbm>>
      %dma_wait3A_61 = arith.constant 0 : i32
      %dma_wait3A_62 = tpu.memref_slice %arg18[%dma_wait3A_54, %dma_wait3A_61] : memref<128x64xf32, #tpu.memory_space<vmem>> -> memref<1x64xf32, #tpu.memory_space<vmem>>
      %dma_wait3A_63 = tpu.memref_squeeze %dma_wait3A_62 : memref<1x64xf32, #tpu.memory_space<vmem>> -> memref<64xf32, #tpu.memory_space<vmem>>
      %dma_wait3A_64 = arith.constant 0 : i32
      %dma_wait3A_65 = tpu.memref_slice %arg4[%dma_wait3A_52, %dma_wait3A_53, %dma_wait3A_64] : memref<12500x8x64xf32, #tpu.memory_space<hbm>> -> memref<1x1x64xf32, #tpu.memory_space<hbm>>
      %dma_wait3A_66 = tpu.memref_squeeze %dma_wait3A_65 : memref<1x1x64xf32, #tpu.memory_space<hbm>> -> memref<64xf32, #tpu.memory_space<hbm>>
      tpu.wait_dma2 semaphore(%arg21 : memref<!tpu.dma_semaphore, #tpu.memory_space<semaphore_mem>>) src(%dma_wait3A_66 : memref<64xf32, #tpu.memory_space<hbm>>) dst(%dma_wait3A_63 : memref<64xf32, #tpu.memory_space<vmem>>)
      %dma_wait3A_67 = arith.constant 0 : i32
      %dma_wait3A_68 = arith.constant 0 : i32
      %dma_wait3A_69 = arith.constant 0 : i32
      %dma_wait3A_70 = arith.constant 0 : i32
      %dma_wait3A_71 = tpu.memref_slice %arg19[%dma_wait3A_69, %dma_wait3A_70] : memref<128x64xf32, #tpu.memory_space<vmem>> -> memref<1x64xf32, #tpu.memory_space<vmem>>
      %dma_wait3A_72 = tpu.memref_squeeze %dma_wait3A_71 : memref<1x64xf32, #tpu.memory_space<vmem>> -> memref<64xf32, #tpu.memory_space<vmem>>
      %dma_wait3A_73 = arith.constant 0 : i32
      %dma_wait3A_74 = tpu.memref_slice %arg5[%dma_wait3A_67, %dma_wait3A_68, %dma_wait3A_73] : memref<1250x8x64xf32, #tpu.memory_space<hbm>> -> memref<1x1x64xf32, #tpu.memory_space<hbm>>
      %dma_wait3A_75 = tpu.memref_squeeze %dma_wait3A_74 : memref<1x1x64xf32, #tpu.memory_space<hbm>> -> memref<64xf32, #tpu.memory_space<hbm>>
      %dma_wait3A_76 = arith.constant 0 : i32
      %dma_wait3A_77 = tpu.memref_slice %arg19[%dma_wait3A_69, %dma_wait3A_76] : memref<128x64xf32, #tpu.memory_space<vmem>> -> memref<1x64xf32, #tpu.memory_space<vmem>>
      %dma_wait3A_78 = tpu.memref_squeeze %dma_wait3A_77 : memref<1x64xf32, #tpu.memory_space<vmem>> -> memref<64xf32, #tpu.memory_space<vmem>>
      %dma_wait3A_79 = arith.constant 0 : i32
      %dma_wait3A_80 = tpu.memref_slice %arg5[%dma_wait3A_67, %dma_wait3A_68, %dma_wait3A_79] : memref<1250x8x64xf32, #tpu.memory_space<hbm>> -> memref<1x1x64xf32, #tpu.memory_space<hbm>>
      %dma_wait3A_81 = tpu.memref_squeeze %dma_wait3A_80 : memref<1x1x64xf32, #tpu.memory_space<hbm>> -> memref<64xf32, #tpu.memory_space<hbm>>
      tpu.wait_dma2 semaphore(%arg21 : memref<!tpu.dma_semaphore, #tpu.memory_space<semaphore_mem>>) src(%dma_wait3A_81 : memref<64xf32, #tpu.memory_space<hbm>>) dst(%dma_wait3A_78 : memref<64xf32, #tpu.memory_space<vmem>>)
    }
    %scan3A_13 = arith.constant 128 : i32
    %eq3A = arith.constant 31 : i32
    %eq3A_14 = arith.cmpi eq, %add3A, %eq3A : i32
    %convert_element_type3A = arith.extui %eq3A_14 : i1 to i32
    %cond3A = arith.constant 0 : i32
    %cond3A_15 = arith.cmpi ne, %convert_element_type3A, %cond3A : i32
    scf.if %cond3A_15 {
      %run_scoped3A = arith.constant 0 : i32
      %run_scoped3A_22 = arith.constant 1 : i32
      %run_scoped3A_23 = arith.constant 127 : i32
      "tpu.region"() ({
        %run_scoped3A_24 = tpu.sem_alloc : memref<!tpu.dma_semaphore, #tpu.memory_space<semaphore_mem>>
        %dma_start3A = arith.constant 0 : i32
        %dma_start3A_25 = tpu.memref_slice %arg18[%run_scoped3A_23, %dma_start3A] : memref<128x64xf32, #tpu.memory_space<vmem>> -> memref<1x64xf32, #tpu.memory_space<vmem>>
        %dma_start3A_26 = tpu.memref_squeeze %dma_start3A_25 : memref<1x64xf32, #tpu.memory_space<vmem>> -> memref<64xf32, #tpu.memory_space<vmem>>
        %dma_start3A_27 = arith.constant 0 : i32
        %dma_start3A_28 = tpu.memref_slice %arg6[%run_scoped3A, %run_scoped3A_22, %dma_start3A_27] : memref<1x8x64xf32, #tpu.memory_space<hbm>> -> memref<1x1x64xf32, #tpu.memory_space<hbm>>
        %dma_start3A_29 = tpu.memref_squeeze %dma_start3A_28 : memref<1x1x64xf32, #tpu.memory_space<hbm>> -> memref<64xf32, #tpu.memory_space<hbm>>
        %dma_start3A_30 = arith.constant 0 : i32
        %dma_start3A_31 = tpu.memref_slice %arg18[%run_scoped3A_23, %dma_start3A_30] : memref<128x64xf32, #tpu.memory_space<vmem>> -> memref<1x64xf32, #tpu.memory_space<vmem>>
        %dma_start3A_32 = tpu.memref_squeeze %dma_start3A_31 : memref<1x64xf32, #tpu.memory_space<vmem>> -> memref<64xf32, #tpu.memory_space<vmem>>
        %dma_start3A_33 = arith.constant 0 : i32
        %dma_start3A_34 = tpu.memref_slice %arg6[%run_scoped3A, %run_scoped3A_22, %dma_start3A_33] : memref<1x8x64xf32, #tpu.memory_space<hbm>> -> memref<1x1x64xf32, #tpu.memory_space<hbm>>
        %dma_start3A_35 = tpu.memref_squeeze %dma_start3A_34 : memref<1x1x64xf32, #tpu.memory_space<hbm>> -> memref<64xf32, #tpu.memory_space<hbm>>
        tpu.enqueue_dma source(%dma_start3A_35 : memref<64xf32, #tpu.memory_space<hbm>>) target(%dma_start3A_32 : memref<64xf32, #tpu.memory_space<vmem>>) target_semaphore(%run_scoped3A_24 : memref<!tpu.dma_semaphore, #tpu.memory_space<semaphore_mem>>)
        %dma_wait3A = arith.constant 0 : i32
        %dma_wait3A_36 = tpu.memref_slice %arg18[%run_scoped3A_23, %dma_wait3A] : memref<128x64xf32, #tpu.memory_space<vmem>> -> memref<1x64xf32, #tpu.memory_space<vmem>>
        %dma_wait3A_37 = tpu.memref_squeeze %dma_wait3A_36 : memref<1x64xf32, #tpu.memory_space<vmem>> -> memref<64xf32, #tpu.memory_space<vmem>>
        %dma_wait3A_38 = arith.constant 0 : i32
        %dma_wait3A_39 = tpu.memref_slice %arg6[%run_scoped3A, %run_scoped3A_22, %dma_wait3A_38] : memref<1x8x64xf32, #tpu.memory_space<hbm>> -> memref<1x1x64xf32, #tpu.memory_space<hbm>>
        %dma_wait3A_40 = tpu.memref_squeeze %dma_wait3A_39 : memref<1x1x64xf32, #tpu.memory_space<hbm>> -> memref<64xf32, #tpu.memory_space<hbm>>
        %dma_wait3A_41 = arith.constant 0 : i32
        %dma_wait3A_42 = tpu.memref_slice %arg18[%run_scoped3A_23, %dma_wait3A_41] : memref<128x64xf32, #tpu.memory_space<vmem>> -> memref<1x64xf32, #tpu.memory_space<vmem>>
        %dma_wait3A_43 = tpu.memref_squeeze %dma_wait3A_42 : memref<1x64xf32, #tpu.memory_space<vmem>> -> memref<64xf32, #tpu.memory_space<vmem>>
        %dma_wait3A_44 = arith.constant 0 : i32
        %dma_wait3A_45 = tpu.memref_slice %arg6[%run_scoped3A, %run_scoped3A_22, %dma_wait3A_44] : memref<1x8x64xf32, #tpu.memory_space<hbm>> -> memref<1x1x64xf32, #tpu.memory_space<hbm>>
        %dma_wait3A_46 = tpu.memref_squeeze %dma_wait3A_45 : memref<1x1x64xf32, #tpu.memory_space<hbm>> -> memref<64xf32, #tpu.memory_space<hbm>>
        tpu.wait_dma2 semaphore(%run_scoped3A_24 : memref<!tpu.dma_semaphore, #tpu.memory_space<semaphore_mem>>) src(%dma_wait3A_46 : memref<64xf32, #tpu.memory_space<hbm>>) dst(%dma_wait3A_43 : memref<64xf32, #tpu.memory_space<vmem>>)
        tpu.yield
      }) : () -> ()
    } else {
    }
    %scan3A_16 = arith.constant 0 : i32
    %scan3A_17 = arith.constant 0 : i32
    %scan3A_18 = arith.constant 128 : i32
    %scan3A_19 = arith.addi %scan3A_17, %scan3A_18 : i32
    %scan3A_20 = arith.constant 1 : i32
    scf.for %scan3A_22 = %scan3A_17 to %scan3A_19 step %scan3A_20  : i32 {
      %get3A = arith.index_cast %scan3A_22 : i32 to index
      %get3A_23 = arith.constant 0 : index
      %get3A_24 = tpu.vector_load %arg19[%get3A, %get3A_23] {strides = array<i32>} : memref<128x64xf32, #tpu.memory_space<vmem>>, vector<1x16xf32>,
      %get3A_25 = vector.shape_cast %get3A_24 : vector<1x16xf32> to vector<16xf32>
      %get3A_26 = arith.index_cast %scan3A_22 : i32 to index
      %get3A_27 = arith.constant 0 : index
      %get3A_28 = tpu.vector_load %arg16[%get3A_26, %get3A_27] {strides = array<i32>} : memref<128x64xf32, #tpu.memory_space<vmem>>, vector<1x16xf32>,
      %get3A_29 = vector.shape_cast %get3A_28 : vector<1x16xf32> to vector<16xf32>
      %add3A_30 = arith.addf %get3A_25, %get3A_29 : vector<16xf32>
      %swap3A = arith.index_cast %scan3A_22 : i32 to index
      %swap3A_31 = arith.constant 0 : index
      %swap3A_32 = tpu.vector_load %arg20[%swap3A, %swap3A_31] {strides = array<i32>} : memref<128x192xf32, #tpu.memory_space<vmem>>, vector<1x16xf32>,
      %swap3A_33 = vector.shape_cast %swap3A_32 : vector<1x16xf32> to vector<16xf32>
      %swap3A_34 = vector.shape_cast %add3A_30 : vector<16xf32> to vector<1x16xf32>
      tpu.vector_store %arg20[%swap3A, %swap3A_31], %swap3A_34 {strides = array<i32>} : memref<128x192xf32, #tpu.memory_space<vmem>>, vector<1x16xf32>,
      %get3A_35 = arith.index_cast %scan3A_22 : i32 to index
      %get3A_36 = arith.constant 0 : index
      %get3A_37 = tpu.vector_load %arg17[%get3A_35, %get3A_36] {strides = array<i32>} : memref<128x64xf32, #tpu.memory_space<vmem>>, vector<1x16xf32>,
      %get3A_38 = vector.shape_cast %get3A_37 : vector<1x16xf32> to vector<16xf32>
      %swap3A_39 = arith.index_cast %scan3A_22 : i32 to index
      %swap3A_40 = arith.constant 64 : index
      %swap3A_41 = tpu.vector_load %arg20[%swap3A_39, %swap3A_40] {strides = array<i32>} : memref<128x192xf32, #tpu.memory_space<vmem>>, vector<1x16xf32>,
      %swap3A_42 = vector.shape_cast %swap3A_41 : vector<1x16xf32> to vector<16xf32>
      %swap3A_43 = vector.shape_cast %get3A_38 : vector<16xf32> to vector<1x16xf32>
      tpu.vector_store %arg20[%swap3A_39, %swap3A_40], %swap3A_43 {strides = array<i32>} : memref<128x192xf32, #tpu.memory_space<vmem>>, vector<1x16xf32>,
      %get3A_44 = arith.index_cast %scan3A_22 : i32 to index
      %get3A_45 = arith.constant 0 : index
      %get3A_46 = tpu.vector_load %arg18[%get3A_44, %get3A_45] {strides = array<i32>} : memref<128x64xf32, #tpu.memory_space<vmem>>, vector<1x16xf32>,
      %get3A_47 = vector.shape_cast %get3A_46 : vector<1x16xf32> to vector<16xf32>
      %add3A_48 = arith.addf %get3A_25, %get3A_47 : vector<16xf32>
      %swap3A_49 = arith.index_cast %scan3A_22 : i32 to index
      %swap3A_50 = arith.constant 128 : index
      %swap3A_51 = tpu.vector_load %arg20[%swap3A_49, %swap3A_50] {strides = array<i32>} : memref<128x192xf32, #tpu.memory_space<vmem>>, vector<1x16xf32>,
      %swap3A_52 = vector.shape_cast %swap3A_51 : vector<1x16xf32> to vector<16xf32>
      %swap3A_53 = vector.shape_cast %add3A_48 : vector<16xf32> to vector<1x16xf32>
      tpu.vector_store %arg20[%swap3A_49, %swap3A_50], %swap3A_53 {strides = array<i32>} : memref<128x192xf32, #tpu.memory_space<vmem>>, vector<1x16xf32>,
      %get3A_54 = arith.index_cast %scan3A_22 : i32 to index
      %get3A_55 = arith.constant 16 : index
      %get3A_56 = tpu.vector_load %arg19[%get3A_54, %get3A_55] {strides = array<i32>} : memref<128x64xf32, #tpu.memory_space<vmem>>, vector<1x16xf32>,
      %get3A_57 = vector.shape_cast %get3A_56 : vector<1x16xf32> to vector<16xf32>
      %get3A_58 = arith.index_cast %scan3A_22 : i32 to index
      %get3A_59 = arith.constant 16 : index
      %get3A_60 = tpu.vector_load %arg16[%get3A_58, %get3A_59] {strides = array<i32>} : memref<128x64xf32, #tpu.memory_space<vmem>>, vector<1x16xf32>,
      %get3A_61 = vector.shape_cast %get3A_60 : vector<1x16xf32> to vector<16xf32>
      %add3A_62 = arith.addf %get3A_57, %get3A_61 : vector<16xf32>
      %swap3A_63 = arith.index_cast %scan3A_22 : i32 to index
      %swap3A_64 = arith.constant 16 : index
      %swap3A_65 = tpu.vector_load %arg20[%swap3A_63, %swap3A_64] {strides = array<i32>} : memref<128x192xf32, #tpu.memory_space<vmem>>, vector<1x16xf32>,
      %swap3A_66 = vector.shape_cast %swap3A_65 : vector<1x16xf32> to vector<16xf32>
      %swap3A_67 = vector.shape_cast %add3A_62 : vector<16xf32> to vector<1x16xf32>
      tpu.vector_store %arg20[%swap3A_63, %swap3A_64], %swap3A_67 {strides = array<i32>} : memref<128x192xf32, #tpu.memory_space<vmem>>, vector<1x16xf32>,
      %get3A_68 = arith.index_cast %scan3A_22 : i32 to index
      %get3A_69 = arith.constant 16 : index
      %get3A_70 = tpu.vector_load %arg17[%get3A_68, %get3A_69] {strides = array<i32>} : memref<128x64xf32, #tpu.memory_space<vmem>>, vector<1x16xf32>,
      %get3A_71 = vector.shape_cast %get3A_70 : vector<1x16xf32> to vector<16xf32>
      %swap3A_72 = arith.index_cast %scan3A_22 : i32 to index
      %swap3A_73 = arith.constant 80 : index
      %swap3A_74 = tpu.vector_load %arg20[%swap3A_72, %swap3A_73] {strides = array<i32>} : memref<128x192xf32, #tpu.memory_space<vmem>>, vector<1x16xf32>,
      %swap3A_75 = vector.shape_cast %swap3A_74 : vector<1x16xf32> to vector<16xf32>
      %swap3A_76 = vector.shape_cast %get3A_71 : vector<16xf32> to vector<1x16xf32>
      tpu.vector_store %arg20[%swap3A_72, %swap3A_73], %swap3A_76 {strides = array<i32>} : memref<128x192xf32, #tpu.memory_space<vmem>>, vector<1x16xf32>,
      %get3A_77 = arith.index_cast %scan3A_22 : i32 to index
      %get3A_78 = arith.constant 16 : index
      %get3A_79 = tpu.vector_load %arg18[%get3A_77, %get3A_78] {strides = array<i32>} : memref<128x64xf32, #tpu.memory_space<vmem>>, vector<1x16xf32>,
      %get3A_80 = vector.shape_cast %get3A_79 : vector<1x16xf32> to vector<16xf32>
      %add3A_81 = arith.addf %get3A_57, %get3A_80 : vector<16xf32>
      %swap3A_82 = arith.index_cast %scan3A_22 : i32 to index
      %swap3A_83 = arith.constant 144 : index
      %swap3A_84 = tpu.vector_load %arg20[%swap3A_82, %swap3A_83] {strides = array<i32>} : memref<128x192xf32, #tpu.memory_space<vmem>>, vector<1x16xf32>,
      %swap3A_85 = vector.shape_cast %swap3A_84 : vector<1x16xf32> to vector<16xf32>
      %swap3A_86 = vector.shape_cast %add3A_81 : vector<16xf32> to vector<1x16xf32>
      tpu.vector_store %arg20[%swap3A_82, %swap3A_83], %swap3A_86 {strides = array<i32>} : memref<128x192xf32, #tpu.memory_space<vmem>>, vector<1x16xf32>,
      %get3A_87 = arith.index_cast %scan3A_22 : i32 to index
      %get3A_88 = arith.constant 32 : index
      %get3A_89 = tpu.vector_load %arg19[%get3A_87, %get3A_88] {strides = array<i32>} : memref<128x64xf32, #tpu.memory_space<vmem>>, vector<1x16xf32>,
      %get3A_90 = vector.shape_cast %get3A_89 : vector<1x16xf32> to vector<16xf32>
      %get3A_91 = arith.index_cast %scan3A_22 : i32 to index
      %get3A_92 = arith.constant 32 : index
      %get3A_93 = tpu.vector_load %arg16[%get3A_91, %get3A_92] {strides = array<i32>} : memref<128x64xf32, #tpu.memory_space<vmem>>, vector<1x16xf32>,
      %get3A_94 = vector.shape_cast %get3A_93 : vector<1x16xf32> to vector<16xf32>
      %add3A_95 = arith.addf %get3A_90, %get3A_94 : vector<16xf32>
      %swap3A_96 = arith.index_cast %scan3A_22 : i32 to index
      %swap3A_97 = arith.constant 32 : index
      %swap3A_98 = tpu.vector_load %arg20[%swap3A_96, %swap3A_97] {strides = array<i32>} : memref<128x192xf32, #tpu.memory_space<vmem>>, vector<1x16xf32>,
      %swap3A_99 = vector.shape_cast %swap3A_98 : vector<1x16xf32> to vector<16xf32>
      %swap3A_100 = vector.shape_cast %add3A_95 : vector<16xf32> to vector<1x16xf32>
      tpu.vector_store %arg20[%swap3A_96, %swap3A_97], %swap3A_100 {strides = array<i32>} : memref<128x192xf32, #tpu.memory_space<vmem>>, vector<1x16xf32>,
      %get3A_101 = arith.index_cast %scan3A_22 : i32 to index
      %get3A_102 = arith.constant 32 : index
      %get3A_103 = tpu.vector_load %arg17[%get3A_101, %get3A_102] {strides = array<i32>} : memref<128x64xf32, #tpu.memory_space<vmem>>, vector<1x16xf32>,
      %get3A_104 = vector.shape_cast %get3A_103 : vector<1x16xf32> to vector<16xf32>
      %swap3A_105 = arith.index_cast %scan3A_22 : i32 to index
      %swap3A_106 = arith.constant 96 : index
      %swap3A_107 = tpu.vector_load %arg20[%swap3A_105, %swap3A_106] {strides = array<i32>} : memref<128x192xf32, #tpu.memory_space<vmem>>, vector<1x16xf32>,
      %swap3A_108 = vector.shape_cast %swap3A_107 : vector<1x16xf32> to vector<16xf32>
      %swap3A_109 = vector.shape_cast %get3A_104 : vector<16xf32> to vector<1x16xf32>
      tpu.vector_store %arg20[%swap3A_105, %swap3A_106], %swap3A_109 {strides = array<i32>} : memref<128x192xf32, #tpu.memory_space<vmem>>, vector<1x16xf32>,
      %get3A_110 = arith.index_cast %scan3A_22 : i32 to index
      %get3A_111 = arith.constant 32 : index
      %get3A_112 = tpu.vector_load %arg18[%get3A_110, %get3A_111] {strides = array<i32>} : memref<128x64xf32, #tpu.memory_space<vmem>>, vector<1x16xf32>,
      %get3A_113 = vector.shape_cast %get3A_112 : vector<1x16xf32> to vector<16xf32>
      %add3A_114 = arith.addf %get3A_90, %get3A_113 : vector<16xf32>
      %swap3A_115 = arith.index_cast %scan3A_22 : i32 to index
      %swap3A_116 = arith.constant 160 : index
      %swap3A_117 = tpu.vector_load %arg20[%swap3A_115, %swap3A_116] {strides = array<i32>} : memref<128x192xf32, #tpu.memory_space<vmem>>, vector<1x16xf32>,
      %swap3A_118 = vector.shape_cast %swap3A_117 : vector<1x16xf32> to vector<16xf32>
      %swap3A_119 = vector.shape_cast %add3A_114 : vector<16xf32> to vector<1x16xf32>
      tpu.vector_store %arg20[%swap3A_115, %swap3A_116], %swap3A_119 {strides = array<i32>} : memref<128x192xf32, #tpu.memory_space<vmem>>, vector<1x16xf32>,
      %get3A_120 = arith.index_cast %scan3A_22 : i32 to index
      %get3A_121 = arith.constant 48 : index
      %get3A_122 = tpu.vector_load %arg19[%get3A_120, %get3A_121] {strides = array<i32>} : memref<128x64xf32, #tpu.memory_space<vmem>>, vector<1x16xf32>,
      %get3A_123 = vector.shape_cast %get3A_122 : vector<1x16xf32> to vector<16xf32>
      %get3A_124 = arith.index_cast %scan3A_22 : i32 to index
      %get3A_125 = arith.constant 48 : index
      %get3A_126 = tpu.vector_load %arg16[%get3A_124, %get3A_125] {strides = array<i32>} : memref<128x64xf32, #tpu.memory_space<vmem>>, vector<1x16xf32>,
      %get3A_127 = vector.shape_cast %get3A_126 : vector<1x16xf32> to vector<16xf32>
      %add3A_128 = arith.addf %get3A_123, %get3A_127 : vector<16xf32>
      %swap3A_129 = arith.index_cast %scan3A_22 : i32 to index
      %swap3A_130 = arith.constant 48 : index
      %swap3A_131 = tpu.vector_load %arg20[%swap3A_129, %swap3A_130] {strides = array<i32>} : memref<128x192xf32, #tpu.memory_space<vmem>>, vector<1x16xf32>,
      %swap3A_132 = vector.shape_cast %swap3A_131 : vector<1x16xf32> to vector<16xf32>
      %swap3A_133 = vector.shape_cast %add3A_128 : vector<16xf32> to vector<1x16xf32>
      tpu.vector_store %arg20[%swap3A_129, %swap3A_130], %swap3A_133 {strides = array<i32>} : memref<128x192xf32, #tpu.memory_space<vmem>>, vector<1x16xf32>,
      %get3A_134 = arith.index_cast %scan3A_22 : i32 to index
      %get3A_135 = arith.constant 48 : index
      %get3A_136 = tpu.vector_load %arg17[%get3A_134, %get3A_135] {strides = array<i32>} : memref<128x64xf32, #tpu.memory_space<vmem>>, vector<1x16xf32>,
      %get3A_137 = vector.shape_cast %get3A_136 : vector<1x16xf32> to vector<16xf32>
      %swap3A_138 = arith.index_cast %scan3A_22 : i32 to index
      %swap3A_139 = arith.constant 112 : index
      %swap3A_140 = tpu.vector_load %arg20[%swap3A_138, %swap3A_139] {strides = array<i32>} : memref<128x192xf32, #tpu.memory_space<vmem>>, vector<1x16xf32>,
      %swap3A_141 = vector.shape_cast %swap3A_140 : vector<1x16xf32> to vector<16xf32>
      %swap3A_142 = vector.shape_cast %get3A_137 : vector<16xf32> to vector<1x16xf32>
      tpu.vector_store %arg20[%swap3A_138, %swap3A_139], %swap3A_142 {strides = array<i32>} : memref<128x192xf32, #tpu.memory_space<vmem>>, vector<1x16xf32>,
      %get3A_143 = arith.index_cast %scan3A_22 : i32 to index
      %get3A_144 = arith.constant 48 : index
      %get3A_145 = tpu.vector_load %arg18[%get3A_143, %get3A_144] {strides = array<i32>} : memref<128x64xf32, #tpu.memory_space<vmem>>, vector<1x16xf32>,
      %get3A_146 = vector.shape_cast %get3A_145 : vector<1x16xf32> to vector<16xf32>
      %add3A_147 = arith.addf %get3A_123, %get3A_146 : vector<16xf32>
      %swap3A_148 = arith.index_cast %scan3A_22 : i32 to index
      %swap3A_149 = arith.constant 176 : index
      %swap3A_150 = tpu.vector_load %arg20[%swap3A_148, %swap3A_149] {strides = array<i32>} : memref<128x192xf32, #tpu.memory_space<vmem>>, vector<1x16xf32>,
      %swap3A_151 = vector.shape_cast %swap3A_150 : vector<1x16xf32> to vector<16xf32>
      %swap3A_152 = vector.shape_cast %add3A_147 : vector<16xf32> to vector<1x16xf32>
      tpu.vector_store %arg20[%swap3A_148, %swap3A_149], %swap3A_152 {strides = array<i32>} : memref<128x192xf32, #tpu.memory_space<vmem>>, vector<1x16xf32>,
    }
    %scan3A_21 = arith.constant 128 : i32
    "tpu.region"() ({
      %run_scoped3A = tpu.sem_alloc : memref<!tpu.dma_semaphore, #tpu.memory_space<semaphore_mem>>
      %dma_start3A = arith.constant 0 : i32
      %dma_start3A_22 = tpu.memref_slice %arg11[%mul3A_2, %dma_start3A] : memref<4096x192xf32, #tpu.memory_space<hbm>> -> memref<128x192xf32, #tpu.memory_space<hbm>>
      %dma_start3A_23 = arith.constant 0 : i32
      %dma_start3A_24 = tpu.memref_slice %arg11[%mul3A_2, %dma_start3A_23] : memref<4096x192xf32, #tpu.memory_space<hbm>> -> memref<128x192xf32, #tpu.memory_space<hbm>>
      tpu.enqueue_dma source(%arg20 : memref<128x192xf32, #tpu.memory_space<vmem>>) target(%dma_start3A_24 : memref<128x192xf32, #tpu.memory_space<hbm>>) target_semaphore(%run_scoped3A : memref<!tpu.dma_semaphore, #tpu.memory_space<semaphore_mem>>)
      %dma_wait3A = arith.constant 0 : i32
      %dma_wait3A_25 = tpu.memref_slice %arg11[%mul3A_2, %dma_wait3A] : memref<4096x192xf32, #tpu.memory_space<hbm>> -> memref<128x192xf32, #tpu.memory_space<hbm>>
      %dma_wait3A_26 = arith.constant 0 : i32
      %dma_wait3A_27 = tpu.memref_slice %arg11[%mul3A_2, %dma_wait3A_26] : memref<4096x192xf32, #tpu.memory_space<hbm>> -> memref<128x192xf32, #tpu.memory_space<hbm>>
      tpu.wait_dma2 semaphore(%run_scoped3A : memref<!tpu.dma_semaphore, #tpu.memory_space<semaphore_mem>>) src(%arg20 : memref<128x192xf32, #tpu.memory_space<vmem>>) dst(%dma_wait3A_27 : memref<128x192xf32, #tpu.memory_space<hbm>>)
      tpu.yield
    }) : () -> ()
    return
  }
}

</mosaic_0001>

<sc_bundles>
// kernel: kernel.3.cloned.1.call-start
scs
__scs_entry_jumppad:
0x0: {  	(pc) =	sbr.rel $0x88, $3  }
0x1: {  	(tag) =	ssettag $0x0;
	lr =	simm.s32 $0x1  }
0x2: {  	[smem:$0x3F95] =	sst lr;
	_ =	strace $0xD0000000  }
0x3: {  	_ = 	snop  }
0x4: {  	_ = 	snop  }
0x5: {  	_ = 	snop  }
0x6: {  	_ = 	snop  }
0x7: {  	_ = 	snop  }
__scs_overlays_trampoline_lowered:
0x8: {  	[smem:$0x3FA4] =	sst s0  }
0x9: {  	[smem:$0x3FA5] =	sst s1  }
0xa: {  	[smem:$0x3FA6] =	sst s2  }
0xb: {  	[smem:$0x3FA7] =	sst s3  }
0xc: {  	[smem:$0x3FA8] =	sst s4  }
0xd: {  	[smem:$0x3FA9] =	sst s5  }
0xe: {  	[smem:$0x3FAA] =	sst s6  }
0xf: {  	[smem:$0x3FAB] =	sst s7  }
0x10: {  	[smem:$0x3FAC] =	sst s8  }
0x11: {  	[smem:$0x3FAD] =	sst s9;
	s0 =	simm.s32 @!p0 $0x0  }
0x12: {  	s1 =	sld [smem:$0x3F93];
	s0 =	simm.s32 @p0 $0x1  }
0x13: {  	[smem:$0x3FAE] =	sst s0;
	s0 =	simm.s32 @!p1 $0x0  }
0x14: {  	s2 =	sld [smem:$0x3F92];
	s0 =	simm.s32 @p1 $0x1  }
0x15: {  	[smem:$0x3FAF] =	sst s0;
	s0 =	simm.s32 @!p2 $0x0  }
0x16: {  	s3 =	sld [smem:$0x3FDB];
	s0 =	simm.s32 @p2 $0x1  }
0x17: {  	s4 =	simm.s32 $0x1BF5;
	[smem:$0x3FB1] =	sst s0  }
0x18: {  	s0 =	sld [smem:$0x3F94];
	_ =	swait.ge [sflag:s4], $0x0  }
0x19: {  	s7 =	sld [smem:$0x3F95]  }
0x1a: {  	s8 =	sadd.s32 $0xFFFFE003, lr  }
0x1b: {  	s9 =	sadd.s32 $0xFFFFFEF7, lr;
	s5 =	simm.s32 $0xFFFFFFFF;
	p2 =	slt.u32 s8, $0xFFFFF086  }
0x1c: {  	p1 =	slt.u32 s9, $0xF7A;
	s5 =	simm.s32 @!p2 $0x0  }
0x1d: {  	s5 =	simm.s32 @p1 $0x1;
	p0 =	seq.s32 s7, s2  }
0x1e: {  	s7 =	smul.u32 @!p0 $0xF7A, s2;
	p2 =	seq.s32 @!p0 s5, $0x0  }
0x1f: {  	s9 =	smul.u32 $0xF7A, s1;
	s8 =	simm.s32 @!p0 $0x1BF5;
	p2 =	por !p2, p0  }
0x20: {  	[sflag:s8] =	ssyncset.s32 @!p0 $0xFFFFF086;
	s6 =	sadd.s32 @!p0 s3, s7;
	s7 =	simm.s32 @!p0 $0x108  }
0x21: {  	s3 =	sadd.s32 s3, s9;
	s6 =	sadd.s32 @!p0 $0x88, s6;
	s7 =	simm.s32 @p2 $0x1082  }
0x22: {  	[simem:s7], [sflag:s8] =	dma.local @!p0 [hbm:s6], $0xF7A  }
0x23: {  	s9 =	sor.u32 $0xD0000000, s2;
	s6 =	simm.s32 $0x108;
	_ =	swait.ge @!p0 [sflag:s8], $0x0  }
0x24: {  	s3 =	sadd.s32 $0x88, s3;
	s6 =	simm.s32 @!p1 $0x1082;
	[sflag:s4] =	ssyncset.s32 $0xFFFFF086  }
0x25: {  	[simem:s6], [sflag:s4] =	dma.local [hbm:s3], $0xF7A  }
0x26: {  	[smem:$0x3F95] =	sst s1;
	(tag) =	ssettag s2;
	_ =	strace s9  }
0x27: {  	s1 =	sld [smem:$0x3FA5]  }
0x28: {  	s2 =	sld [smem:$0x3FA6]  }
0x29: {  	s4 =	sld [smem:$0x3FA8]  }
0x2a: {  	p0 =	seq.s32 s5, $0x0;
	s5 =	sld [smem:$0x3FA9]  }
0x2b: {  	s6 =	sld [smem:$0x3FAA]  }
0x2c: {  	s7 =	sld [smem:$0x3FAB]  }
0x2d: {  	s3 =	simm.s32 $0x108;
	s8 =	sld [smem:$0x3FAC]  }
0x2e: {  	s3 =	simm.s32 @!p0 $0x1082;
	s9 =	sld [smem:$0x3FAD]  }
0x2f: {  	lr =	sadd.s32 s0, s3;
	s0 =	sld [smem:$0x3FA4]  }
0x30: {  	s3 =	sld [smem:$0x3FA7]  }
0x31: {  	[smem:$0x3FB0] =	sst s10  }
0x32: {  	s10 =	sld [smem:$0x3FAE];
	_ =	sdelay $0x3  }
0x33: {  	p0 =	seq.s32 s10, $0x1;
	s10 =	sld [smem:$0x3FB0];
	_ =	sdelay $0x3  }
0x34: {  	[smem:$0x3FB0] =	sst s10  }
0x35: {  	s10 =	sld [smem:$0x3FAF];
	_ =	sdelay $0x3  }
0x36: {  	p1 =	seq.s32 s10, $0x1;
	s10 =	sld [smem:$0x3FB0];
	_ =	sdelay $0x3  }
0x37: {  	[smem:$0x3FB0] =	sst s10  }
0x38: {  	s10 =	sld [smem:$0x3FB1]  }
0x39: {  	_ = 	snop;
	(pc) =	sbr.ind lr, $3  }
0x3a: {  	_ = 	snop  }
0x3b: {  	_ = 	snop  }
0x3c: {  	p2 =	seq.s32 s10, $0x1;
	s10 =	sld [smem:$0x3FB0]  }
0x3d: {  	_ =	shalt  }
0x3e: {  	_ =	shalt  }
0x3f: {  	_ =	shalt  }
0x40: {  	_ =	shalt  }
0x41: {  	_ =	shalt  }
0x42: {  	_ =	shalt  }
0x43: {  	_ =	shalt  }
0x44: {  	_ =	shalt  }
0x45: {  	_ =	shalt  }
0x46: {  	_ =	shalt  }
0x47: {  	_ =	shalt  }
0x48: {  	_ =	shalt  }
0x49: {  	_ =	shalt  }
0x4a: {  	_ =	shalt  }
0x4b: {  	_ =	shalt  }
0x4c: {  	_ =	shalt  }
0x4d: {  	_ =	shalt  }
0x4e: {  	_ =	shalt  }
0x4f: {  	_ =	shalt  }
0x50: {  	_ =	shalt  }
0x51: {  	_ =	shalt  }
0x52: {  	_ =	shalt  }
0x53: {  	_ =	shalt  }
0x54: {  	_ =	shalt  }
0x55: {  	_ =	shalt  }
0x56: {  	_ =	shalt  }
0x57: {  	_ =	shalt  }
0x58: {  	_ =	shalt  }
0x59: {  	_ =	shalt  }
0x5a: {  	_ =	shalt  }
0x5b: {  	_ =	shalt  }
0x5c: {  	_ =	shalt  }
0x5d: {  	_ =	shalt  }
0x5e: {  	_ =	shalt  }
0x5f: {  	_ =	shalt  }
0x60: {  	_ =	shalt  }
0x61: {  	_ =	shalt  }
0x62: {  	_ =	shalt  }
0x63: {  	_ =	shalt  }
0x64: {  	_ =	shalt  }
0x65: {  	_ =	shalt  }
0x66: {  	_ =	shalt  }
0x67: {  	_ =	shalt  }
0x68: {  	_ =	shalt  }
0x69: {  	_ =	shalt  }
0x6a: {  	_ =	shalt  }
0x6b: {  	_ =	shalt  }
0x6c: {  	_ =	shalt  }
0x6d: {  	_ =	shalt  }
0x6e: {  	_ =	shalt  }
0x6f: {  	_ =	shalt  }
0x70: {  	_ =	shalt  }
0x71: {  	_ =	shalt  }
0x72: {  	_ =	shalt  }
0x73: {  	_ =	shalt  }
0x74: {  	_ =	shalt  }
0x75: {  	_ =	shalt  }
0x76: {  	_ =	shalt  }
0x77: {  	_ =	shalt  }
0x78: {  	_ =	shalt  }
0x79: {  	_ =	shalt  }
0x7a: {  	_ =	shalt  }
0x7b: {  	_ =	shalt  }
0x7c: {  	_ =	shalt  }
0x7d: {  	_ =	shalt  }
0x7e: {  	_ =	shalt  }
0x7f: {  	_ =	shalt  }
0x80: {  	_ =	shalt  }
0x81: {  	_ =	shalt  }
0x82: {  	_ =	shalt  }
0x83: {  	_ =	shalt  }
0x84: {  	_ =	shalt  }
0x85: {  	_ =	shalt  }
0x86: {  	_ =	shalt  }
0x87: {  	_ =	shalt  }
.Lfunc_end0:
.L_simem_size_0:
called_computation_lowered:
.L_overlay_start_0:
0x88: {  	s2 =	sld [smem:$0x3FD9]  }
0x89: {  	s3 =	sld [smem:$0x3FFE];
	_ =	sdelay $0x1  }
0x8a: {  	s1 =	srdreg.scid  }
0x8b: {  	s0 =	sand.u32 $0x1, s1  }
0x8c: {  	s17 =	sshll.u32 s0, $0xA;
	s2 =	sadd.s32 s3, s2  }
0x8d: {  	s2 =	sadd.s32 s2, s17  }
0x8e: {  	[smem:$0x3FBC] =	sst s2  }
0x8f: {  	_ = 	snop  }
0x90: {  	s2 =	sld [smem:$0x3FD0];
	(tm) =	ssettm $0x1  }
0x91: {  	s18 =	sld [smem:$0x3FFB];
	_ =	sdelay $0x3  }
0x92: {  	_ =	strace s18  }
0x93: {  	s3 =	sld [smem:$0x3FFC];
	_ =	sdelay $0x3  }
0x94: {  	_ =	strace s3  }
0x95: {  	s3 =	sld [smem:$0x3FFD];
	_ =	sdelay $0x3  }
0x96: {  	_ =	strace s3  }
0x97: {  	_ =	strace $0x8FFFFFFF  }
0x98: {  	s19 =	sld [smem:$0x3FDB];
	_ =	sdelay $0x1  }
0x99: {  	s4 =	simm.s32 $_scs_section_size  }
0x9a: {  	s5 =	simm.s32 $_size__tile_overlayer_lowered;
	s6 =	simm.s32 $_tile_overlayer_lowered  }
0x9b: {  	s22 =	simm.s32 $0x1BFF;
	s21 =	sshll.u32 s6, $0x1;
	s3 =	sadd.s32 s4, s19  }
0x9c: {  	s7 =	simm.s32 $0x0;
	s20 =	sshll.u32 s5, $0x1;
	s5 =	sadd.s32 s21, s3  }
0x9d: {  	[timem:s7], [sflag:s22] =	dma.local [hbm:s5], s20  }
0x9e: {  	_ =	swait.ge [sflag:s22], s20  }
0x9f: {  	s4 =	ssub.s32 $0x0, s20;
	[sflag:s22] =	ssyncset.done $0x0  }
0xa0: {  	[sflag:s22] =	ssyncadd.s32 s4;
	_ =	sdelay $0x1  }
0xa1: {  	s23 =	simm.s32 $0x1B8B  }
0xa2: {  	_ =	swait.ge [sflag:s23], $0x1  }
0xa3: {  	[sflag:s23] =	ssyncset.done $0x0  }
0xa4: {  	s25 =	simm.s32 $0x1B8E;
	s24 =	sld [smem:$0x3FFE];
	[sflag:s23] =	ssyncadd.s32 $0xFFFFFFFF  }
0xa5: {  	s26 =	simm.s32 $execute0_lowered;
	[smem:$0x3FD2] =	sst s25  }
0xa6: {  	s5 =	sshll.u32 s26, $0x1;
	_ =	strace $0x80000046;
	[dreg:$0x1] =	wrdreg $0xFFFFFFFF  }
0xa7: {  	s28 =	simm.s32 $_size_execute0_lowered;
	s3 =	sadd.s32 s3, s5;
	[dreg:$0x0] =	wrdreg $0x0  }
0xa8: {  	s5 =	sshll.u32 s28, $0x1;
	[dreg:$0x2] =	wrdreg s3  }
0xa9: {  	[dreg:$0x3] =	wrdreg s5  }
0xaa: {  	[dreg:$0x4] =	wrdreg $0xC0  }
0xab: {  	_ =	task [dreg:s7], $0x5FFFF  }
0xac: {  	[dreg:$0x1] =	wrdreg $0xFFFFFFFF  }
0xad: {  	[dreg:$0x0] =	wrdreg $0x60  }
0xae: {  	[dreg:$0x2] =	wrdreg s24  }
0xaf: {  	[dreg:$0x3] =	wrdreg s2  }
0xb0: {  	[dreg:$0x4] =	wrdreg $0x9  }
0xb1: {  	_ =	task.clear_ibuf [dreg:s7], $0x5FFFF;
	_ =	strace $0x90000046  }
0xb2: {  	s29 =	simm.s32 $0x9;
	_ =	strace $0x80000048  }
0xb3: {  	_ =	swait.ge [sflag:s29], $0x1  }
0xb4: {  	[sflag:s29] =	ssyncadd.s32 $0xFFFFFFFF  }
0xb5: {  	_ =	strace $0x90000048  }
0xb6: {  	_ =	sfence  }
0xb7: {  	s30 =	sld [smem:$0x0];
	_ =	sdelay $0x2  }
0xb8: {  	s31 =	sshll.u32 s1, $0xD;
	s1 =	sshrl.u32 s1, $0x2  }
0xb9: {  	s3 =	sand.u32 $0x4000, s31;
	s1 =	sadd.s32 s1, s30  }
0xba: {  	s0 =	sor.u32 s3, s0;
	s1 =	sshll.u32 s1, $0x11  }
0xbb: {  	s0 =	sor.u32 s1, s0  }
0xbc: {  	s0 =	sadd.s32 $0x8F2B, s0  }
0xbd: {  	[sflag:s0] =	ssyncadd.remote.s32 $0x1  }
0xbe: {  	_ =	sfence.sel $0xFFFF  }
0xbf: {  	[dreg:$0x0] =	wrdreg $0xFFFFFFFF;
	(pc) =	sbr.abs _section_cstart, $3  }
0xc0: {  	[dreg:$0x1] =	wrdreg $0xFFFFFFFF  }
0xc1: {  	_ =	task.clear_ibuf [dreg:s7], $0x2FFFF;
	_ =	strace $0x9FFFFFFF  }
0xc2: {  	(tm) =	ssettm $0x7FFFFFFF  }
0xc3: {  	_ =	shalt  }
tec
execute0_lowered:
.L_overlay_start_1:
0x0: {  	(tag) =	ssettag $0x1  }
0x1: {  	s11 =	rddreg [dreg:$0x0]  }
0x2: {  	s2 =	rddreg [dreg:$0x1]  }
0x3: {  	s0 =	rddreg [dreg:$0x2]  }
0x4: {  	s3 =	simm.s32 $0x0;
	s4 =	srdreg.scid;
	s1 =	stileid.u32  }
0x5: {  	s15 =	simm.s32 $0x1;
	s17 =	simm.s32 $0x0;
	[smem:$0x7FF] =	sst s3  }
0x6: {  	s7 =	sand.u32 $0x1, s4;
	s5 =	sshll.u32 s1, $0x1;
	s4 =	sadd.s32 $0x2A000, s11  }
0x7: {  	s6 =	sadd.s32 $0x2E00, s11;
	_ =	strace $0x80000047;
	s16 =	sor.u32 s7, s5  }
0x8: {  	s5 =	sadd.s32 $0x1B0A00, s11;
	s13 =	ssub.s32 $0x2, s7;
	s8 =	sshll.u32 s16, $0x4  }
0x9: {  	s9 =	sshll.u32 s16, $0xC;
	s14 =	sshrl.u32 s13, $0x1;
	p0 =	sne.s32 s16, $0x1F  }
0xa: {  	s16 =	simm.s32 $0x10200;
	s10 =	sadd.s32 s8, s11;
	s12 =	sadd.s32 s9, s11  }
0xb: {  	s13 =	ssub.s32 s13, s14;
	s11 =	sadd.s32 $0x2C10, s11;
	s7 =	sadd.s32 $0x337400, s10  }
0xc: {  	s14 =	simm.s32 $0x2;
	s8 =	sadd.s32 $0x337600, s10;
	s9 =	sadd.s32 $0x337800, s10  }
0xd: {  	s10 =	sadd.s32 $0x337A00, s10;
	s12 =	sadd.s32 $0x337C00, s12;
	s13 =	smax.u32 s13, $0x1  }
.LBB2_1:
0xe: {  	[tilespmem:s3], [sflag:$0x2] =	stream.linear.gather [hbm4b:s7+s3], $0x80, $0x38;
	[tilespmem:$0x18200] =	vst v63  }
0xf: {  	_ =	swait.ge [sflag:s14], $0x80  }
0x10: {  	[sflag:s14] =	ssyncset.done $0x0  }
0x11: {  	s18 =	simm.s32 $0x80;
	[sflag:s14] =	ssyncadd.s32 $0xFFFFFF80  }
0x12: {  	[tilespmem:s18], [sflag:$0x2] =	stream.linear.gather [hbm4b:s8+s3], $0x80, $0x38;
	[tilespmem:$0x18200] =	vst v63  }
0x13: {  	_ =	swait.ge [sflag:s14], $0x80  }
0x14: {  	[sflag:s14] =	ssyncset.done $0x0  }
0x15: {  	s19 =	simm.s32 $0x100;
	[sflag:s14] =	ssyncadd.s32 $0xFFFFFF80  }
0x16: {  	[tilespmem:s19], [sflag:$0x2] =	stream.linear.gather [hbm4b:s9+s3], $0x80, $0x38;
	[tilespmem:$0x18200] =	vst v63  }
0x17: {  	_ =	swait.ge [sflag:s14], $0x80  }
0x18: {  	[sflag:s14] =	ssyncset.done $0x0  }
0x19: {  	s20 =	simm.s32 $0x180;
	[sflag:s14] =	ssyncadd.s32 $0xFFFFFF80  }
0x1a: {  	[tilespmem:s20], [sflag:$0x2] =	stream.linear.gather [hbm4b:s10+s3], $0x80, $0x38;
	[tilespmem:$0x18200] =	vst v63  }
0x1b: {  	_ =	swait.ge [sflag:s14], $0x80  }
0x1c: {  	s21 =	simm.s32 $0x80;
	[sflag:s14] =	ssyncset.done $0x0  }
0x1d: {  	s22 =	simm.s32 $0x0;
	s23 =	simm.s32 $0x0;
	[sflag:s14] =	ssyncadd.s32 $0xFFFFFF80  }
.LBB2_2:
0x1e: {  	v0 =	vld [tilespmem:s22+$0x0];
	_ =	sdelay $0x3  }
0x1f: {  	v2 =	vld [tilespmem:s21+$0x0]  }
0x20: {  	v1 =	vshrl.u32 v0, $0x3  }
0x21: {  	v0 =	vand.u32 $0x7, v0;
	v7 =	vshll.u32 v1, $0xA  }
0x22: {  	v6 =	vshll.u32 v0, $0x7;
	(v2sf) =	vpush v7, $0x0  }
0x23: {  	v56 =	vld [tilespmem:s19+$0x0];
	(v2sf) =	vpush v6, $0x0  }
0x24: {  	v55 =	vshrl.u32 v2, $0x3  }
0x25: {  	v2 =	vand.u32 $0x7, v2;
	v5 =	vshll.u32 v55, $0xA  }
0x26: {  	v3 =	vshll.u32 v2, $0x7;
	(v2sf) =	vpush v5, $0x0  }
0x27: {  	(v2sf) =	vpush v3, $0x0  }
0x28: {  	v57 =	vshrl.u32 v56, $0x3  }
0x29: {  	v4 =	vand.u32 $0x7, v56;
	v59 =	vshll.u32 v57, $0xA  }
0x2a: {  	v58 =	vld [tilespmem:s20+$0x0];
	v60 =	vshll.u32 v4, $0x7;
	(v2sf) =	vpush v59, $0x0  }
0x2b: {  	(v2sf) =	vpush v60, $0x0;
	_ =	sdelay $0x3  }
0x2c: {  	v61 =	vshrl.u32 v58, $0x3  }
0x2d: {  	v8 =	vand.u32 $0x7, v58;
	v62 =	vshll.u32 v61, $0xA  }
0x2e: {  	v63 =	vshll.u32 v8, $0x7;
	s24 =	spop (v2sf);
	(v2sf) =	vpush v62, $0x0  }
0x2f: {  	s25 =	spop (v2sf);
	(v2sf) =	vpush v63, $0x0;
	_ =	sdelay $0x2  }
0x30: {  	s25 =	sor.u32 s25, s24;
	s29 =	spop (v2sf);
	(v2sf) =	vpush v7, $0x1  }
0x31: {  	s24 =	sshra.s32 s23, $0x2;
	s25 =	sshrl.u32 s25, $0x3;
	s30 =	spop (v2sf);
	(v2sf) =	vpush v6, $0x1  }
0x32: {  	s26 =	sadd.s32 $0x200, s24;
	s25 =	sadd.s32 s4, s25  }
0x33: {  	[tilespmem:s26], [sflag:$0x1] =	stream.linear.gather [hbm4b:s25+s3], $0x80, $0x38;
	[tilespmem:$0x18200] =	vst v63  }
0x34: {  	s26 =	spop (v2sf);
	(v2sf) =	vpush v5, $0x1  }
0x35: {  	s28 =	spop (v2sf);
	(v2sf) =	vpush v3, $0x1;
	_ =	sdelay $0x1  }
0x36: {  	s25 =	sor.u32 s30, s29  }
0x37: {  	s25 =	sshrl.u32 s25, $0x3  }
0x38: {  	s31 =	sadd.s32 $0x4200, s24;
	s25 =	sadd.s32 s2, s25  }
0x39: {  	[tilespmem:s31], [sflag:$0x1] =	stream.linear.gather [hbm4b:s25+s3], $0x80, $0x38;
	[tilespmem:$0x18200] =	vst v63  }
0x3a: {  	s25 =	sor.u32 s28, s26;
	s30 =	spop (v2sf);
	(v2sf) =	vpush v59, $0x1  }
0x3b: {  	s25 =	sshrl.u32 s25, $0x3;
	s31 =	spop (v2sf);
	(v2sf) =	vpush v60, $0x1  }
0x3c: {  	s29 =	sadd.s32 $0x8200, s24;
	s25 =	sadd.s32 s5, s25  }
0x3d: {  	[tilespmem:s29], [sflag:$0x1] =	stream.linear.gather [hbm4b:s25+s3], $0x80, $0x38;
	[tilespmem:$0x18200] =	vst v63  }
0x3e: {  	s25 =	sor.u32 s31, s30;
	s29 =	spop (v2sf);
	(v2sf) =	vpush v62, $0x1  }
0x3f: {  	s25 =	sshrl.u32 s25, $0x3;
	s30 =	spop (v2sf);
	(v2sf) =	vpush v63, $0x1  }
0x40: {  	s28 =	sadd.s32 $0xC200, s24;
	s25 =	sadd.s32 s6, s25  }
0x41: {  	[tilespmem:s28], [sflag:$0x1] =	stream.linear.gather [hbm4b:s25+s3], $0x80, $0x38;
	[tilespmem:$0x18200] =	vst v63  }
0x42: {  	s26 =	spop (v2sf);
	(v2sf) =	vpush v7, $0x2  }
0x43: {  	s28 =	spop (v2sf);
	(v2sf) =	vpush v6, $0x2;
	_ =	sdelay $0x1  }
0x44: {  	s25 =	sor.u32 s30, s29  }
0x45: {  	s25 =	sshrl.u32 s25, $0x3  }
0x46: {  	s31 =	sadd.s32 $0x280, s24;
	s25 =	sadd.s32 s4, s25  }
0x47: {  	[tilespmem:s31], [sflag:$0x1] =	stream.linear.gather [hbm4b:s25+s3], $0x80, $0x38;
	[tilespmem:$0x18200] =	vst v63  }
0x48: {  	s25 =	sor.u32 s28, s26;
	s30 =	spop (v2sf);
	(v2sf) =	vpush v5, $0x2  }
0x49: {  	s25 =	sshrl.u32 s25, $0x3;
	s31 =	spop (v2sf);
	(v2sf) =	vpush v3, $0x2  }
0x4a: {  	s29 =	sadd.s32 $0x4280, s24;
	s25 =	sadd.s32 s2, s25  }
0x4b: {  	[tilespmem:s29], [sflag:$0x1] =	stream.linear.gather [hbm4b:s25+s3], $0x80, $0x38;
	[tilespmem:$0x18200] =	vst v63  }
0x4c: {  	s25 =	sor.u32 s31, s30;
	s29 =	spop (v2sf);
	(v2sf) =	vpush v59, $0x2  }
0x4d: {  	s25 =	sshrl.u32 s25, $0x3;
	s30 =	spop (v2sf);
	(v2sf) =	vpush v60, $0x2  }
0x4e: {  	s28 =	sadd.s32 $0x8280, s24;
	s25 =	sadd.s32 s5, s25  }
0x4f: {  	[tilespmem:s28], [sflag:$0x1] =	stream.linear.gather [hbm4b:s25+s3], $0x80, $0x38;
	[tilespmem:$0x18200] =	vst v63  }
0x50: {  	s26 =	spop (v2sf);
	(v2sf) =	vpush v62, $0x2  }
0x51: {  	s28 =	spop (v2sf);
	(v2sf) =	vpush v63, $0x2;
	_ =	sdelay $0x1  }
0x52: {  	s25 =	sor.u32 s30, s29  }
0x53: {  	s25 =	sshrl.u32 s25, $0x3  }
0x54: {  	s31 =	sadd.s32 $0xC280, s24;
	s25 =	sadd.s32 s6, s25  }
0x55: {  	[tilespmem:s31], [sflag:$0x1] =	stream.linear.gather [hbm4b:s25+s3], $0x80, $0x38;
	[tilespmem:$0x18200] =	vst v63  }
0x56: {  	s25 =	sor.u32 s28, s26;
	s30 =	spop (v2sf);
	(v2sf) =	vpush v7, $0x3  }
0x57: {  	s25 =	sshrl.u32 s25, $0x3;
	s31 =	spop (v2sf);
	(v2sf) =	vpush v6, $0x3  }
0x58: {  	s29 =	sadd.s32 $0x300, s24;
	s25 =	sadd.s32 s4, s25  }
0x59: {  	[tilespmem:s29], [sflag:$0x1] =	stream.linear.gather [hbm4b:s25+s3], $0x80, $0x38;
	[tilespmem:$0x18200] =	vst v63  }
0x5a: {  	s25 =	sor.u32 s31, s30;
	s29 =	spop (v2sf);
	(v2sf) =	vpush v5, $0x3  }
0x5b: {  	s25 =	sshrl.u32 s25, $0x3;
	s30 =	spop (v2sf);
	(v2sf) =	vpush v3, $0x3  }
0x5c: {  	s28 =	sadd.s32 $0x4300, s24;
	s25 =	sadd.s32 s2, s25  }
0x5d: {  	[tilespmem:s28], [sflag:$0x1] =	stream.linear.gather [hbm4b:s25+s3], $0x80, $0x38;
	[tilespmem:$0x18200] =	vst v63  }
0x5e: {  	s26 =	spop (v2sf);
	(v2sf) =	vpush v59, $0x3  }
0x5f: {  	s28 =	spop (v2sf);
	(v2sf) =	vpush v60, $0x3;
	_ =	sdelay $0x1  }
0x60: {  	s25 =	sor.u32 s30, s29  }
0x61: {  	s25 =	sshrl.u32 s25, $0x3  }
0x62: {  	s31 =	sadd.s32 $0x8300, s24;
	s25 =	sadd.s32 s5, s25  }
0x63: {  	[tilespmem:s31], [sflag:$0x1] =	stream.linear.gather [hbm4b:s25+s3], $0x80, $0x38;
	[tilespmem:$0x18200] =	vst v63  }
0x64: {  	s25 =	sor.u32 s28, s26;
	s30 =	spop (v2sf);
	(v2sf) =	vpush v62, $0x3  }
0x65: {  	s25 =	sshrl.u32 s25, $0x3;
	s31 =	spop (v2sf);
	(v2sf) =	vpush v63, $0x3  }
0x66: {  	s29 =	sadd.s32 $0xC300, s24;
	s25 =	sadd.s32 s6, s25  }
0x67: {  	[tilespmem:s29], [sflag:$0x1] =	stream.linear.gather [hbm4b:s25+s3], $0x80, $0x38;
	[tilespmem:$0x18200] =	vst v63  }
0x68: {  	s25 =	sor.u32 s31, s30;
	s29 =	spop (v2sf);
	(v2sf) =	vpush v7, $0x4  }
0x69: {  	s25 =	sshrl.u32 s25, $0x3;
	s30 =	spop (v2sf);
	(v2sf) =	vpush v6, $0x4  }
0x6a: {  	s28 =	sadd.s32 $0x380, s24;
	s25 =	sadd.s32 s4, s25  }
0x6b: {  	[tilespmem:s28], [sflag:$0x1] =	stream.linear.gather [hbm4b:s25+s3], $0x80, $0x38;
	[tilespmem:$0x18200] =	vst v63  }
0x6c: {  	s26 =	spop (v2sf);
	(v2sf) =	vpush v5, $0x4  }
0x6d: {  	s28 =	spop (v2sf);
	(v2sf) =	vpush v3, $0x4;
	_ =	sdelay $0x1  }
0x6e: {  	s25 =	sor.u32 s30, s29  }
0x6f: {  	s25 =	sshrl.u32 s25, $0x3  }
0x70: {  	s31 =	sadd.s32 $0x4380, s24;
	s25 =	sadd.s32 s2, s25  }
0x71: {  	[tilespmem:s31], [sflag:$0x1] =	stream.linear.gather [hbm4b:s25+s3], $0x80, $0x38;
	[tilespmem:$0x18200] =	vst v63  }
0x72: {  	s25 =	sor.u32 s28, s26;
	s30 =	spop (v2sf);
	(v2sf) =	vpush v59, $0x4  }
0x73: {  	s25 =	sshrl.u32 s25, $0x3;
	s31 =	spop (v2sf);
	(v2sf) =	vpush v60, $0x4  }
0x74: {  	s29 =	sadd.s32 $0x8380, s24;
	s25 =	sadd.s32 s5, s25  }
0x75: {  	[tilespmem:s29], [sflag:$0x1] =	stream.linear.gather [hbm4b:s25+s3], $0x80, $0x38;
	[tilespmem:$0x18200] =	vst v63  }
0x76: {  	s25 =	sor.u32 s31, s30;
	s29 =	spop (v2sf);
	(v2sf) =	vpush v62, $0x4  }
0x77: {  	s25 =	sshrl.u32 s25, $0x3;
	s30 =	spop (v2sf);
	(v2sf) =	vpush v63, $0x4  }
0x78: {  	s28 =	sadd.s32 $0xC380, s24;
	s25 =	sadd.s32 s6, s25  }
0x79: {  	[tilespmem:s28], [sflag:$0x1] =	stream.linear.gather [hbm4b:s25+s3], $0x80, $0x38;
	[tilespmem:$0x18200] =	vst v63  }
0x7a: {  	s26 =	spop (v2sf);
	(v2sf) =	vpush v7, $0x5  }
0x7b: {  	s28 =	spop (v2sf);
	(v2sf) =	vpush v6, $0x5;
	_ =	sdelay $0x1  }
0x7c: {  	s25 =	sor.u32 s30, s29  }
0x7d: {  	s25 =	sshrl.u32 s25, $0x3  }
0x7e: {  	s31 =	sadd.s32 $0x400, s24;
	s25 =	sadd.s32 s4, s25  }
0x7f: {  	[tilespmem:s31], [sflag:$0x1] =	stream.linear.gather [hbm4b:s25+s3], $0x80, $0x38;
	[tilespmem:$0x18200] =	vst v63  }
0x80: {  	s25 =	sor.u32 s28, s26;
	s30 =	spop (v2sf);
	(v2sf) =	vpush v5, $0x5  }
0x81: {  	s25 =	sshrl.u32 s25, $0x3;
	s31 =	spop (v2sf);
	(v2sf) =	vpush v3, $0x5  }
0x82: {  	s29 =	sadd.s32 $0x4400, s24;
	s25 =	sadd.s32 s2, s25  }
0x83: {  	[tilespmem:s29], [sflag:$0x1] =	stream.linear.gather [hbm4b:s25+s3], $0x80, $0x38;
	[tilespmem:$0x18200] =	vst v63  }
0x84: {  	s25 =	sor.u32 s31, s30;
	s29 =	spop (v2sf);
	(v2sf) =	vpush v59, $0x5  }
0x85: {  	s25 =	sshrl.u32 s25, $0x3;
	s30 =	spop (v2sf);
	(v2sf) =	vpush v60, $0x5  }
0x86: {  	s28 =	sadd.s32 $0x8400, s24;
	s25 =	sadd.s32 s5, s25  }
0x87: {  	[tilespmem:s28], [sflag:$0x1] =	stream.linear.gather [hbm4b:s25+s3], $0x80, $0x38;
	[tilespmem:$0x18200] =	vst v63  }
0x88: {  	s26 =	spop (v2sf);
	(v2sf) =	vpush v62, $0x5  }
0x89: {  	s28 =	spop (v2sf);
	(v2sf) =	vpush v63, $0x5;
	_ =	sdelay $0x1  }
0x8a: {  	s25 =	sor.u32 s30, s29  }
0x8b: {  	s25 =	sshrl.u32 s25, $0x3  }
0x8c: {  	s31 =	sadd.s32 $0xC400, s24;
	s25 =	sadd.s32 s6, s25  }
0x8d: {  	[tilespmem:s31], [sflag:$0x1] =	stream.linear.gather [hbm4b:s25+s3], $0x80, $0x38;
	[tilespmem:$0x18200] =	vst v63  }
0x8e: {  	s25 =	sor.u32 s28, s26;
	s30 =	spop (v2sf);
	(v2sf) =	vpush v7, $0x6  }
0x8f: {  	s25 =	sshrl.u32 s25, $0x3;
	s31 =	spop (v2sf);
	(v2sf) =	vpush v6, $0x6  }
0x90: {  	s29 =	sadd.s32 $0x480, s24;
	s25 =	sadd.s32 s4, s25  }
0x91: {  	[tilespmem:s29], [sflag:$0x1] =	stream.linear.gather [hbm4b:s25+s3], $0x80, $0x38;
	[tilespmem:$0x18200] =	vst v63  }
0x92: {  	s25 =	sor.u32 s31, s30;
	s29 =	spop (v2sf);
	(v2sf) =	vpush v5, $0x6  }
0x93: {  	s25 =	sshrl.u32 s25, $0x3;
	s30 =	spop (v2sf);
	(v2sf) =	vpush v3, $0x6  }
0x94: {  	s28 =	sadd.s32 $0x4480, s24;
	s25 =	sadd.s32 s2, s25  }
0x95: {  	[tilespmem:s28], [sflag:$0x1] =	stream.linear.gather [hbm4b:s25+s3], $0x80, $0x38;
	[tilespmem:$0x18200] =	vst v63  }
0x96: {  	s26 =	spop (v2sf);
	(v2sf) =	vpush v59, $0x6  }
0x97: {  	s28 =	spop (v2sf);
	(v2sf) =	vpush v60, $0x6;
	_ =	sdelay $0x1  }
0x98: {  	s25 =	sor.u32 s30, s29  }
0x99: {  	s25 =	sshrl.u32 s25, $0x3  }
0x9a: {  	s31 =	sadd.s32 $0x8480, s24;
	s25 =	sadd.s32 s5, s25  }
0x9b: {  	[tilespmem:s31], [sflag:$0x1] =	stream.linear.gather [hbm4b:s25+s3], $0x80, $0x38;
	[tilespmem:$0x18200] =	vst v63  }
0x9c: {  	s25 =	sor.u32 s28, s26;
	s30 =	spop (v2sf);
	(v2sf) =	vpush v62, $0x6  }
0x9d: {  	s25 =	sshrl.u32 s25, $0x3;
	s31 =	spop (v2sf);
	(v2sf) =	vpush v63, $0x6  }
0x9e: {  	s29 =	sadd.s32 $0xC480, s24;
	s25 =	sadd.s32 s6, s25  }
0x9f: {  	[tilespmem:s29], [sflag:$0x1] =	stream.linear.gather [hbm4b:s25+s3], $0x80, $0x38;
	[tilespmem:$0x18200] =	vst v63  }
0xa0: {  	s25 =	sor.u32 s31, s30;
	s29 =	spop (v2sf);
	(v2sf) =	vpush v7, $0x7  }
0xa1: {  	s25 =	sshrl.u32 s25, $0x3;
	s30 =	spop (v2sf);
	(v2sf) =	vpush v6, $0x7  }
0xa2: {  	s28 =	sadd.s32 $0x500, s24;
	s25 =	sadd.s32 s4, s25  }
0xa3: {  	[tilespmem:s28], [sflag:$0x1] =	stream.linear.gather [hbm4b:s25+s3], $0x80, $0x38;
	[tilespmem:$0x18200] =	vst v63  }
0xa4: {  	s26 =	spop (v2sf);
	(v2sf) =	vpush v5, $0x7  }
0xa5: {  	s28 =	spop (v2sf);
	(v2sf) =	vpush v3, $0x7;
	_ =	sdelay $0x1  }
0xa6: {  	s25 =	sor.u32 s30, s29  }
0xa7: {  	s25 =	sshrl.u32 s25, $0x3  }
0xa8: {  	s31 =	sadd.s32 $0x4500, s24;
	s25 =	sadd.s32 s2, s25  }
0xa9: {  	[tilespmem:s31], [sflag:$0x1] =	stream.linear.gather [hbm4b:s25+s3], $0x80, $0x38;
	[tilespmem:$0x18200] =	vst v63  }
0xaa: {  	s25 =	sor.u32 s28, s26;
	s30 =	spop (v2sf);
	(v2sf) =	vpush v59, $0x7  }
0xab: {  	s25 =	sshrl.u32 s25, $0x3;
	s31 =	spop (v2sf);
	(v2sf) =	vpush v60, $0x7  }
0xac: {  	s29 =	sadd.s32 $0x8500, s24;
	s25 =	sadd.s32 s5, s25  }
0xad: {  	[tilespmem:s29], [sflag:$0x1] =	stream.linear.gather [hbm4b:s25+s3], $0x80, $0x38;
	[tilespmem:$0x18200] =	vst v63  }
0xae: {  	s25 =	sor.u32 s31, s30;
	s29 =	spop (v2sf);
	(v2sf) =	vpush v62, $0x7  }
0xaf: {  	s25 =	sshrl.u32 s25, $0x3;
	s30 =	spop (v2sf);
	(v2sf) =	vpush v63, $0x7  }
0xb0: {  	s28 =	sadd.s32 $0xC500, s24;
	s25 =	sadd.s32 s6, s25  }
0xb1: {  	[tilespmem:s28], [sflag:$0x1] =	stream.linear.gather [hbm4b:s25+s3], $0x80, $0x38;
	[tilespmem:$0x18200] =	vst v63  }
0xb2: {  	s26 =	spop (v2sf);
	(v2sf) =	vpush v7, $0x8  }
0xb3: {  	s28 =	spop (v2sf);
	(v2sf) =	vpush v6, $0x8;
	_ =	sdelay $0x1  }
0xb4: {  	s25 =	sor.u32 s30, s29  }
0xb5: {  	s25 =	sshrl.u32 s25, $0x3  }
0xb6: {  	s31 =	sadd.s32 $0x580, s24;
	s25 =	sadd.s32 s4, s25  }
0xb7: {  	[tilespmem:s31], [sflag:$0x1] =	stream.linear.gather [hbm4b:s25+s3], $0x80, $0x38;
	[tilespmem:$0x18200] =	vst v63  }
0xb8: {  	s25 =	sor.u32 s28, s26;
	s30 =	spop (v2sf);
	(v2sf) =	vpush v5, $0x8  }
0xb9: {  	s25 =	sshrl.u32 s25, $0x3;
	s31 =	spop (v2sf);
	(v2sf) =	vpush v3, $0x8  }
0xba: {  	s29 =	sadd.s32 $0x4580, s24;
	s25 =	sadd.s32 s2, s25  }
0xbb: {  	[tilespmem:s29], [sflag:$0x1] =	stream.linear.gather [hbm4b:s25+s3], $0x80, $0x38;
	[tilespmem:$0x18200] =	vst v63  }
0xbc: {  	s25 =	sor.u32 s31, s30;
	s29 =	spop (v2sf);
	(v2sf) =	vpush v59, $0x8  }
0xbd: {  	s25 =	sshrl.u32 s25, $0x3;
	s30 =	spop (v2sf);
	(v2sf) =	vpush v60, $0x8  }
0xbe: {  	s28 =	sadd.s32 $0x8580, s24;
	s25 =	sadd.s32 s5, s25  }
0xbf: {  	[tilespmem:s28], [sflag:$0x1] =	stream.linear.gather [hbm4b:s25+s3], $0x80, $0x38;
	[tilespmem:$0x18200] =	vst v63  }
0xc0: {  	s26 =	spop (v2sf);
	(v2sf) =	vpush v62, $0x8  }
0xc1: {  	s28 =	spop (v2sf);
	(v2sf) =	vpush v63, $0x8;
	_ =	sdelay $0x1  }
0xc2: {  	s25 =	sor.u32 s30, s29  }
0xc3: {  	s25 =	sshrl.u32 s25, $0x3  }
0xc4: {  	s31 =	sadd.s32 $0xC580, s24;
	s25 =	sadd.s32 s6, s25  }
0xc5: {  	[tilespmem:s31], [sflag:$0x1] =	stream.linear.gather [hbm4b:s25+s3], $0x80, $0x38;
	[tilespmem:$0x18200] =	vst v63  }
0xc6: {  	s25 =	sor.u32 s28, s26;
	s30 =	spop (v2sf);
	(v2sf) =	vpush v7, $0x9  }
0xc7: {  	s25 =	sshrl.u32 s25, $0x3;
	s31 =	spop (v2sf);
	(v2sf) =	vpush v6, $0x9  }
0xc8: {  	s29 =	sadd.s32 $0x600, s24;
	s25 =	sadd.s32 s4, s25  }
0xc9: {  	[tilespmem:s29], [sflag:$0x1] =	stream.linear.gather [hbm4b:s25+s3], $0x80, $0x38;
	[tilespmem:$0x18200] =	vst v63  }
0xca: {  	s25 =	sor.u32 s31, s30;
	s29 =	spop (v2sf);
	(v2sf) =	vpush v5, $0x9  }
0xcb: {  	s25 =	sshrl.u32 s25, $0x3;
	s30 =	spop (v2sf);
	(v2sf) =	vpush v3, $0x9  }
0xcc: {  	s28 =	sadd.s32 $0x4600, s24;
	s25 =	sadd.s32 s2, s25  }
0xcd: {  	[tilespmem:s28], [sflag:$0x1] =	stream.linear.gather [hbm4b:s25+s3], $0x80, $0x38;
	[tilespmem:$0x18200] =	vst v63  }
0xce: {  	s26 =	spop (v2sf);
	(v2sf) =	vpush v59, $0x9  }
0xcf: {  	s28 =	spop (v2sf);
	(v2sf) =	vpush v60, $0x9;
	_ =	sdelay $0x1  }
0xd0: {  	s25 =	sor.u32 s30, s29  }
0xd1: {  	s25 =	sshrl.u32 s25, $0x3  }
0xd2: {  	s31 =	sadd.s32 $0x8600, s24;
	s25 =	sadd.s32 s5, s25  }
0xd3: {  	[tilespmem:s31], [sflag:$0x1] =	stream.linear.gather [hbm4b:s25+s3], $0x80, $0x38;
	[tilespmem:$0x18200] =	vst v63  }
0xd4: {  	s25 =	sor.u32 s28, s26;
	s30 =	spop (v2sf);
	(v2sf) =	vpush v62, $0x9  }
0xd5: {  	s25 =	sshrl.u32 s25, $0x3;
	s31 =	spop (v2sf);
	(v2sf) =	vpush v63, $0x9  }
0xd6: {  	s29 =	sadd.s32 $0xC600, s24;
	s25 =	sadd.s32 s6, s25  }
0xd7: {  	[tilespmem:s29], [sflag:$0x1] =	stream.linear.gather [hbm4b:s25+s3], $0x80, $0x38;
	[tilespmem:$0x18200] =	vst v63  }
0xd8: {  	s25 =	sor.u32 s31, s30;
	s29 =	spop (v2sf);
	(v2sf) =	vpush v7, $0xA  }
0xd9: {  	s25 =	sshrl.u32 s25, $0x3;
	s30 =	spop (v2sf);
	(v2sf) =	vpush v6, $0xA  }
0xda: {  	s28 =	sadd.s32 $0x680, s24;
	s25 =	sadd.s32 s4, s25  }
0xdb: {  	[tilespmem:s28], [sflag:$0x1] =	stream.linear.gather [hbm4b:s25+s3], $0x80, $0x38;
	[tilespmem:$0x18200] =	vst v63  }
0xdc: {  	s26 =	spop (v2sf);
	(v2sf) =	vpush v5, $0xA  }
0xdd: {  	s28 =	spop (v2sf);
	(v2sf) =	vpush v3, $0xA;
	_ =	sdelay $0x1  }
0xde: {  	s25 =	sor.u32 s30, s29  }
0xdf: {  	s25 =	sshrl.u32 s25, $0x3  }
0xe0: {  	s31 =	sadd.s32 $0x4680, s24;
	s25 =	sadd.s32 s2, s25  }
0xe1: {  	[tilespmem:s31], [sflag:$0x1] =	stream.linear.gather [hbm4b:s25+s3], $0x80, $0x38;
	[tilespmem:$0x18200] =	vst v63  }
0xe2: {  	s25 =	sor.u32 s28, s26;
	s30 =	spop (v2sf);
	(v2sf) =	vpush v59, $0xA  }
0xe3: {  	s25 =	sshrl.u32 s25, $0x3;
	s31 =	spop (v2sf);
	(v2sf) =	vpush v60, $0xA  }
0xe4: {  	s29 =	sadd.s32 $0x8680, s24;
	s25 =	sadd.s32 s5, s25  }
0xe5: {  	[tilespmem:s29], [sflag:$0x1] =	stream.linear.gather [hbm4b:s25+s3], $0x80, $0x38;
	[tilespmem:$0x18200] =	vst v63  }
0xe6: {  	s25 =	sor.u32 s31, s30;
	s29 =	spop (v2sf);
	(v2sf) =	vpush v62, $0xA  }
0xe7: {  	s25 =	sshrl.u32 s25, $0x3;
	s30 =	spop (v2sf);
	(v2sf) =	vpush v63, $0xA  }
0xe8: {  	s28 =	sadd.s32 $0xC680, s24;
	s25 =	sadd.s32 s6, s25  }
0xe9: {  	[tilespmem:s28], [sflag:$0x1] =	stream.linear.gather [hbm4b:s25+s3], $0x80, $0x38;
	[tilespmem:$0x18200] =	vst v63  }
0xea: {  	s26 =	spop (v2sf);
	(v2sf) =	vpush v7, $0xB  }
0xeb: {  	s28 =	spop (v2sf);
	(v2sf) =	vpush v6, $0xB;
	_ =	sdelay $0x1  }
0xec: {  	s25 =	sor.u32 s30, s29  }
0xed: {  	s25 =	sshrl.u32 s25, $0x3  }
0xee: {  	s31 =	sadd.s32 $0x700, s24;
	s25 =	sadd.s32 s4, s25  }
0xef: {  	[tilespmem:s31], [sflag:$0x1] =	stream.linear.gather [hbm4b:s25+s3], $0x80, $0x38;
	[tilespmem:$0x18200] =	vst v63  }
0xf0: {  	s25 =	sor.u32 s28, s26;
	s30 =	spop (v2sf);
	(v2sf) =	vpush v5, $0xB  }
0xf1: {  	s25 =	sshrl.u32 s25, $0x3;
	s31 =	spop (v2sf);
	(v2sf) =	vpush v3, $0xB  }
0xf2: {  	s29 =	sadd.s32 $0x4700, s24;
	s25 =	sadd.s32 s2, s25  }
0xf3: {  	[tilespmem:s29], [sflag:$0x1] =	stream.linear.gather [hbm4b:s25+s3], $0x80, $0x38;
	[tilespmem:$0x18200] =	vst v63  }
0xf4: {  	s25 =	sor.u32 s31, s30;
	s29 =	spop (v2sf);
	(v2sf) =	vpush v59, $0xB  }
0xf5: {  	s25 =	sshrl.u32 s25, $0x3;
	s30 =	spop (v2sf);
	(v2sf) =	vpush v60, $0xB  }
0xf6: {  	s28 =	sadd.s32 $0x8700, s24;
	s25 =	sadd.s32 s5, s25  }
0xf7: {  	[tilespmem:s28], [sflag:$0x1] =	stream.linear.gather [hbm4b:s25+s3], $0x80, $0x38;
	[tilespmem:$0x18200] =	vst v63  }
0xf8: {  	s26 =	spop (v2sf);
	(v2sf) =	vpush v62, $0xB  }
0xf9: {  	s28 =	spop (v2sf);
	(v2sf) =	vpush v63, $0xB;
	_ =	sdelay $0x1  }
0xfa: {  	s25 =	sor.u32 s30, s29  }
0xfb: {  	s25 =	sshrl.u32 s25, $0x3  }
0xfc: {  	s31 =	sadd.s32 $0xC700, s24;
	s25 =	sadd.s32 s6, s25  }
0xfd: {  	[tilespmem:s31], [sflag:$0x1] =	stream.linear.gather [hbm4b:s25+s3], $0x80, $0x38;
	[tilespmem:$0x18200] =	vst v63  }
0xfe: {  	s25 =	sor.u32 s28, s26;
	s30 =	spop (v2sf);
	(v2sf) =	vpush v7, $0xC  }
0xff: {  	s25 =	sshrl.u32 s25, $0x3;
	s31 =	spop (v2sf);
	(v2sf) =	vpush v6, $0xC  }
0x100: {  	s29 =	sadd.s32 $0x780, s24;
	s25 =	sadd.s32 s4, s25  }
0x101: {  	[tilespmem:s29], [sflag:$0x1] =	stream.linear.gather [hbm4b:s25+s3], $0x80, $0x38;
	[tilespmem:$0x18200] =	vst v63  }
0x102: {  	s25 =	sor.u32 s31, s30;
	s29 =	spop (v2sf);
	(v2sf) =	vpush v5, $0xC  }
0x103: {  	s25 =	sshrl.u32 s25, $0x3;
	s30 =	spop (v2sf);
	(v2sf) =	vpush v3, $0xC  }
0x104: {  	s28 =	sadd.s32 $0x4780, s24;
	s25 =	sadd.s32 s2, s25  }
0x105: {  	[tilespmem:s28], [sflag:$0x1] =	stream.linear.gather [hbm4b:s25+s3], $0x80, $0x38;
	[tilespmem:$0x18200] =	vst v63  }
0x106: {  	s26 =	spop (v2sf);
	(v2sf) =	vpush v59, $0xC  }
0x107: {  	s28 =	spop (v2sf);
	(v2sf) =	vpush v60, $0xC;
	_ =	sdelay $0x1  }
0x108: {  	s25 =	sor.u32 s30, s29  }
0x109: {  	s25 =	sshrl.u32 s25, $0x3  }
0x10a: {  	s31 =	sadd.s32 $0x8780, s24;
	s25 =	sadd.s32 s5, s25  }
0x10b: {  	[tilespmem:s31], [sflag:$0x1] =	stream.linear.gather [hbm4b:s25+s3], $0x80, $0x38;
	[tilespmem:$0x18200] =	vst v63  }
0x10c: {  	s25 =	sor.u32 s28, s26;
	s30 =	spop (v2sf);
	(v2sf) =	vpush v62, $0xC  }
0x10d: {  	s25 =	sshrl.u32 s25, $0x3;
	s31 =	spop (v2sf);
	(v2sf) =	vpush v63, $0xC  }
0x10e: {  	s29 =	sadd.s32 $0xC780, s24;
	s25 =	sadd.s32 s6, s25  }
0x10f: {  	[tilespmem:s29], [sflag:$0x1] =	stream.linear.gather [hbm4b:s25+s3], $0x80, $0x38;
	[tilespmem:$0x18200] =	vst v63  }
0x110: {  	s25 =	sor.u32 s31, s30;
	s29 =	spop (v2sf);
	(v2sf) =	vpush v7, $0xD  }
0x111: {  	s25 =	sshrl.u32 s25, $0x3;
	s30 =	spop (v2sf);
	(v2sf) =	vpush v6, $0xD  }
0x112: {  	s28 =	sadd.s32 $0x800, s24;
	s25 =	sadd.s32 s4, s25  }
0x113: {  	[tilespmem:s28], [sflag:$0x1] =	stream.linear.gather [hbm4b:s25+s3], $0x80, $0x38;
	[tilespmem:$0x18200] =	vst v63  }
0x114: {  	s26 =	spop (v2sf);
	(v2sf) =	vpush v5, $0xD  }
0x115: {  	s28 =	spop (v2sf);
	(v2sf) =	vpush v3, $0xD;
	_ =	sdelay $0x1  }
0x116: {  	s25 =	sor.u32 s30, s29  }
0x117: {  	s25 =	sshrl.u32 s25, $0x3  }
0x118: {  	s31 =	sadd.s32 $0x4800, s24;
	s25 =	sadd.s32 s2, s25  }
0x119: {  	[tilespmem:s31], [sflag:$0x1] =	stream.linear.gather [hbm4b:s25+s3], $0x80, $0x38;
	[tilespmem:$0x18200] =	vst v63  }
0x11a: {  	s25 =	sor.u32 s28, s26;
	s30 =	spop (v2sf);
	(v2sf) =	vpush v59, $0xD  }
0x11b: {  	s25 =	sshrl.u32 s25, $0x3;
	s31 =	spop (v2sf);
	(v2sf) =	vpush v60, $0xD  }
0x11c: {  	s29 =	sadd.s32 $0x8800, s24;
	s25 =	sadd.s32 s5, s25  }
0x11d: {  	[tilespmem:s29], [sflag:$0x1] =	stream.linear.gather [hbm4b:s25+s3], $0x80, $0x38;
	[tilespmem:$0x18200] =	vst v63  }
0x11e: {  	s25 =	sor.u32 s31, s30;
	s29 =	spop (v2sf);
	(v2sf) =	vpush v62, $0xD  }
0x11f: {  	s25 =	sshrl.u32 s25, $0x3;
	s30 =	spop (v2sf);
	(v2sf) =	vpush v63, $0xD  }
0x120: {  	s28 =	sadd.s32 $0xC800, s24;
	s25 =	sadd.s32 s6, s25  }
0x121: {  	[tilespmem:s28], [sflag:$0x1] =	stream.linear.gather [hbm4b:s25+s3], $0x80, $0x38;
	[tilespmem:$0x18200] =	vst v63  }
0x122: {  	s26 =	spop (v2sf);
	(v2sf) =	vpush v7, $0xE  }
0x123: {  	s28 =	spop (v2sf);
	(v2sf) =	vpush v6, $0xE;
	_ =	sdelay $0x1  }
0x124: {  	s25 =	sor.u32 s30, s29  }
0x125: {  	s25 =	sshrl.u32 s25, $0x3  }
0x126: {  	s31 =	sadd.s32 $0x880, s24;
	s25 =	sadd.s32 s4, s25  }
0x127: {  	[tilespmem:s31], [sflag:$0x1] =	stream.linear.gather [hbm4b:s25+s3], $0x80, $0x38;
	[tilespmem:$0x18200] =	vst v63  }
0x128: {  	s25 =	sor.u32 s28, s26;
	s30 =	spop (v2sf);
	(v2sf) =	vpush v5, $0xE  }
0x129: {  	s25 =	sshrl.u32 s25, $0x3;
	s31 =	spop (v2sf);
	(v2sf) =	vpush v3, $0xE  }
0x12a: {  	s29 =	sadd.s32 $0x4880, s24;
	s25 =	sadd.s32 s2, s25  }
0x12b: {  	[tilespmem:s29], [sflag:$0x1] =	stream.linear.gather [hbm4b:s25+s3], $0x80, $0x38;
	[tilespmem:$0x18200] =	vst v63  }
0x12c: {  	s25 =	sor.u32 s31, s30;
	s29 =	spop (v2sf);
	(v2sf) =	vpush v59, $0xE  }
0x12d: {  	s25 =	sshrl.u32 s25, $0x3;
	s30 =	spop (v2sf);
	(v2sf) =	vpush v60, $0xE  }
0x12e: {  	s28 =	sadd.s32 $0x8880, s24;
	s25 =	sadd.s32 s5, s25  }
0x12f: {  	[tilespmem:s28], [sflag:$0x1] =	stream.linear.gather [hbm4b:s25+s3], $0x80, $0x38;
	[tilespmem:$0x18200] =	vst v63  }
0x130: {  	s26 =	spop (v2sf);
	(v2sf) =	vpush v62, $0xE  }
0x131: {  	s28 =	spop (v2sf);
	(v2sf) =	vpush v63, $0xE;
	_ =	sdelay $0x1  }
0x132: {  	s25 =	sor.u32 s30, s29  }
0x133: {  	s25 =	sshrl.u32 s25, $0x3  }
0x134: {  	s31 =	sadd.s32 $0xC880, s24;
	s25 =	sadd.s32 s6, s25  }
0x135: {  	[tilespmem:s31], [sflag:$0x1] =	stream.linear.gather [hbm4b:s25+s3], $0x80, $0x38;
	[tilespmem:$0x18200] =	vst v63  }
0x136: {  	s25 =	sor.u32 s28, s26;
	s30 =	spop (v2sf);
	(v2sf) =	vpush v7, $0xF  }
0x137: {  	s25 =	sshrl.u32 s25, $0x3;
	s31 =	spop (v2sf);
	(v2sf) =	vpush v6, $0xF  }
0x138: {  	s29 =	sadd.s32 $0x900, s24;
	s25 =	sadd.s32 s4, s25  }
0x139: {  	[tilespmem:s29], [sflag:$0x1] =	stream.linear.gather [hbm4b:s25+s3], $0x80, $0x38;
	[tilespmem:$0x18200] =	vst v63  }
0x13a: {  	s25 =	sor.u32 s31, s30;
	s29 =	spop (v2sf);
	(v2sf) =	vpush v5, $0xF  }
0x13b: {  	s25 =	sshrl.u32 s25, $0x3;
	s30 =	spop (v2sf);
	(v2sf) =	vpush v3, $0xF  }
0x13c: {  	s28 =	sadd.s32 $0x4900, s24;
	s25 =	sadd.s32 s2, s25  }
0x13d: {  	[tilespmem:s28], [sflag:$0x1] =	stream.linear.gather [hbm4b:s25+s3], $0x80, $0x38;
	[tilespmem:$0x18200] =	vst v63  }
0x13e: {  	s26 =	spop (v2sf);
	(v2sf) =	vpush v59, $0xF  }
0x13f: {  	s28 =	spop (v2sf);
	(v2sf) =	vpush v60, $0xF  }
0x140: {  	s25 =	sor.u32 s30, s29  }
0x141: {  	s25 =	sshrl.u32 s25, $0x3  }
0x142: {  	s31 =	sadd.s32 $0x8900, s24;
	s25 =	sadd.s32 s5, s25  }
0x143: {  	[tilespmem:s31], [sflag:$0x1] =	stream.linear.gather [hbm4b:s25+s3], $0x80, $0x38;
	[tilespmem:$0x18200] =	vst v63  }
0x144: {  	s25 =	sor.u32 s28, s26  }
0x145: {  	s25 =	sshrl.u32 s25, $0x3;
	s30 =	spop (v2sf);
	(v2sf) =	vpush v62, $0xF  }
0x146: {  	s29 =	sadd.s32 $0xC900, s24;
	s25 =	sadd.s32 s6, s25;
	s31 =	spop (v2sf);
	(v2sf) =	vpush v63, $0xF  }
0x147: {  	[tilespmem:s29], [sflag:$0x1] =	stream.linear.gather [hbm4b:s25+s3], $0x80, $0x38;
	[tilespmem:$0x18200] =	vst v63  }
0x148: {  	s25 =	sor.u32 s31, s30  }
0x149: {  	s29 =	spop (v2sf);
	s25 =	sshrl.u32 s25, $0x3  }
0x14a: {  	s28 =	sadd.s32 $0x980, s24;
	s30 =	spop (v2sf);
	s25 =	sadd.s32 s4, s25  }
0x14b: {  	[tilespmem:s28], [sflag:$0x1] =	stream.linear.gather [hbm4b:s25+s3], $0x80, $0x38;
	[tilespmem:$0x18200] =	vst v63  }
0x14c: {  	s25 =	sor.u32 s30, s29  }
0x14d: {  	s26 =	spop (v2sf);
	s25 =	sshrl.u32 s25, $0x3  }
0x14e: {  	s31 =	sadd.s32 $0x4980, s24;
	s28 =	spop (v2sf);
	s25 =	sadd.s32 s2, s25  }
0x14f: {  	[tilespmem:s31], [sflag:$0x1] =	stream.linear.gather [hbm4b:s25+s3], $0x80, $0x38;
	[tilespmem:$0x18200] =	vst v63  }
0x150: {  	s25 =	sor.u32 s28, s26  }
0x151: {  	s25 =	sshrl.u32 s25, $0x3  }
0x152: {  	s29 =	sadd.s32 $0x8980, s24;
	s25 =	sadd.s32 s5, s25  }
0x153: {  	[tilespmem:s29], [sflag:$0x1] =	stream.linear.gather [hbm4b:s25+s3], $0x80, $0x38;
	[tilespmem:$0x18200] =	vst v63  }
0x154: {  	p1 =	sne.s32 s23, $0xE000;
	s30 =	spop (v2sf)  }
.Ltmp0:
0x155: {  	s31 =	spop (v2sf);
	(pc) =	sbr.rel @p1 .LBB2_2-.Ltmp0, $4  }
0x156: {  	s22 =	sadd.s32 $0x10, s22;
	s21 =	sadd.s32 $0x10, s21;
	s25 =	sor.u32 s31, s30  }
0x157: {  	s19 =	sadd.s32 $0x10, s19;
	s20 =	sadd.s32 $0x10, s20;
	s25 =	sshrl.u32 s25, $0x3  }
0x158: {  	s23 =	sadd.s32 $0x2000, s23;
	s24 =	sadd.s32 $0xC980, s24;
	s25 =	sadd.s32 s6, s25  }
0x159: {  	[tilespmem:s24], [sflag:$0x1] =	stream.linear.gather [hbm4b:s25+s3], $0x80, $0x38;
	[tilespmem:$0x18200] =	vst v63  }
0x15a: {  	_ =	swait.ge [sflag:s15], $0x80  }
0x15b: {  	[sflag:s15] =	ssyncset.done $0x0  }
0x15c: {  	[sflag:s15] =	ssyncadd.s32 $0xFFFFFF80  }
0x15d: {  	_ =	swait.ge [sflag:s15], $0x80  }
0x15e: {  	[sflag:s15] =	ssyncset.done $0x0  }
0x15f: {  	[sflag:s15] =	ssyncadd.s32 $0xFFFFFF80  }
0x160: {  	_ =	swait.ge [sflag:s15], $0x80  }
0x161: {  	[sflag:s15] =	ssyncset.done $0x0  }
0x162: {  	[sflag:s15] =	ssyncadd.s32 $0xFFFFFF80  }
0x163: {  	_ =	swait.ge [sflag:s15], $0x80  }
0x164: {  	s18 =	sadd.s32 $0xFFFFFFFF, s18;
	[sflag:s15] =	ssyncset.done $0x0  }
.LBB2_4:
0x165: {  	p1 =	sne.s32 s18, $0x1;
	s18 =	sadd.s32 $0xFFFFFFFF, s18;
	[sflag:s15] =	ssyncadd.s32 $0xFFFFFF80  }
0x166: {  	_ =	swait.ge [sflag:s15], $0x80  }
0x167: {  	[sflag:s15] =	ssyncset.done $0x0  }
0x168: {  	[sflag:s15] =	ssyncadd.s32 $0xFFFFFF80  }
0x169: {  	_ =	swait.ge [sflag:s15], $0x80  }
0x16a: {  	[sflag:s15] =	ssyncset.done $0x0  }
0x16b: {  	[sflag:s15] =	ssyncadd.s32 $0xFFFFFF80  }
.Ltmp1:
0x16c: {  	_ =	swait.ge [sflag:s15], $0x80;
	(pc) =	sbr.rel @p1 .LBB2_4-.Ltmp1, $4  }
0x16d: {  	[sflag:s15] =	ssyncset.done $0x0  }
0x16e: {  	[sflag:s15] =	ssyncadd.s32 $0xFFFFFF80  }
0x16f: {  	_ =	swait.ge [sflag:s15], $0x80  }
0x170: {  	[sflag:s15] =	ssyncset.done $0x0  }
0x171: {  	[sflag:s15] =	ssyncadd.s32 $0xFFFFFF80;
	s18 =	simm.s32 @!p0 $0x0;
	s19 =	simm.s32 @!p0 $0xC180  }
0x172: {  	[tilespmem:s19], [sflag:$0x2] =	stream.linear.gather @!p0 [hbm4b:s11+s18], $0x80, $0x38;
	[tilespmem:$0x18200] =	vst v63  }
0x173: {  	s18 =	simm.s32 @!p0 $0x2  }
0x174: {  	_ =	swait.ge @!p0 [sflag:s18], $0x80  }
0x175: {  	[sflag:s18] =	ssyncset.done @!p0 $0x0  }
0x176: {  	[sflag:s18] =	ssyncadd.s32 @!p0 $0xFFFFFF80;
	s18 =	simm.s32 $0xC220  }
0x177: {  	s19 =	simm.s32 $0x220;
	v0 =	vld [tilespmem:s18+$0xFFFFFFE0]  }
0x178: {  	v1 =	vld [tilespmem:s19+$0xFFFFFFE0];
	_ =	sdelay $0x3  }
0x179: {  	s20 =	simm.s32 $0x0  }
0x17a: {  	s21 =	sand.u32 $0x7800, s20;
	s22 =	sand.u32 $0x380, s20;
	v1 =	vadd.f32 v1, v0  }
0x17b: {  	s21 =	sor.u32 s22, s21  }
0x17c: {  	s31 =	simm.s32 $0x4220;
	[tilespmem:s21+$0x10200] =	vst v1  }
0x17d: {  	v1 =	vld [tilespmem:s31+$0xFFFFFFE0];
	_ =	sdelay $0x3  }
0x17e: {  	s21 =	sadd.s32 $0x10200, s21  }
0x17f: {  	s23 =	simm.s32 $0x8220;
	[tilespmem:s21+$0x40] =	vst v1  }
0x180: {  	v1 =	vld [tilespmem:s23+$0xFFFFFFE0];
	_ =	sdelay $0x4  }
0x181: {  	v0 =	vadd.f32 v1, v0;
	_ =	sdelay $0x1  }
0x182: {  	[tilespmem:s21+$0x400] =	vst v0  }
0x183: {  	v0 =	vld [tilespmem:s18+$0xFFFFFFF0]  }
0x184: {  	v1 =	vld [tilespmem:s19+$0xFFFFFFF0];
	_ =	sdelay $0x4  }
0x185: {  	v1 =	vadd.f32 v1, v0;
	_ =	sdelay $0x1  }
0x186: {  	[tilespmem:s21+$0x10] =	vst v1  }
0x187: {  	v1 =	vld [tilespmem:s31+$0xFFFFFFF0];
	_ =	sdelay $0x4  }
0x188: {  	[tilespmem:s21+$0x50] =	vst v1  }
0x189: {  	v1 =	vld [tilespmem:s23+$0xFFFFFFF0];
	_ =	sdelay $0x4  }
0x18a: {  	v0 =	vadd.f32 v1, v0;
	_ =	sdelay $0x1  }
0x18b: {  	[tilespmem:s21+$0x410] =	vst v0  }
0x18c: {  	v0 =	vld [tilespmem:s18+$0x0]  }
0x18d: {  	v1 =	vld [tilespmem:s19+$0x0];
	_ =	sdelay $0x4  }
0x18e: {  	v1 =	vadd.f32 v1, v0;
	_ =	sdelay $0x1  }
0x18f: {  	[tilespmem:s21+$0x20] =	vst v1  }
0x190: {  	v1 =	vld [tilespmem:s31+$0x0];
	_ =	sdelay $0x4  }
0x191: {  	[tilespmem:s21+$0x60] =	vst v1  }
0x192: {  	v1 =	vld [tilespmem:s23+$0x0];
	_ =	sdelay $0x4  }
0x193: {  	v0 =	vadd.f32 v1, v0;
	_ =	sdelay $0x1  }
0x194: {  	[tilespmem:s21+$0x420] =	vst v0  }
0x195: {  	v0 =	vld [tilespmem:s18+$0x10]  }
0x196: {  	v1 =	vld [tilespmem:s19+$0x10];
	_ =	sdelay $0x4  }
0x197: {  	v1 =	vadd.f32 v1, v0;
	_ =	sdelay $0x1  }
0x198: {  	[tilespmem:s21+$0x30] =	vst v1  }
0x199: {  	v1 =	vld [tilespmem:s31+$0x10];
	_ =	sdelay $0x4  }
0x19a: {  	[tilespmem:s21+$0x70] =	vst v1  }
0x19b: {  	v1 =	vld [tilespmem:s23+$0x10];
	_ =	sdelay $0x2  }
0x19c: {  	s24 =	simm.s32 $0x82A0;
	s22 =	simm.s32 $0x80;
	s23 =	simm.s32 $0x42A0  }
.LBB2_6:
0x19d: {  	s20 =	sadd.s32 $0x100, s20;
	s18 =	sadd.s32 $0x80, s18;
	s19 =	sadd.s32 $0x80, s19  }
0x19e: {  	p1 =	sne.s32 s22, $0x3F80;
	s25 =	smov.u32 s22;
	s22 =	sadd.s32 $0x80, s22;
	v0 =	vadd.f32 v1, v0  }
0x19f: {  	_ = 	snop  }
0x1a0: {  	[tilespmem:s21+$0x430] =	vst v0  }
0x1a1: {  	v0 =	vld [tilespmem:s18+$0xFFFFFFE0]  }
0x1a2: {  	v1 =	vld [tilespmem:s19+$0xFFFFFFE0];
	_ =	sdelay $0x4  }
0x1a3: {  	s25 =	sand.u32 $0x380, s25;
	s21 =	sand.u32 $0x7800, s20;
	v1 =	vadd.f32 v1, v0  }
0x1a4: {  	s21 =	sor.u32 s25, s21  }
0x1a5: {  	[tilespmem:s21+$0x10200] =	vst v1  }
0x1a6: {  	v1 =	vld [tilespmem:s23+$0xFFFFFFE0];
	_ =	sdelay $0x3  }
0x1a7: {  	s21 =	sadd.s32 $0x10200, s21  }
0x1a8: {  	[tilespmem:s21+$0x40] =	vst v1  }
0x1a9: {  	v1 =	vld [tilespmem:s24+$0xFFFFFFE0];
	_ =	sdelay $0x4  }
0x1aa: {  	v0 =	vadd.f32 v1, v0;
	_ =	sdelay $0x1  }
0x1ab: {  	[tilespmem:s21+$0x400] =	vst v0  }
0x1ac: {  	v0 =	vld [tilespmem:s18+$0xFFFFFFF0]  }
0x1ad: {  	v1 =	vld [tilespmem:s19+$0xFFFFFFF0];
	_ =	sdelay $0x4  }
0x1ae: {  	v1 =	vadd.f32 v1, v0;
	_ =	sdelay $0x1  }
0x1af: {  	[tilespmem:s21+$0x10] =	vst v1  }
0x1b0: {  	v1 =	vld [tilespmem:s23+$0xFFFFFFF0];
	_ =	sdelay $0x4  }
0x1b1: {  	[tilespmem:s21+$0x50] =	vst v1  }
0x1b2: {  	v1 =	vld [tilespmem:s24+$0xFFFFFFF0];
	_ =	sdelay $0x4  }
0x1b3: {  	v0 =	vadd.f32 v1, v0;
	_ =	sdelay $0x1  }
0x1b4: {  	[tilespmem:s21+$0x410] =	vst v0  }
0x1b5: {  	v0 =	vld [tilespmem:s18+$0x0]  }
0x1b6: {  	v1 =	vld [tilespmem:s19+$0x0];
	_ =	sdelay $0x4  }
0x1b7: {  	v1 =	vadd.f32 v1, v0;
	_ =	sdelay $0x1  }
0x1b8: {  	[tilespmem:s21+$0x20] =	vst v1  }
0x1b9: {  	v1 =	vld [tilespmem:s23+$0x0];
	_ =	sdelay $0x4  }
0x1ba: {  	[tilespmem:s21+$0x60] =	vst v1  }
0x1bb: {  	v1 =	vld [tilespmem:s24+$0x0];
	_ =	sdelay $0x4  }
0x1bc: {  	v0 =	vadd.f32 v1, v0;
	_ =	sdelay $0x1  }
0x1bd: {  	[tilespmem:s21+$0x420] =	vst v0  }
0x1be: {  	v0 =	vld [tilespmem:s18+$0x10]  }
0x1bf: {  	v1 =	vld [tilespmem:s19+$0x10];
	_ =	sdelay $0x4  }
0x1c0: {  	v1 =	vadd.f32 v1, v0;
	_ =	sdelay $0x1  }
0x1c1: {  	[tilespmem:s21+$0x30] =	vst v1  }
0x1c2: {  	v1 =	vld [tilespmem:s23+$0x10];
	_ =	sdelay $0x4  }
.Ltmp2:
0x1c3: {  	[tilespmem:s21+$0x70] =	vst v1;
	(pc) =	sbr.rel @p1 .LBB2_6-.Ltmp2, $2  }
0x1c4: {  	v1 =	vld [tilespmem:s24+$0x10];
	_ =	sdelay $0x2  }
0x1c5: {  	s23 =	sadd.s32 $0x80, s23;
	s24 =	sadd.s32 $0x80, s24  }
0x1c6: {  	_ = 	snop  }
0x1c7: {  	s17 =	sadd.s32 $0x1, s17;
	v0 =	vadd.f32 v1, v0  }
0x1c8: {  	p1 =	sne.s32 s17, s13  }
.Ltmp3:
0x1c9: {  	[tilespmem:s21+$0x430] =	vst v0;
	(pc) =	sbr.rel @p1 .LBB2_1-.Ltmp3, $4  }
0x1ca: {  	[hbm4b:s12+s3] =	stream.linear.scatter [tilespmem:s16], [sflag:$0x2], $0x8000, $0x38;
	[tilespmem:$0x18200] =	vst v63  }
0x1cb: {  	_ =	swait.ge [sflag:s14], $0x8000  }
0x1cc: {  	[sflag:s14] =	ssyncset.done $0x0  }
0x1cd: {  	[sflag:s14] =	ssyncadd.s32 $0xFFFF8000  }
0x1ce: {  	_ =	sfence.sel $0x180000  }
0x1cf: {  	[bflag:$0x0] =	sbarrier.arrive $0xFFFF  }
0x1d0: {  	p0 =	sne.s32 s1, $0x0;
	_ =	strace $0x90000047  }
0x1d1: {  	s0 =	sadd.s32 @!p0 $0x100000, s0;
	[bflag:$0x2] =	sbarrier.arrive $0xFFFF  }
0x1d2: {  	[sflag:s0] =	ssyncadd.tile.s32 @!p0 $0x1;
	_ =	shalt  }
.Lfunc_end2:
_tile_overlayer_lowered:
.L_overlay_start_2:
0x1d3: {  	(tag) =	ssettag $0x2  }
0x1d4: {  	s0 =	rddreg [dreg:$0x0];
	s2 =	stileid.u32  }
0x1d5: {  	s1 =	rddreg [dreg:$0x1];
	p0 =	sne.s32 s2, $0x0  }
0x1d6: {  	s3 =	rddreg [dreg:$0x2];
	[bflag:$0x3] =	sbarrier.arrive $0xFFFF;
	s2 =	simm.s32 @!p0 $0x1C02  }
0x1d7: {  	[timem:s3], [sflag:s2] =	dma.local @!p0 [hbm:s0], s1  }
0x1d8: {  	s0 =	simm.s32 @!p0 $0x2  }
0x1d9: {  	_ =	swait.ge @!p0 [sflag:s0], s1  }
0x1da: {  	s1 =	ssub.s32 @!p0 $0x0, s1;
	[sflag:s0] =	ssyncset.done @!p0 $0x0  }
0x1db: {  	[sflag:s0] =	ssyncadd.s32 @!p0 s1  }
0x1dc: {  	[bflag:$0x3] =	sbarrier.arrive $0xFFFF  }
0x1dd: {  	_ =	shalt  }

</sc_bundles>
